<compile_context>
chip_gen: v7x
topology: tpu7x:2x2x1
jax: 0.10.2.dev20260603
libtpu: 0.0.44.dev20260713+nightly
codegen_flags: <defaults>
</compile_context>

<pallas_src>
import functools

import jax
import jax.numpy as jnp
from jax import lax
from jax.experimental import pallas as pl
from jax.experimental.pallas import tpu as pltpu
from jax.experimental.pallas import tpu_sc as plsc

N = 100000
N_PAD = 102400
E = 1600000
E_PAD = 1638400
H = 128
D_IN = 16
G = 64
G_PAD = 128
NC = 2
NS = 16
NW = NC * NS
CH = 16
NCH = H // CH
EB = 1024
NEB = E_PAD // NW // EB
ROWS_PER_TILE = N_PAD // NS

_mesh = plsc.VectorSubcoreMesh(core_axis_name="c", subcore_axis_name="s")



@functools.partial(
    pl.kernel,
    out_type=jax.ShapeDtypeStruct((NC, NCH + 1, N_PAD, CH), jnp.float32),
    mesh=_mesh,
    scratch_types=[
        pltpu.VMEM((EB,), jnp.int32),
        pltpu.VMEM((EB,), jnp.int32),
        pltpu.VMEM((EB // 128, 128), jnp.int32),
        pltpu.VMEM((EB, CH), jnp.float32),
        pltpu.VMEM((400, CH), jnp.float32),
        pltpu.VMEM((128, CH), jnp.float32),
        pltpu.VMEM_SHARED((N_PAD, CH), jnp.float32),
        pltpu.SemaphoreType.DMA,
    ],
    compiler_params=pltpu.CompilerParams(use_tc_tiling_on_sc=False),
)
def _sc_agg(h_flat, src, dst2d, zeros_hbm, ones_hbm, agg_out,
            src_v, idx_v, dst_v, rows_v, zbuf, ones_v, acc, sem):
    cid = lax.axis_index("c")
    sid = lax.axis_index("s")
    wid = sid * NC + cid

    pltpu.sync_copy(zeros_hbm, zbuf)
    pltpu.sync_copy(ones_hbm, ones_v)

    def zero_acc():
        def zrow(r, _):
            pltpu.sync_copy(
                zbuf,
                acc.at[pl.ds(pl.multiple_of(sid * ROWS_PER_TILE + r * 400, 400),
                             400), :])
            return 0
        lax.fori_loop(0, ROWS_PER_TILE // 400, zrow, 0)

    def writeout(k):
        for r in range(ROWS_PER_TILE // 3200):
            row0 = sid * ROWS_PER_TILE + r * 3200
            pltpu.sync_copy(acc.at[pl.ds(row0, 3200), :],
                            agg_out.at[cid, k, pl.ds(row0, 3200), :])

    def load_dst(off):
        pltpu.sync_copy(
            dst2d.at[pl.ds(pl.multiple_of(off // 128, EB // 128), EB // 128), :],
            dst_v)

    def chunk_body(k, _):
        zero_acc()
        plsc.subcore_barrier()

        def edge_block(b, _):
            off = pl.multiple_of(wid * (E_PAD // NW) + b * EB, EB)
            pltpu.sync_copy(src.at[pl.ds(off, EB)], src_v)
            load_dst(off)
            for i in range(EB // 16):
                s = src_v[pl.ds(i * 16, 16)]
                idx_v[pl.ds(i * 16, 16)] = s * NCH + k
            descs = []
            for j in range(EB // 128):
                descs.append(pltpu.async_copy(
                    h_flat.at[idx_v.at[pl.ds(j * 128, 128)]],
                    rows_v.at[pl.ds(j * 128, 128), :], sem))
            for d in descs:
                d.wait()
            for j in range(EB // 128):
                pltpu.sync_copy(rows_v.at[pl.ds(j * 128, 128), :],
                                acc.at[dst_v.at[j]], add=True)
            return 0

        lax.fori_loop(0, NEB, edge_block, 0)
        plsc.subcore_barrier()
        writeout(k)
        plsc.subcore_barrier()
        return 0

    lax.fori_loop(0, NCH, chunk_body, 0)

    zero_acc()
    plsc.subcore_barrier()

    def deg_block(b, _):
        off = pl.multiple_of(wid * (E_PAD // NW) + b * EB, EB)
        load_dst(off)
        for j in range(EB // 128):
            pltpu.sync_copy(ones_v, acc.at[dst_v.at[j]], add=True)
        return 0

    lax.fori_loop(0, NEB, deg_block, 0)
    plsc.subcore_barrier()
    writeout(NCH)


@functools.partial(
    pl.kernel,
    out_type=(jax.ShapeDtypeStruct((NC, G_PAD, H), jnp.float32),
              jax.ShapeDtypeStruct((NC, G_PAD, CH), jnp.float32)),
    mesh=_mesh,
    scratch_types=[
        pltpu.VMEM((128, H), jnp.float32),
        pltpu.VMEM((N_PAD // NW // 128, 128), jnp.int32),
        pltpu.VMEM((128, CH), jnp.float32),
        pltpu.VMEM_SHARED((G_PAD, H), jnp.float32),
        pltpu.VMEM_SHARED((G_PAD, CH), jnp.float32),
    ],
    compiler_params=pltpu.CompilerParams(use_tc_tiling_on_sc=False),
)
def _sc_pool(h3, batch3d, zeros_s, zeros_c, ones_hbm, sums_out, cnts_out,
             hbuf, bidx, ones_v, acc_s, acc_c):
    cid = lax.axis_index("c")
    sid = lax.axis_index("s")
    wid = sid * NC + cid

    pltpu.sync_copy(ones_hbm, ones_v)

    @pl.when(sid == 0)
    def _():
        pltpu.sync_copy(zeros_s, acc_s)
        pltpu.sync_copy(zeros_c, acc_c)
    plsc.subcore_barrier()

    pltpu.sync_copy(batch3d.at[wid], bidx)

    def block(b, _):
        row0 = pl.multiple_of(wid * (N_PAD // NW) + b * 128, 128)
        pltpu.sync_copy(h3.at[pl.ds(row0, 128), :], hbuf)
        pltpu.sync_copy(hbuf, acc_s.at[bidx.at[b]], add=True)
        pltpu.sync_copy(ones_v, acc_c.at[bidx.at[b]], add=True)
        return 0

    lax.fori_loop(0, N_PAD // NW // 128, block, 0)
    plsc.subcore_barrier()

    @pl.when(sid == 0)
    def _():
        pltpu.sync_copy(acc_s, sums_out.at[cid])
        pltpu.sync_copy(acc_c, cnts_out.at[cid])



_RB = 512
_NRB = N_PAD // _RB


def _emb_body(x_ref, w_ref, b_ref, o_ref):
    o_ref[...] = jnp.dot(x_ref[...], w_ref[...],
                         preferred_element_type=jnp.float32,
                         precision=lax.Precision.HIGHEST) + b_ref[...]


def _tc_emb(x_pad, w, b):
    return pl.pallas_call(
        _emb_body,
        grid=(_NRB,),
        in_specs=[
            pl.BlockSpec((_RB, D_IN), lambda i: (i, 0)),
            pl.BlockSpec((D_IN, H), lambda i: (0, 0)),
            pl.BlockSpec((1, H), lambda i: (0, 0)),
        ],
        out_specs=pl.BlockSpec((_RB, H), lambda i: (i, 0)),
        out_shape=jax.ShapeDtypeStruct((N_PAD, H), jnp.float32),
    )(x_pad, w, b)


def _layer_body(aggA_ref, aggB_ref, degA_ref, degB_ref, h_ref,
                wl_ref, bl_ref, wr_ref, o_ref):
    d = degA_ref[0, 0][:, 0:1] + degB_ref[0, 0][:, 0:1]
    inv = 1.0 / jnp.maximum(d, 1.0)
    agg = jnp.concatenate(
        [aggA_ref[0, j] + aggB_ref[0, j] for j in range(NCH)], axis=-1)
    mean = agg * inv
    z = (jnp.dot(mean, wl_ref[...], preferred_element_type=jnp.float32,
                 precision=lax.Precision.HIGHEST)
         + bl_ref[...]
         + jnp.dot(h_ref[...], wr_ref[...], preferred_element_type=jnp.float32,
                   precision=lax.Precision.HIGHEST))
    o_ref[...] = jnp.maximum(z, 0.0)


def _tc_layer(agg_parts, h, wl, bl, wr):
    return pl.pallas_call(
        _layer_body,
        grid=(_NRB,),
        in_specs=[
            pl.BlockSpec((1, NCH, _RB, CH), lambda i: (0, 0, i, 0)),
            pl.BlockSpec((1, NCH, _RB, CH), lambda i: (1, 0, i, 0)),
            pl.BlockSpec((1, 1, _RB, CH), lambda i: (0, NCH, i, 0)),
            pl.BlockSpec((1, 1, _RB, CH), lambda i: (1, NCH, i, 0)),
            pl.BlockSpec((_RB, H), lambda i: (i, 0)),
            pl.BlockSpec((H, H), lambda i: (0, 0)),
            pl.BlockSpec((1, H), lambda i: (0, 0)),
            pl.BlockSpec((H, H), lambda i: (0, 0)),
        ],
        out_specs=pl.BlockSpec((_RB, H), lambda i: (i, 0)),
        out_shape=jax.ShapeDtypeStruct((N_PAD, H), jnp.float32),
    )(agg_parts, agg_parts, agg_parts, agg_parts, h, wl, bl, wr)


def _head_body(s_ref, c_ref, w1_ref, b1_ref, w2_ref, o_ref):
    s = s_ref[0] + s_ref[1]
    c = c_ref[0][:, 0:1] + c_ref[1][:, 0:1]
    pooled = s * (1.0 / jnp.maximum(c, 1.0))
    z = jnp.maximum(
        jnp.dot(pooled, w1_ref[...], preferred_element_type=jnp.float32,
                precision=lax.Precision.HIGHEST) + b1_ref[...], 0.0)
    o_ref[...] = jnp.dot(z, w2_ref[...], preferred_element_type=jnp.float32,
                         precision=lax.Precision.HIGHEST)


def _tc_head(sums, cnts, w1, b1, w2p):
    return pl.pallas_call(
        _head_body,
        grid=(1,),
        in_specs=[
            pl.BlockSpec((NC, G_PAD, H), lambda i: (0, 0, 0)),
            pl.BlockSpec((NC, G_PAD, CH), lambda i: (0, 0, 0)),
            pl.BlockSpec((H, H), lambda i: (0, 0)),
            pl.BlockSpec((1, H), lambda i: (0, 0)),
            pl.BlockSpec((H, H), lambda i: (0, 0)),
        ],
        out_specs=pl.BlockSpec((G_PAD, H), lambda i: (0, 0)),
        out_shape=jax.ShapeDtypeStruct((G_PAD, H), jnp.float32),
    )(sums, cnts, w1, b1, w2p)



@jax.jit
def _impl(x, edge_index, batch, W_emb, b_emb, Wl1, bl1, Wr1, Wl2, bl2, Wr2,
          Wl3, bl3, Wr3, W1, b1, W2, b2):
    src = edge_index[0].astype(jnp.int32)
    dst = edge_index[1].astype(jnp.int32)
    src_pad = jnp.concatenate([src, jnp.zeros((E_PAD - E,), jnp.int32)])
    dst_pad = jnp.concatenate([dst, jnp.full((E_PAD - E,), N, jnp.int32)])
    dst2d = dst_pad.reshape(E_PAD // 128, 128)
    batch3d = jnp.concatenate(
        [batch.astype(jnp.int32), jnp.full((N_PAD - N,), G, jnp.int32)]
    ).reshape(NW, N_PAD // NW // 128, 128)
    x_pad = jnp.pad(x, ((0, N_PAD - N), (0, 0)))

    zeros400 = jnp.zeros((400, CH), jnp.float32)
    ones128 = jnp.ones((128, CH), jnp.float32)
    zeros_s = jnp.zeros((G_PAD, H), jnp.float32)
    zeros_c = jnp.zeros((G_PAD, CH), jnp.float32)

    h0 = _tc_emb(x_pad, W_emb, b_emb.reshape(1, H))

    wls = jnp.stack([Wl1, Wl2, Wl3])
    bls = jnp.stack([bl1.reshape(1, H), bl2.reshape(1, H), bl3.reshape(1, H)])
    wrs = jnp.stack([Wr1, Wr2, Wr3])

    def layer_step(h, ws):
        wl, bl, wr = ws
        agg_parts = _sc_agg(h.reshape(N_PAD * NCH, CH), src_pad, dst2d,
                            zeros400, ones128)
        return _tc_layer(agg_parts, h, wl, bl, wr), 0.0

    h, _ = lax.scan(layer_step, h0, (wls, bls, wrs))

    sums, cnts = _sc_pool(h, batch3d, zeros_s, zeros_c, ones128)
    w2p = jnp.pad(W2, ((0, 0), (0, H - 1)))
    out = _tc_head(sums, cnts, W1, b1.reshape(1, H), w2p)
    return out[:G, 0] + b2[0]


def kernel(x, edge_index, batch, W_emb, b_emb, Wl1, bl1, Wr1, Wl2, bl2, Wr2,
           Wl3, bl3, Wr3, W1, b1, W2, b2):
    return _impl(x, edge_index, batch, W_emb, b_emb, Wl1, bl1, Wr1,
                 Wl2, bl2, Wr2, Wl3, bl3, Wr3, W1, b1, W2, b2)

# --- scband reference (transcript-rebuilt; emitter-appended) ---
"""Pipeline reference for scband-formation-energy-gnn-87196426043465 (READ-ONLY COPY).

The authoritative reference and input builder live on the scoring server;
editing this copy changes nothing except your own understanding.
"""

import jax, jax.numpy as jnp
import numpy as np

N_NODES = 100000
N_EDGES = 1600000
N_GRAPHS = 64
D_IN = 16
H = 128

def setup_inputs(seed: int = 0) -> dict:
    key = jax.random.key(seed)
    ks = jax.random.split(key, 20)
    x = jax.random.normal(ks[0], (N_NODES, D_IN), dtype=jnp.float32)
    edge_index = jax.random.randint(ks[1], (2, N_EDGES), 0, N_NODES, dtype=jnp.int64)
    batch = jnp.sort(jax.random.randint(ks[2], (N_NODES,), 0, N_GRAPHS, dtype=jnp.int64))
    def lin(k, fan_in, fan_out):
        s = 1.0 / np.sqrt(fan_in)
        return jax.random.uniform(k, (fan_in, fan_out), minval=-s, maxval=s, dtype=jnp.float32)
    W_emb = lin(ks[3], D_IN, H); b_emb = jnp.zeros((H,), jnp.float32)
    Wl1 = lin(ks[4], H, H); bl1 = jnp.zeros((H,), jnp.float32); Wr1 = lin(ks[5], H, H)
    Wl2 = lin(ks[6], H, H); bl2 = jnp.zeros((H,), jnp.float32); Wr2 = lin(ks[7], H, H)
    Wl3 = lin(ks[8], H, H); bl3 = jnp.zeros((H,), jnp.float32); Wr3 = lin(ks[9], H, H)
    W1 = lin(ks[10], H, H); b1 = jnp.zeros((H,), jnp.float32)
    W2 = lin(ks[11], H, 1); b2 = jnp.zeros((1,), jnp.float32)
    return {"x": x, "edge_index": edge_index, "batch": batch,
            "W_emb": W_emb, "b_emb": b_emb,
            "Wl1": Wl1, "bl1": bl1, "Wr1": Wr1,
            "Wl2": Wl2, "bl2": bl2, "Wr2": Wr2,
            "Wl3": Wl3, "bl3": bl3, "Wr3": Wr3,
            "W1": W1, "b1": b1, "W2": W2, "b2": b2}

def _sage_conv(x, edge_index, Wl, bl, Wr):
    src = edge_index[0]
    dst = edge_index[1]
    msgs = jnp.take(x, src, axis=0)
    agg = jax.ops.segment_sum(msgs, dst, num_segments=N_NODES)
    cnt = jax.ops.segment_sum(jnp.ones((msgs.shape[0], 1), x.dtype), dst, num_segments=N_NODES)
    mean = agg / jnp.maximum(cnt, 1.0)
    return mean @ Wl + bl + x @ Wr

def reference(x, edge_index, batch, W_emb, b_emb, Wl1, bl1, Wr1, Wl2, bl2, Wr2, Wl3, bl3, Wr3, W1, b1, W2, b2):
    h = x @ W_emb + b_emb
    h = jax.nn.relu(_sage_conv(h, edge_index, Wl1, bl1, Wr1))
    h = jax.nn.relu(_sage_conv(h, edge_index, Wl2, bl2, Wr2))
    h = jax.nn.relu(_sage_conv(h, edge_index, Wl3, bl3, Wr3))
    s = jax.ops.segment_sum(h, batch, num_segments=N_GRAPHS)
    c = jax.ops.segment_sum(jnp.ones((h.shape[0], 1), h.dtype), batch, num_segments=N_GRAPHS)
    pooled = s / jnp.maximum(c, 1.0)
    out = jax.nn.relu(pooled @ W1 + b1) @ W2 + b2
    return out.squeeze(-1)

if __name__ == "__main__":
    import jax
    _d = setup_inputs()
    print(jax.jit(kernel)(*tuple(_d.values())))

</pallas_src>

<mosaic_0001>
#map = affine_map<(d0, d1) -> (0, 0)>
#map1 = affine_map<(d0, d1) -> (0, 0, 0)>
module attributes {stable_mosaic.version = 14 : i64} {
  func.func @_sc_pool(%arg0: i32, %arg1: i32, %arg2: memref<102400x128xf32, #tpu.memory_space<hbm>>, %arg3: memref<32x25x128xi32, #tpu.memory_space<hbm>>, %arg4: memref<128x128xf32, #tpu.memory_space<hbm>>, %arg5: memref<128x16xf32, #tpu.memory_space<hbm>>, %arg6: memref<128x16xf32, #tpu.memory_space<hbm>>, %arg7: memref<2x128x128xf32, #tpu.memory_space<hbm>>, %arg8: memref<2x128x16xf32, #tpu.memory_space<hbm>>, %arg9: memref<128x128xf32, #tpu.memory_space<vmem>>, %arg10: memref<25x128xi32, #tpu.memory_space<vmem>>, %arg11: memref<128x16xf32, #tpu.memory_space<vmem>>, %arg12: memref<128x128xf32, #tpu.memory_space<vmem_shared>>, %arg13: memref<128x16xf32, #tpu.memory_space<vmem_shared>>) attributes {dimension_semantics = [#tpu.dimension_semantics<core_parallel>, #tpu.dimension_semantics<subcore_parallel>], iteration_bounds = array<i64: 2, 16>, scalar_prefetch = 0 : i64, scratch_operands = 5 : i64, tpu.core_type = #tpu.core_type<sc_vector_subcore>, window_params = [{transform_indices = #map}, {transform_indices = #map1}, {transform_indices = #map}, {transform_indices = #map}, {transform_indices = #map}, {transform_indices = #map1}, {transform_indices = #map1}]} {
    %mul3A = arith.constant 2 : i32
    %mul3A_0 = arith.muli %arg1, %mul3A : i32
    %add3A = arith.addi %mul3A_0, %arg0 : i32
    "tpu.region"() ({
      %run_scoped3A = tpu.sem_alloc : memref<!tpu.dma_semaphore, #tpu.memory_space<semaphore_mem>>
      tpu.enqueue_dma source(%arg6 : memref<128x16xf32, #tpu.memory_space<hbm>>) target(%arg11 : memref<128x16xf32, #tpu.memory_space<vmem>>) target_semaphore(%run_scoped3A : memref<!tpu.dma_semaphore, #tpu.memory_space<semaphore_mem>>)
      tpu.wait_dma2 semaphore(%run_scoped3A : memref<!tpu.dma_semaphore, #tpu.memory_space<semaphore_mem>>) src(%arg6 : memref<128x16xf32, #tpu.memory_space<hbm>>) dst(%arg11 : memref<128x16xf32, #tpu.memory_space<vmem>>)
      tpu.yield
    }) : () -> ()
    %eq3A = arith.constant 0 : i32
    %eq3A_1 = arith.cmpi eq, %arg1, %eq3A : i32
    %convert_element_type3A = arith.extui %eq3A_1 : i1 to i32
    %cond3A = arith.constant 0 : i32
    %cond3A_2 = arith.cmpi ne, %convert_element_type3A, %cond3A : i32
    scf.if %cond3A_2 {
      "tpu.region"() ({
        %run_scoped3A = tpu.sem_alloc : memref<!tpu.dma_semaphore, #tpu.memory_space<semaphore_mem>>
        tpu.enqueue_dma source(%arg4 : memref<128x128xf32, #tpu.memory_space<hbm>>) target(%arg12 : memref<128x128xf32, #tpu.memory_space<vmem_shared>>) target_semaphore(%run_scoped3A : memref<!tpu.dma_semaphore, #tpu.memory_space<semaphore_mem>>)
        tpu.wait_dma2 semaphore(%run_scoped3A : memref<!tpu.dma_semaphore, #tpu.memory_space<semaphore_mem>>) src(%arg4 : memref<128x128xf32, #tpu.memory_space<hbm>>) dst(%arg12 : memref<128x128xf32, #tpu.memory_space<vmem_shared>>)
        tpu.yield
      }) : () -> ()
      "tpu.region"() ({
        %run_scoped3A = tpu.sem_alloc : memref<!tpu.dma_semaphore, #tpu.memory_space<semaphore_mem>>
        tpu.enqueue_dma source(%arg5 : memref<128x16xf32, #tpu.memory_space<hbm>>) target(%arg13 : memref<128x16xf32, #tpu.memory_space<vmem_shared>>) target_semaphore(%run_scoped3A : memref<!tpu.dma_semaphore, #tpu.memory_space<semaphore_mem>>)
        tpu.wait_dma2 semaphore(%run_scoped3A : memref<!tpu.dma_semaphore, #tpu.memory_space<semaphore_mem>>) src(%arg5 : memref<128x16xf32, #tpu.memory_space<hbm>>) dst(%arg13 : memref<128x16xf32, #tpu.memory_space<vmem_shared>>)
        tpu.yield
      }) : () -> ()
    } else {
    }
    %barrier3A = arith.constant 0 : index
    tpu.barrier barrier_id(%barrier3A)
    "tpu.region"() ({
      %run_scoped3A = tpu.sem_alloc : memref<!tpu.dma_semaphore, #tpu.memory_space<semaphore_mem>>
      %dma_start3A = arith.constant 0 : i32
      %dma_start3A_15 = arith.constant 0 : i32
      %dma_start3A_16 = tpu.memref_slice %arg3[%add3A, %dma_start3A, %dma_start3A_15] : memref<32x25x128xi32, #tpu.memory_space<hbm>> -> memref<1x25x128xi32, #tpu.memory_space<hbm>>
      %dma_start3A_17 = tpu.memref_squeeze %dma_start3A_16 : memref<1x25x128xi32, #tpu.memory_space<hbm>> -> memref<25x128xi32, #tpu.memory_space<hbm>>
      %dma_start3A_18 = arith.constant 0 : i32
      %dma_start3A_19 = arith.constant 0 : i32
      %dma_start3A_20 = tpu.memref_slice %arg3[%add3A, %dma_start3A_18, %dma_start3A_19] : memref<32x25x128xi32, #tpu.memory_space<hbm>> -> memref<1x25x128xi32, #tpu.memory_space<hbm>>
      %dma_start3A_21 = tpu.memref_squeeze %dma_start3A_20 : memref<1x25x128xi32, #tpu.memory_space<hbm>> -> memref<25x128xi32, #tpu.memory_space<hbm>>
      tpu.enqueue_dma source(%dma_start3A_21 : memref<25x128xi32, #tpu.memory_space<hbm>>) target(%arg10 : memref<25x128xi32, #tpu.memory_space<vmem>>) target_semaphore(%run_scoped3A : memref<!tpu.dma_semaphore, #tpu.memory_space<semaphore_mem>>)
      %dma_wait3A = arith.constant 0 : i32
      %dma_wait3A_22 = arith.constant 0 : i32
      %dma_wait3A_23 = tpu.memref_slice %arg3[%add3A, %dma_wait3A, %dma_wait3A_22] : memref<32x25x128xi32, #tpu.memory_space<hbm>> -> memref<1x25x128xi32, #tpu.memory_space<hbm>>
      %dma_wait3A_24 = tpu.memref_squeeze %dma_wait3A_23 : memref<1x25x128xi32, #tpu.memory_space<hbm>> -> memref<25x128xi32, #tpu.memory_space<hbm>>
      %dma_wait3A_25 = arith.constant 0 : i32
      %dma_wait3A_26 = arith.constant 0 : i32
      %dma_wait3A_27 = tpu.memref_slice %arg3[%add3A, %dma_wait3A_25, %dma_wait3A_26] : memref<32x25x128xi32, #tpu.memory_space<hbm>> -> memref<1x25x128xi32, #tpu.memory_space<hbm>>
      %dma_wait3A_28 = tpu.memref_squeeze %dma_wait3A_27 : memref<1x25x128xi32, #tpu.memory_space<hbm>> -> memref<25x128xi32, #tpu.memory_space<hbm>>
      tpu.wait_dma2 semaphore(%run_scoped3A : memref<!tpu.dma_semaphore, #tpu.memory_space<semaphore_mem>>) src(%dma_wait3A_28 : memref<25x128xi32, #tpu.memory_space<hbm>>) dst(%arg10 : memref<25x128xi32, #tpu.memory_space<vmem>>)
      tpu.yield
    }) : () -> ()
    %scan3A = arith.constant 0 : i32
    %scan3A_3 = arith.constant 0 : i32
    %scan3A_4 = arith.constant 25 : i32
    %scan3A_5 = arith.addi %scan3A_3, %scan3A_4 : i32
    %scan3A_6 = arith.constant 1 : i32
    %scan3A_7 = scf.for %scan3A_15 = %scan3A_3 to %scan3A_5 step %scan3A_6 iter_args(%scan3A_16 = %scan3A) -> (i32)  : i32 {
      %mul3A_17 = arith.constant 3200 : i32
      %mul3A_18 = arith.muli %add3A, %mul3A_17 : i32
      %mul3A_19 = arith.constant 128 : i32
      %mul3A_20 = arith.muli %scan3A_15, %mul3A_19 : i32
      %add3A_21 = arith.addi %mul3A_18, %mul3A_20 : i32
      %multiple_of3A = tpu.assume_multiple %add3A_21, 128 : i32
      "tpu.region"() ({
        %run_scoped3A = tpu.sem_alloc : memref<!tpu.dma_semaphore, #tpu.memory_space<semaphore_mem>>
        %dma_start3A = arith.constant 0 : i32
        %dma_start3A_23 = tpu.memref_slice %arg2[%multiple_of3A, %dma_start3A] : memref<102400x128xf32, #tpu.memory_space<hbm>> -> memref<128x128xf32, #tpu.memory_space<hbm>>
        %dma_start3A_24 = arith.constant 0 : i32
        %dma_start3A_25 = tpu.memref_slice %arg2[%multiple_of3A, %dma_start3A_24] : memref<102400x128xf32, #tpu.memory_space<hbm>> -> memref<128x128xf32, #tpu.memory_space<hbm>>
        tpu.enqueue_dma source(%dma_start3A_25 : memref<128x128xf32, #tpu.memory_space<hbm>>) target(%arg9 : memref<128x128xf32, #tpu.memory_space<vmem>>) target_semaphore(%run_scoped3A : memref<!tpu.dma_semaphore, #tpu.memory_space<semaphore_mem>>)
        %dma_wait3A = arith.constant 0 : i32
        %dma_wait3A_26 = tpu.memref_slice %arg2[%multiple_of3A, %dma_wait3A] : memref<102400x128xf32, #tpu.memory_space<hbm>> -> memref<128x128xf32, #tpu.memory_space<hbm>>
        %dma_wait3A_27 = arith.constant 0 : i32
        %dma_wait3A_28 = tpu.memref_slice %arg2[%multiple_of3A, %dma_wait3A_27] : memref<102400x128xf32, #tpu.memory_space<hbm>> -> memref<128x128xf32, #tpu.memory_space<hbm>>
        tpu.wait_dma2 semaphore(%run_scoped3A : memref<!tpu.dma_semaphore, #tpu.memory_space<semaphore_mem>>) src(%dma_wait3A_28 : memref<128x128xf32, #tpu.memory_space<hbm>>) dst(%arg9 : memref<128x128xf32, #tpu.memory_space<vmem>>)
        tpu.yield
      }) : () -> ()
      "tpu.region"() ({
        %run_scoped3A = tpu.sem_alloc : memref<!tpu.dma_semaphore, #tpu.memory_space<semaphore_mem>>
        %dma_start3A = arith.constant 0 : i32
        %dma_start3A_23 = tpu.memref_slice %arg10[%scan3A_15, %dma_start3A] : memref<25x128xi32, #tpu.memory_space<vmem>> -> memref<1x128xi32, #tpu.memory_space<vmem>>
        %dma_start3A_24 = tpu.memref_squeeze %dma_start3A_23 : memref<1x128xi32, #tpu.memory_space<vmem>> -> memref<128xi32, #tpu.memory_space<vmem>>
        %dma_start3A_25 = arith.constant 0 : i32
        %dma_start3A_26 = arith.constant 0 : i32
        %dma_start3A_27 = tpu.memref_slice %arg12[%dma_start3A_25, %dma_start3A_26] : memref<128x128xf32, #tpu.memory_space<vmem_shared>> -> memref<128x128xf32, #tpu.memory_space<vmem_shared>>
        tpu.enqueue_indirect_dma source(%arg9 : memref<128x128xf32, #tpu.memory_space<vmem>>) target(%dma_start3A_27 : memref<128x128xf32, #tpu.memory_space<vmem_shared>>) offsets(%dma_start3A_24 : memref<128xi32, #tpu.memory_space<vmem>>) semaphore(%run_scoped3A : memref<!tpu.dma_semaphore, #tpu.memory_space<semaphore_mem>>) {add = true}
        %dma_wait3A = arith.constant 0 : i32
        %dma_wait3A_28 = tpu.memref_slice %arg10[%scan3A_15, %dma_wait3A] : memref<25x128xi32, #tpu.memory_space<vmem>> -> memref<1x128xi32, #tpu.memory_space<vmem>>
        %dma_wait3A_29 = tpu.memref_squeeze %dma_wait3A_28 : memref<1x128xi32, #tpu.memory_space<vmem>> -> memref<128xi32, #tpu.memory_space<vmem>>
        %dma_wait3A_30 = arith.constant 0 : i32
        %dma_wait3A_31 = arith.constant 0 : i32
        %dma_wait3A_32 = tpu.memref_slice %arg12[%dma_wait3A_30, %dma_wait3A_31] : memref<128x128xf32, #tpu.memory_space<vmem_shared>> -> memref<128x128xf32, #tpu.memory_space<vmem_shared>>
        tpu.wait_indirect_dma semaphore(%run_scoped3A : memref<!tpu.dma_semaphore, #tpu.memory_space<semaphore_mem>>) src(%arg9 : memref<128x128xf32, #tpu.memory_space<vmem>>) dst(%dma_wait3A_32 : memref<128x128xf32, #tpu.memory_space<vmem_shared>>)
        tpu.yield
      }) : () -> ()
      "tpu.region"() ({
        %run_scoped3A = tpu.sem_alloc : memref<!tpu.dma_semaphore, #tpu.memory_space<semaphore_mem>>
        %dma_start3A = arith.constant 0 : i32
        %dma_start3A_23 = tpu.memref_slice %arg10[%scan3A_15, %dma_start3A] : memref<25x128xi32, #tpu.memory_space<vmem>> -> memref<1x128xi32, #tpu.memory_space<vmem>>
        %dma_start3A_24 = tpu.memref_squeeze %dma_start3A_23 : memref<1x128xi32, #tpu.memory_space<vmem>> -> memref<128xi32, #tpu.memory_space<vmem>>
        %dma_start3A_25 = arith.constant 0 : i32
        %dma_start3A_26 = arith.constant 0 : i32
        %dma_start3A_27 = tpu.memref_slice %arg13[%dma_start3A_25, %dma_start3A_26] : memref<128x16xf32, #tpu.memory_space<vmem_shared>> -> memref<128x16xf32, #tpu.memory_space<vmem_shared>>
        tpu.enqueue_indirect_dma source(%arg11 : memref<128x16xf32, #tpu.memory_space<vmem>>) target(%dma_start3A_27 : memref<128x16xf32, #tpu.memory_space<vmem_shared>>) offsets(%dma_start3A_24 : memref<128xi32, #tpu.memory_space<vmem>>) semaphore(%run_scoped3A : memref<!tpu.dma_semaphore, #tpu.memory_space<semaphore_mem>>) {add = true}
        %dma_wait3A = arith.constant 0 : i32
        %dma_wait3A_28 = tpu.memref_slice %arg10[%scan3A_15, %dma_wait3A] : memref<25x128xi32, #tpu.memory_space<vmem>> -> memref<1x128xi32, #tpu.memory_space<vmem>>
        %dma_wait3A_29 = tpu.memref_squeeze %dma_wait3A_28 : memref<1x128xi32, #tpu.memory_space<vmem>> -> memref<128xi32, #tpu.memory_space<vmem>>
        %dma_wait3A_30 = arith.constant 0 : i32
        %dma_wait3A_31 = arith.constant 0 : i32
        %dma_wait3A_32 = tpu.memref_slice %arg13[%dma_wait3A_30, %dma_wait3A_31] : memref<128x16xf32, #tpu.memory_space<vmem_shared>> -> memref<128x16xf32, #tpu.memory_space<vmem_shared>>
        tpu.wait_indirect_dma semaphore(%run_scoped3A : memref<!tpu.dma_semaphore, #tpu.memory_space<semaphore_mem>>) src(%arg11 : memref<128x16xf32, #tpu.memory_space<vmem>>) dst(%dma_wait3A_32 : memref<128x16xf32, #tpu.memory_space<vmem_shared>>)
        tpu.yield
      }) : () -> ()
      %scan3A_22 = arith.constant 0 : i32
      scf.yield %scan3A_22 : i32
    }
    %scan3A_8 = arith.constant 25 : i32
    %barrier3A_9 = arith.constant 0 : index
    tpu.barrier barrier_id(%barrier3A_9)
    %eq3A_10 = arith.constant 0 : i32
    %eq3A_11 = arith.cmpi eq, %arg1, %eq3A_10 : i32
    %convert_element_type3A_12 = arith.extui %eq3A_11 : i1 to i32
    %cond3A_13 = arith.constant 0 : i32
    %cond3A_14 = arith.cmpi ne, %convert_element_type3A_12, %cond3A_13 : i32
    scf.if %cond3A_14 {
      "tpu.region"() ({
        %run_scoped3A = tpu.sem_alloc : memref<!tpu.dma_semaphore, #tpu.memory_space<semaphore_mem>>
        %dma_start3A = arith.constant 0 : i32
        %dma_start3A_15 = arith.constant 0 : i32
        %dma_start3A_16 = tpu.memref_slice %arg7[%arg0, %dma_start3A, %dma_start3A_15] : memref<2x128x128xf32, #tpu.memory_space<hbm>> -> memref<1x128x128xf32, #tpu.memory_space<hbm>>
        %dma_start3A_17 = tpu.memref_squeeze %dma_start3A_16 : memref<1x128x128xf32, #tpu.memory_space<hbm>> -> memref<128x128xf32, #tpu.memory_space<hbm>>
        tpu.enqueue_dma source(%arg12 : memref<128x128xf32, #tpu.memory_space<vmem_shared>>) target(%dma_start3A_17 : memref<128x128xf32, #tpu.memory_space<hbm>>) target_semaphore(%run_scoped3A : memref<!tpu.dma_semaphore, #tpu.memory_space<semaphore_mem>>)
        %dma_wait3A = arith.constant 0 : i32
        %dma_wait3A_18 = arith.constant 0 : i32
        %dma_wait3A_19 = tpu.memref_slice %arg7[%arg0, %dma_wait3A, %dma_wait3A_18] : memref<2x128x128xf32, #tpu.memory_space<hbm>> -> memref<1x128x128xf32, #tpu.memory_space<hbm>>
        %dma_wait3A_20 = tpu.memref_squeeze %dma_wait3A_19 : memref<1x128x128xf32, #tpu.memory_space<hbm>> -> memref<128x128xf32, #tpu.memory_space<hbm>>
        tpu.wait_dma2 semaphore(%run_scoped3A : memref<!tpu.dma_semaphore, #tpu.memory_space<semaphore_mem>>) src(%arg12 : memref<128x128xf32, #tpu.memory_space<vmem_shared>>) dst(%dma_wait3A_20 : memref<128x128xf32, #tpu.memory_space<hbm>>)
        tpu.yield
      }) : () -> ()
      "tpu.region"() ({
        %run_scoped3A = tpu.sem_alloc : memref<!tpu.dma_semaphore, #tpu.memory_space<semaphore_mem>>
        %dma_start3A = arith.constant 0 : i32
        %dma_start3A_15 = arith.constant 0 : i32
        %dma_start3A_16 = tpu.memref_slice %arg8[%arg0, %dma_start3A, %dma_start3A_15] : memref<2x128x16xf32, #tpu.memory_space<hbm>> -> memref<1x128x16xf32, #tpu.memory_space<hbm>>
        %dma_start3A_17 = tpu.memref_squeeze %dma_start3A_16 : memref<1x128x16xf32, #tpu.memory_space<hbm>> -> memref<128x16xf32, #tpu.memory_space<hbm>>
        tpu.enqueue_dma source(%arg13 : memref<128x16xf32, #tpu.memory_space<vmem_shared>>) target(%dma_start3A_17 : memref<128x16xf32, #tpu.memory_space<hbm>>) target_semaphore(%run_scoped3A : memref<!tpu.dma_semaphore, #tpu.memory_space<semaphore_mem>>)
        %dma_wait3A = arith.constant 0 : i32
        %dma_wait3A_18 = arith.constant 0 : i32
        %dma_wait3A_19 = tpu.memref_slice %arg8[%arg0, %dma_wait3A, %dma_wait3A_18] : memref<2x128x16xf32, #tpu.memory_space<hbm>> -> memref<1x128x16xf32, #tpu.memory_space<hbm>>
        %dma_wait3A_20 = tpu.memref_squeeze %dma_wait3A_19 : memref<1x128x16xf32, #tpu.memory_space<hbm>> -> memref<128x16xf32, #tpu.memory_space<hbm>>
        tpu.wait_dma2 semaphore(%run_scoped3A : memref<!tpu.dma_semaphore, #tpu.memory_space<semaphore_mem>>) src(%arg13 : memref<128x16xf32, #tpu.memory_space<vmem_shared>>) dst(%dma_wait3A_20 : memref<128x16xf32, #tpu.memory_space<hbm>>)
        tpu.yield
      }) : () -> ()
    } else {
    }
    return
  }
}

#map = affine_map<(d0, d1) -> (0, 0)>
#map1 = affine_map<(d0, d1) -> (0)>
#map2 = affine_map<(d0, d1) -> (0, 0, 0, 0)>
module attributes {stable_mosaic.version = 14 : i64} {
  func.func @_sc_agg(%arg0: i32, %arg1: i32, %arg2: memref<819200x16xf32, #tpu.memory_space<hbm>>, %arg3: memref<1638400xi32, #tpu.memory_space<hbm>>, %arg4: memref<12800x128xi32, #tpu.memory_space<hbm>>, %arg5: memref<400x16xf32, #tpu.memory_space<hbm>>, %arg6: memref<128x16xf32, #tpu.memory_space<hbm>>, %arg7: memref<2x9x102400x16xf32, #tpu.memory_space<hbm>>, %arg8: memref<1024xi32, #tpu.memory_space<vmem>>, %arg9: memref<1024xi32, #tpu.memory_space<vmem>>, %arg10: memref<8x128xi32, #tpu.memory_space<vmem>>, %arg11: memref<1024x16xf32, #tpu.memory_space<vmem>>, %arg12: memref<400x16xf32, #tpu.memory_space<vmem>>, %arg13: memref<128x16xf32, #tpu.memory_space<vmem>>, %arg14: memref<102400x16xf32, #tpu.memory_space<vmem_shared>>, %arg15: memref<!tpu.dma_semaphore, #tpu.memory_space<semaphore_mem>>) attributes {dimension_semantics = [#tpu.dimension_semantics<core_parallel>, #tpu.dimension_semantics<subcore_parallel>], iteration_bounds = array<i64: 2, 16>, scalar_prefetch = 0 : i64, scratch_operands = 8 : i64, tpu.core_type = #tpu.core_type<sc_vector_subcore>, window_params = [{transform_indices = #map}, {transform_indices = #map1}, {transform_indices = #map}, {transform_indices = #map}, {transform_indices = #map}, {transform_indices = #map2}]} {
    %mul3A = arith.constant 2 : i32
    %mul3A_0 = arith.muli %arg1, %mul3A : i32
    %add3A = arith.addi %mul3A_0, %arg0 : i32
    "tpu.region"() ({
      %run_scoped3A_31 = tpu.sem_alloc : memref<!tpu.dma_semaphore, #tpu.memory_space<semaphore_mem>>
      tpu.enqueue_dma source(%arg5 : memref<400x16xf32, #tpu.memory_space<hbm>>) target(%arg12 : memref<400x16xf32, #tpu.memory_space<vmem>>) target_semaphore(%run_scoped3A_31 : memref<!tpu.dma_semaphore, #tpu.memory_space<semaphore_mem>>)
      tpu.wait_dma2 semaphore(%run_scoped3A_31 : memref<!tpu.dma_semaphore, #tpu.memory_space<semaphore_mem>>) src(%arg5 : memref<400x16xf32, #tpu.memory_space<hbm>>) dst(%arg12 : memref<400x16xf32, #tpu.memory_space<vmem>>)
      tpu.yield
    }) : () -> ()
    "tpu.region"() ({
      %run_scoped3A_31 = tpu.sem_alloc : memref<!tpu.dma_semaphore, #tpu.memory_space<semaphore_mem>>
      tpu.enqueue_dma source(%arg6 : memref<128x16xf32, #tpu.memory_space<hbm>>) target(%arg13 : memref<128x16xf32, #tpu.memory_space<vmem>>) target_semaphore(%run_scoped3A_31 : memref<!tpu.dma_semaphore, #tpu.memory_space<semaphore_mem>>)
      tpu.wait_dma2 semaphore(%run_scoped3A_31 : memref<!tpu.dma_semaphore, #tpu.memory_space<semaphore_mem>>) src(%arg6 : memref<128x16xf32, #tpu.memory_space<hbm>>) dst(%arg13 : memref<128x16xf32, #tpu.memory_space<vmem>>)
      tpu.yield
    }) : () -> ()
    %scan3A = arith.constant 0 : i32
    %scan3A_1 = arith.constant 0 : i32
    %scan3A_2 = arith.constant 8 : i32
    %scan3A_3 = arith.addi %scan3A_1, %scan3A_2 : i32
    %scan3A_4 = arith.constant 1 : i32
    %scan3A_5 = scf.for %scan3A_31 = %scan3A_1 to %scan3A_3 step %scan3A_4 iter_args(%scan3A_32 = %scan3A) -> (i32)  : i32 {
      %scan3A_33 = arith.constant 0 : i32
      %scan3A_34 = arith.constant 0 : i32
      %scan3A_35 = arith.constant 16 : i32
      %scan3A_36 = arith.addi %scan3A_34, %scan3A_35 : i32
      %scan3A_37 = arith.constant 1 : i32
      %scan3A_38 = scf.for %scan3A_59 = %scan3A_34 to %scan3A_36 step %scan3A_37 iter_args(%scan3A_60 = %scan3A_33) -> (i32)  : i32 {
        %mul3A_61 = arith.constant 6400 : i32
        %mul3A_62 = arith.muli %arg1, %mul3A_61 : i32
        %mul3A_63 = arith.constant 400 : i32
        %mul3A_64 = arith.muli %scan3A_59, %mul3A_63 : i32
        %add3A_65 = arith.addi %mul3A_62, %mul3A_64 : i32
        %multiple_of3A = tpu.assume_multiple %add3A_65, 400 : i32
        "tpu.region"() ({
          %run_scoped3A_67 = tpu.sem_alloc : memref<!tpu.dma_semaphore, #tpu.memory_space<semaphore_mem>>
          %dma_start3A = arith.constant 0 : i32
          %dma_start3A_68 = tpu.memref_slice %arg14[%multiple_of3A, %dma_start3A] : memref<102400x16xf32, #tpu.memory_space<vmem_shared>> -> memref<400x16xf32, #tpu.memory_space<vmem_shared>>
          %dma_start3A_69 = arith.constant 0 : i32
          %dma_start3A_70 = tpu.memref_slice %arg14[%multiple_of3A, %dma_start3A_69] : memref<102400x16xf32, #tpu.memory_space<vmem_shared>> -> memref<400x16xf32, #tpu.memory_space<vmem_shared>>
          tpu.enqueue_dma source(%arg12 : memref<400x16xf32, #tpu.memory_space<vmem>>) target(%dma_start3A_70 : memref<400x16xf32, #tpu.memory_space<vmem_shared>>) target_semaphore(%run_scoped3A_67 : memref<!tpu.dma_semaphore, #tpu.memory_space<semaphore_mem>>)
          %dma_wait3A = arith.constant 0 : i32
          %dma_wait3A_71 = tpu.memref_slice %arg14[%multiple_of3A, %dma_wait3A] : memref<102400x16xf32, #tpu.memory_space<vmem_shared>> -> memref<400x16xf32, #tpu.memory_space<vmem_shared>>
          %dma_wait3A_72 = arith.constant 0 : i32
          %dma_wait3A_73 = tpu.memref_slice %arg14[%multiple_of3A, %dma_wait3A_72] : memref<102400x16xf32, #tpu.memory_space<vmem_shared>> -> memref<400x16xf32, #tpu.memory_space<vmem_shared>>
          tpu.wait_dma2 semaphore(%run_scoped3A_67 : memref<!tpu.dma_semaphore, #tpu.memory_space<semaphore_mem>>) src(%arg12 : memref<400x16xf32, #tpu.memory_space<vmem>>) dst(%dma_wait3A_73 : memref<400x16xf32, #tpu.memory_space<vmem_shared>>)
          tpu.yield
        }) : () -> ()
        %scan3A_66 = arith.constant 0 : i32
        scf.yield %scan3A_66 : i32
      }
      %scan3A_39 = arith.constant 16 : i32
      %barrier3A_40 = arith.constant 0 : index
      tpu.barrier barrier_id(%barrier3A_40)
      %scan3A_41 = arith.constant 0 : i32
      %scan3A_42 = arith.constant 0 : i32
      %scan3A_43 = arith.constant 50 : i32
      %scan3A_44 = arith.addi %scan3A_42, %scan3A_43 : i32
      %scan3A_45 = arith.constant 1 : i32
      %scan3A_46 = scf.for %scan3A_59 = %scan3A_42 to %scan3A_44 step %scan3A_45 iter_args(%scan3A_60 = %scan3A_41) -> (i32)  : i32 {
        %mul3A_61 = arith.constant 51200 : i32
        %mul3A_62 = arith.muli %add3A, %mul3A_61 : i32
        %mul3A_63 = arith.constant 1024 : i32
        %mul3A_64 = arith.muli %scan3A_59, %mul3A_63 : i32
        %add3A_65 = arith.addi %mul3A_62, %mul3A_64 : i32
        %multiple_of3A = tpu.assume_multiple %add3A_65, 1024 : i32
        "tpu.region"() ({
          %run_scoped3A_984 = tpu.sem_alloc : memref<!tpu.dma_semaphore, #tpu.memory_space<semaphore_mem>>
          %dma_start3A_985 = tpu.memref_slice %arg3[%multiple_of3A] : memref<1638400xi32, #tpu.memory_space<hbm>> -> memref<1024xi32, #tpu.memory_space<hbm>>
          %dma_start3A_986 = tpu.memref_slice %arg3[%multiple_of3A] : memref<1638400xi32, #tpu.memory_space<hbm>> -> memref<1024xi32, #tpu.memory_space<hbm>>
          tpu.enqueue_dma source(%dma_start3A_986 : memref<1024xi32, #tpu.memory_space<hbm>>) target(%arg8 : memref<1024xi32, #tpu.memory_space<vmem>>) target_semaphore(%run_scoped3A_984 : memref<!tpu.dma_semaphore, #tpu.memory_space<semaphore_mem>>)
          %dma_wait3A_987 = tpu.memref_slice %arg3[%multiple_of3A] : memref<1638400xi32, #tpu.memory_space<hbm>> -> memref<1024xi32, #tpu.memory_space<hbm>>
          %dma_wait3A_988 = tpu.memref_slice %arg3[%multiple_of3A] : memref<1638400xi32, #tpu.memory_space<hbm>> -> memref<1024xi32, #tpu.memory_space<hbm>>
          tpu.wait_dma2 semaphore(%run_scoped3A_984 : memref<!tpu.dma_semaphore, #tpu.memory_space<semaphore_mem>>) src(%dma_wait3A_988 : memref<1024xi32, #tpu.memory_space<hbm>>) dst(%arg8 : memref<1024xi32, #tpu.memory_space<vmem>>)
          tpu.yield
        }) : () -> ()
        %jit3A = arith.constant 128 : i32
        %div3A = arith.divsi %multiple_of3A, %jit3A : i32
        %sign3A = arith.constant 0 : i32
        %sign3A_66 = arith.cmpi sgt, %multiple_of3A, %sign3A : i32
        %sign3A_67 = arith.extui %sign3A_66 : i1 to i32
        %sign3A_68 = arith.constant 0 : i32
        %sign3A_69 = arith.cmpi slt, %multiple_of3A, %sign3A_68 : i32
        %sign3A_70 = arith.extui %sign3A_69 : i1 to i32
        %sign3A_71 = arith.subi %sign3A_67, %sign3A_70 : i32
        %sign3A_72 = arith.constant 0 : i32
        %sign3A_73 = arith.cmpi sgt, %jit3A, %sign3A_72 : i32
        %sign3A_74 = arith.extui %sign3A_73 : i1 to i32
        %sign3A_75 = arith.constant 0 : i32
        %sign3A_76 = arith.cmpi slt, %jit3A, %sign3A_75 : i32
        %sign3A_77 = arith.extui %sign3A_76 : i1 to i32
        %sign3A_78 = arith.subi %sign3A_74, %sign3A_77 : i32
        %ne3A = arith.cmpi ne, %sign3A_71, %sign3A_78 : i32
        %rem3A = arith.remsi %multiple_of3A, %jit3A : i32
        %ne3A_79 = arith.constant 0 : i32
        %ne3A_80 = arith.cmpi ne, %rem3A, %ne3A_79 : i32
        %and3A = arith.andi %ne3A, %ne3A_80 : i1
        %sub3A = arith.constant 1 : i32
        %sub3A_81 = arith.subi %div3A, %sub3A : i32
        %select_n3A = arith.select %and3A, %sub3A_81, %div3A : i32
        %multiple_of3A_82 = tpu.assume_multiple %select_n3A, 8 : i32
        "tpu.region"() ({
          %run_scoped3A_984 = tpu.sem_alloc : memref<!tpu.dma_semaphore, #tpu.memory_space<semaphore_mem>>
          %dma_start3A_985 = arith.constant 0 : i32
          %dma_start3A_986 = tpu.memref_slice %arg4[%multiple_of3A_82, %dma_start3A_985] : memref<12800x128xi32, #tpu.memory_space<hbm>> -> memref<8x128xi32, #tpu.memory_space<hbm>>
          %dma_start3A_987 = arith.constant 0 : i32
          %dma_start3A_988 = tpu.memref_slice %arg4[%multiple_of3A_82, %dma_start3A_987] : memref<12800x128xi32, #tpu.memory_space<hbm>> -> memref<8x128xi32, #tpu.memory_space<hbm>>
          tpu.enqueue_dma source(%dma_start3A_988 : memref<8x128xi32, #tpu.memory_space<hbm>>) target(%arg10 : memref<8x128xi32, #tpu.memory_space<vmem>>) target_semaphore(%run_scoped3A_984 : memref<!tpu.dma_semaphore, #tpu.memory_space<semaphore_mem>>)
          %dma_wait3A_989 = arith.constant 0 : i32
          %dma_wait3A_990 = tpu.memref_slice %arg4[%multiple_of3A_82, %dma_wait3A_989] : memref<12800x128xi32, #tpu.memory_space<hbm>> -> memref<8x128xi32, #tpu.memory_space<hbm>>
          %dma_wait3A_991 = arith.constant 0 : i32
          %dma_wait3A_992 = tpu.memref_slice %arg4[%multiple_of3A_82, %dma_wait3A_991] : memref<12800x128xi32, #tpu.memory_space<hbm>> -> memref<8x128xi32, #tpu.memory_space<hbm>>
          tpu.wait_dma2 semaphore(%run_scoped3A_984 : memref<!tpu.dma_semaphore, #tpu.memory_space<semaphore_mem>>) src(%dma_wait3A_992 : memref<8x128xi32, #tpu.memory_space<hbm>>) dst(%arg10 : memref<8x128xi32, #tpu.memory_space<vmem>>)
          tpu.yield
        }) : () -> ()
        %get3A = arith.constant 0 : index
        %get3A_83 = tpu.vector_load %arg8[%get3A] {strides = array<i32>} : memref<1024xi32, #tpu.memory_space<vmem>>, vector<16xi32>,
        %get3A_84 = vector.shape_cast %get3A_83 : vector<16xi32> to vector<16xi32>
        %mul3A_85 = arith.constant 8 : i32
        %mul3A_86 = vector.broadcast %mul3A_85 : i32 to vector<16xi32>
        %mul3A_87 = arith.muli %get3A_84, %mul3A_86 : vector<16xi32>
        %add3A_88 = vector.broadcast %scan3A_31 : i32 to vector<16xi32>
        %add3A_89 = arith.addi %mul3A_87, %add3A_88 : vector<16xi32>
        %swap3A = arith.constant 0 : index
        %swap3A_90 = tpu.vector_load %arg9[%swap3A] {strides = array<i32>} : memref<1024xi32, #tpu.memory_space<vmem>>, vector<16xi32>,
        %swap3A_91 = vector.shape_cast %swap3A_90 : vector<16xi32> to vector<16xi32>
        %swap3A_92 = vector.shape_cast %add3A_89 : vector<16xi32> to vector<16xi32>
        tpu.vector_store %arg9[%swap3A], %swap3A_92 {strides = array<i32>} : memref<1024xi32, #tpu.memory_space<vmem>>, vector<16xi32>,
        %get3A_93 = arith.constant 16 : index
        %get3A_94 = tpu.vector_load %arg8[%get3A_93] {strides = array<i32>} : memref<1024xi32, #tpu.memory_space<vmem>>, vector<16xi32>,
        %get3A_95 = vector.shape_cast %get3A_94 : vector<16xi32> to vector<16xi32>
        %mul3A_96 = arith.constant 8 : i32
        %mul3A_97 = vector.broadcast %mul3A_96 : i32 to vector<16xi32>
        %mul3A_98 = arith.muli %get3A_95, %mul3A_97 : vector<16xi32>
        %add3A_99 = vector.broadcast %scan3A_31 : i32 to vector<16xi32>
        %add3A_100 = arith.addi %mul3A_98, %add3A_99 : vector<16xi32>
        %swap3A_101 = arith.constant 16 : index
        %swap3A_102 = tpu.vector_load %arg9[%swap3A_101] {strides = array<i32>} : memref<1024xi32, #tpu.memory_space<vmem>>, vector<16xi32>,
        %swap3A_103 = vector.shape_cast %swap3A_102 : vector<16xi32> to vector<16xi32>
        %swap3A_104 = vector.shape_cast %add3A_100 : vector<16xi32> to vector<16xi32>
        tpu.vector_store %arg9[%swap3A_101], %swap3A_104 {strides = array<i32>} : memref<1024xi32, #tpu.memory_space<vmem>>, vector<16xi32>,
        %get3A_105 = arith.constant 32 : index
        %get3A_106 = tpu.vector_load %arg8[%get3A_105] {strides = array<i32>} : memref<1024xi32, #tpu.memory_space<vmem>>, vector<16xi32>,
        %get3A_107 = vector.shape_cast %get3A_106 : vector<16xi32> to vector<16xi32>
        %mul3A_108 = arith.constant 8 : i32
        %mul3A_109 = vector.broadcast %mul3A_108 : i32 to vector<16xi32>
        %mul3A_110 = arith.muli %get3A_107, %mul3A_109 : vector<16xi32>
        %add3A_111 = vector.broadcast %scan3A_31 : i32 to vector<16xi32>
        %add3A_112 = arith.addi %mul3A_110, %add3A_111 : vector<16xi32>
        %swap3A_113 = arith.constant 32 : index
        %swap3A_114 = tpu.vector_load %arg9[%swap3A_113] {strides = array<i32>} : memref<1024xi32, #tpu.memory_space<vmem>>, vector<16xi32>,
        %swap3A_115 = vector.shape_cast %swap3A_114 : vector<16xi32> to vector<16xi32>
        %swap3A_116 = vector.shape_cast %add3A_112 : vector<16xi32> to vector<16xi32>
        tpu.vector_store %arg9[%swap3A_113], %swap3A_116 {strides = array<i32>} : memref<1024xi32, #tpu.memory_space<vmem>>, vector<16xi32>,
        %get3A_117 = arith.constant 48 : index
        %get3A_118 = tpu.vector_load %arg8[%get3A_117] {strides = array<i32>} : memref<1024xi32, #tpu.memory_space<vmem>>, vector<16xi32>,
        %get3A_119 = vector.shape_cast %get3A_118 : vector<16xi32> to vector<16xi32>
        %mul3A_120 = arith.constant 8 : i32
        %mul3A_121 = vector.broadcast %mul3A_120 : i32 to vector<16xi32>
        %mul3A_122 = arith.muli %get3A_119, %mul3A_121 : vector<16xi32>
        %add3A_123 = vector.broadcast %scan3A_31 : i32 to vector<16xi32>
        %add3A_124 = arith.addi %mul3A_122, %add3A_123 : vector<16xi32>
        %swap3A_125 = arith.constant 48 : index
        %swap3A_126 = tpu.vector_load %arg9[%swap3A_125] {strides = array<i32>} : memref<1024xi32, #tpu.memory_space<vmem>>, vector<16xi32>,
        %swap3A_127 = vector.shape_cast %swap3A_126 : vector<16xi32> to vector<16xi32>
        %swap3A_128 = vector.shape_cast %add3A_124 : vector<16xi32> to vector<16xi32>
        tpu.vector_store %arg9[%swap3A_125], %swap3A_128 {strides = array<i32>} : memref<1024xi32, #tpu.memory_space<vmem>>, vector<16xi32>,
        %get3A_129 = arith.constant 64 : index
        %get3A_130 = tpu.vector_load %arg8[%get3A_129] {strides = array<i32>} : memref<1024xi32, #tpu.memory_space<vmem>>, vector<16xi32>,
        %get3A_131 = vector.shape_cast %get3A_130 : vector<16xi32> to vector<16xi32>
        %mul3A_132 = arith.constant 8 : i32
        %mul3A_133 = vector.broadcast %mul3A_132 : i32 to vector<16xi32>
        %mul3A_134 = arith.muli %get3A_131, %mul3A_133 : vector<16xi32>
        %add3A_135 = vector.broadcast %scan3A_31 : i32 to vector<16xi32>
        %add3A_136 = arith.addi %mul3A_134, %add3A_135 : vector<16xi32>
        %swap3A_137 = arith.constant 64 : index
        %swap3A_138 = tpu.vector_load %arg9[%swap3A_137] {strides = array<i32>} : memref<1024xi32, #tpu.memory_space<vmem>>, vector<16xi32>,
        %swap3A_139 = vector.shape_cast %swap3A_138 : vector<16xi32> to vector<16xi32>
        %swap3A_140 = vector.shape_cast %add3A_136 : vector<16xi32> to vector<16xi32>
        tpu.vector_store %arg9[%swap3A_137], %swap3A_140 {strides = array<i32>} : memref<1024xi32, #tpu.memory_space<vmem>>, vector<16xi32>,
        %get3A_141 = arith.constant 80 : index
        %get3A_142 = tpu.vector_load %arg8[%get3A_141] {strides = array<i32>} : memref<1024xi32, #tpu.memory_space<vmem>>, vector<16xi32>,
        %get3A_143 = vector.shape_cast %get3A_142 : vector<16xi32> to vector<16xi32>
        %mul3A_144 = arith.constant 8 : i32
        %mul3A_145 = vector.broadcast %mul3A_144 : i32 to vector<16xi32>
        %mul3A_146 = arith.muli %get3A_143, %mul3A_145 : vector<16xi32>
        %add3A_147 = vector.broadcast %scan3A_31 : i32 to vector<16xi32>
        %add3A_148 = arith.addi %mul3A_146, %add3A_147 : vector<16xi32>
        %swap3A_149 = arith.constant 80 : index
        %swap3A_150 = tpu.vector_load %arg9[%swap3A_149] {strides = array<i32>} : memref<1024xi32, #tpu.memory_space<vmem>>, vector<16xi32>,
        %swap3A_151 = vector.shape_cast %swap3A_150 : vector<16xi32> to vector<16xi32>
        %swap3A_152 = vector.shape_cast %add3A_148 : vector<16xi32> to vector<16xi32>
        tpu.vector_store %arg9[%swap3A_149], %swap3A_152 {strides = array<i32>} : memref<1024xi32, #tpu.memory_space<vmem>>, vector<16xi32>,
        %get3A_153 = arith.constant 96 : index
        %get3A_154 = tpu.vector_load %arg8[%get3A_153] {strides = array<i32>} : memref<1024xi32, #tpu.memory_space<vmem>>, vector<16xi32>,
        %get3A_155 = vector.shape_cast %get3A_154 : vector<16xi32> to vector<16xi32>
        %mul3A_156 = arith.constant 8 : i32
        %mul3A_157 = vector.broadcast %mul3A_156 : i32 to vector<16xi32>
        %mul3A_158 = arith.muli %get3A_155, %mul3A_157 : vector<16xi32>
        %add3A_159 = vector.broadcast %scan3A_31 : i32 to vector<16xi32>
        %add3A_160 = arith.addi %mul3A_158, %add3A_159 : vector<16xi32>
        %swap3A_161 = arith.constant 96 : index
        %swap3A_162 = tpu.vector_load %arg9[%swap3A_161] {strides = array<i32>} : memref<1024xi32, #tpu.memory_space<vmem>>, vector<16xi32>,
        %swap3A_163 = vector.shape_cast %swap3A_162 : vector<16xi32> to vector<16xi32>
        %swap3A_164 = vector.shape_cast %add3A_160 : vector<16xi32> to vector<16xi32>
        tpu.vector_store %arg9[%swap3A_161], %swap3A_164 {strides = array<i32>} : memref<1024xi32, #tpu.memory_space<vmem>>, vector<16xi32>,
        %get3A_165 = arith.constant 112 : index
        %get3A_166 = tpu.vector_load %arg8[%get3A_165] {strides = array<i32>} : memref<1024xi32, #tpu.memory_space<vmem>>, vector<16xi32>,
        %get3A_167 = vector.shape_cast %get3A_166 : vector<16xi32> to vector<16xi32>
        %mul3A_168 = arith.constant 8 : i32
        %mul3A_169 = vector.broadcast %mul3A_168 : i32 to vector<16xi32>
        %mul3A_170 = arith.muli %get3A_167, %mul3A_169 : vector<16xi32>
        %add3A_171 = vector.broadcast %scan3A_31 : i32 to vector<16xi32>
        %add3A_172 = arith.addi %mul3A_170, %add3A_171 : vector<16xi32>
        %swap3A_173 = arith.constant 112 : index
        %swap3A_174 = tpu.vector_load %arg9[%swap3A_173] {strides = array<i32>} : memref<1024xi32, #tpu.memory_space<vmem>>, vector<16xi32>,
        %swap3A_175 = vector.shape_cast %swap3A_174 : vector<16xi32> to vector<16xi32>
        %swap3A_176 = vector.shape_cast %add3A_172 : vector<16xi32> to vector<16xi32>
        tpu.vector_store %arg9[%swap3A_173], %swap3A_176 {strides = array<i32>} : memref<1024xi32, #tpu.memory_space<vmem>>, vector<16xi32>,
        %get3A_177 = arith.constant 128 : index
        %get3A_178 = tpu.vector_load %arg8[%get3A_177] {strides = array<i32>} : memref<1024xi32, #tpu.memory_space<vmem>>, vector<16xi32>,
        %get3A_179 = vector.shape_cast %get3A_178 : vector<16xi32> to vector<16xi32>
        %mul3A_180 = arith.constant 8 : i32
        %mul3A_181 = vector.broadcast %mul3A_180 : i32 to vector<16xi32>
        %mul3A_182 = arith.muli %get3A_179, %mul3A_181 : vector<16xi32>
        %add3A_183 = vector.broadcast %scan3A_31 : i32 to vector<16xi32>
        %add3A_184 = arith.addi %mul3A_182, %add3A_183 : vector<16xi32>
        %swap3A_185 = arith.constant 128 : index
        %swap3A_186 = tpu.vector_load %arg9[%swap3A_185] {strides = array<i32>} : memref<1024xi32, #tpu.memory_space<vmem>>, vector<16xi32>,
        %swap3A_187 = vector.shape_cast %swap3A_186 : vector<16xi32> to vector<16xi32>
        %swap3A_188 = vector.shape_cast %add3A_184 : vector<16xi32> to vector<16xi32>
        tpu.vector_store %arg9[%swap3A_185], %swap3A_188 {strides = array<i32>} : memref<1024xi32, #tpu.memory_space<vmem>>, vector<16xi32>,
        %get3A_189 = arith.constant 144 : index
        %get3A_190 = tpu.vector_load %arg8[%get3A_189] {strides = array<i32>} : memref<1024xi32, #tpu.memory_space<vmem>>, vector<16xi32>,
        %get3A_191 = vector.shape_cast %get3A_190 : vector<16xi32> to vector<16xi32>
        %mul3A_192 = arith.constant 8 : i32
        %mul3A_193 = vector.broadcast %mul3A_192 : i32 to vector<16xi32>
        %mul3A_194 = arith.muli %get3A_191, %mul3A_193 : vector<16xi32>
        %add3A_195 = vector.broadcast %scan3A_31 : i32 to vector<16xi32>
        %add3A_196 = arith.addi %mul3A_194, %add3A_195 : vector<16xi32>
        %swap3A_197 = arith.constant 144 : index
        %swap3A_198 = tpu.vector_load %arg9[%swap3A_197] {strides = array<i32>} : memref<1024xi32, #tpu.memory_space<vmem>>, vector<16xi32>,
        %swap3A_199 = vector.shape_cast %swap3A_198 : vector<16xi32> to vector<16xi32>
        %swap3A_200 = vector.shape_cast %add3A_196 : vector<16xi32> to vector<16xi32>
        tpu.vector_store %arg9[%swap3A_197], %swap3A_200 {strides = array<i32>} : memref<1024xi32, #tpu.memory_space<vmem>>, vector<16xi32>,
        %get3A_201 = arith.constant 160 : index
        %get3A_202 = tpu.vector_load %arg8[%get3A_201] {strides = array<i32>} : memref<1024xi32, #tpu.memory_space<vmem>>, vector<16xi32>,
        %get3A_203 = vector.shape_cast %get3A_202 : vector<16xi32> to vector<16xi32>
        %mul3A_204 = arith.constant 8 : i32
        %mul3A_205 = vector.broadcast %mul3A_204 : i32 to vector<16xi32>
        %mul3A_206 = arith.muli %get3A_203, %mul3A_205 : vector<16xi32>
        %add3A_207 = vector.broadcast %scan3A_31 : i32 to vector<16xi32>
        %add3A_208 = arith.addi %mul3A_206, %add3A_207 : vector<16xi32>
        %swap3A_209 = arith.constant 160 : index
        %swap3A_210 = tpu.vector_load %arg9[%swap3A_209] {strides = array<i32>} : memref<1024xi32, #tpu.memory_space<vmem>>, vector<16xi32>,
        %swap3A_211 = vector.shape_cast %swap3A_210 : vector<16xi32> to vector<16xi32>
        %swap3A_212 = vector.shape_cast %add3A_208 : vector<16xi32> to vector<16xi32>
        tpu.vector_store %arg9[%swap3A_209], %swap3A_212 {strides = array<i32>} : memref<1024xi32, #tpu.memory_space<vmem>>, vector<16xi32>,
        %get3A_213 = arith.constant 176 : index
        %get3A_214 = tpu.vector_load %arg8[%get3A_213] {strides = array<i32>} : memref<1024xi32, #tpu.memory_space<vmem>>, vector<16xi32>,
        %get3A_215 = vector.shape_cast %get3A_214 : vector<16xi32> to vector<16xi32>
        %mul3A_216 = arith.constant 8 : i32
        %mul3A_217 = vector.broadcast %mul3A_216 : i32 to vector<16xi32>
        %mul3A_218 = arith.muli %get3A_215, %mul3A_217 : vector<16xi32>
        %add3A_219 = vector.broadcast %scan3A_31 : i32 to vector<16xi32>
        %add3A_220 = arith.addi %mul3A_218, %add3A_219 : vector<16xi32>
        %swap3A_221 = arith.constant 176 : index
        %swap3A_222 = tpu.vector_load %arg9[%swap3A_221] {strides = array<i32>} : memref<1024xi32, #tpu.memory_space<vmem>>, vector<16xi32>,
        %swap3A_223 = vector.shape_cast %swap3A_222 : vector<16xi32> to vector<16xi32>
        %swap3A_224 = vector.shape_cast %add3A_220 : vector<16xi32> to vector<16xi32>
        tpu.vector_store %arg9[%swap3A_221], %swap3A_224 {strides = array<i32>} : memref<1024xi32, #tpu.memory_space<vmem>>, vector<16xi32>,
        %get3A_225 = arith.constant 192 : index
        %get3A_226 = tpu.vector_load %arg8[%get3A_225] {strides = array<i32>} : memref<1024xi32, #tpu.memory_space<vmem>>, vector<16xi32>,
        %get3A_227 = vector.shape_cast %get3A_226 : vector<16xi32> to vector<16xi32>
        %mul3A_228 = arith.constant 8 : i32
        %mul3A_229 = vector.broadcast %mul3A_228 : i32 to vector<16xi32>
        %mul3A_230 = arith.muli %get3A_227, %mul3A_229 : vector<16xi32>
        %add3A_231 = vector.broadcast %scan3A_31 : i32 to vector<16xi32>
        %add3A_232 = arith.addi %mul3A_230, %add3A_231 : vector<16xi32>
        %swap3A_233 = arith.constant 192 : index
        %swap3A_234 = tpu.vector_load %arg9[%swap3A_233] {strides = array<i32>} : memref<1024xi32, #tpu.memory_space<vmem>>, vector<16xi32>,
        %swap3A_235 = vector.shape_cast %swap3A_234 : vector<16xi32> to vector<16xi32>
        %swap3A_236 = vector.shape_cast %add3A_232 : vector<16xi32> to vector<16xi32>
        tpu.vector_store %arg9[%swap3A_233], %swap3A_236 {strides = array<i32>} : memref<1024xi32, #tpu.memory_space<vmem>>, vector<16xi32>,
        %get3A_237 = arith.constant 208 : index
        %get3A_238 = tpu.vector_load %arg8[%get3A_237] {strides = array<i32>} : memref<1024xi32, #tpu.memory_space<vmem>>, vector<16xi32>,
        %get3A_239 = vector.shape_cast %get3A_238 : vector<16xi32> to vector<16xi32>
        %mul3A_240 = arith.constant 8 : i32
        %mul3A_241 = vector.broadcast %mul3A_240 : i32 to vector<16xi32>
        %mul3A_242 = arith.muli %get3A_239, %mul3A_241 : vector<16xi32>
        %add3A_243 = vector.broadcast %scan3A_31 : i32 to vector<16xi32>
        %add3A_244 = arith.addi %mul3A_242, %add3A_243 : vector<16xi32>
        %swap3A_245 = arith.constant 208 : index
        %swap3A_246 = tpu.vector_load %arg9[%swap3A_245] {strides = array<i32>} : memref<1024xi32, #tpu.memory_space<vmem>>, vector<16xi32>,
        %swap3A_247 = vector.shape_cast %swap3A_246 : vector<16xi32> to vector<16xi32>
        %swap3A_248 = vector.shape_cast %add3A_244 : vector<16xi32> to vector<16xi32>
        tpu.vector_store %arg9[%swap3A_245], %swap3A_248 {strides = array<i32>} : memref<1024xi32, #tpu.memory_space<vmem>>, vector<16xi32>,
        %get3A_249 = arith.constant 224 : index
        %get3A_250 = tpu.vector_load %arg8[%get3A_249] {strides = array<i32>} : memref<1024xi32, #tpu.memory_space<vmem>>, vector<16xi32>,
        %get3A_251 = vector.shape_cast %get3A_250 : vector<16xi32> to vector<16xi32>
        %mul3A_252 = arith.constant 8 : i32
        %mul3A_253 = vector.broadcast %mul3A_252 : i32 to vector<16xi32>
        %mul3A_254 = arith.muli %get3A_251, %mul3A_253 : vector<16xi32>
        %add3A_255 = vector.broadcast %scan3A_31 : i32 to vector<16xi32>
        %add3A_256 = arith.addi %mul3A_254, %add3A_255 : vector<16xi32>
        %swap3A_257 = arith.constant 224 : index
        %swap3A_258 = tpu.vector_load %arg9[%swap3A_257] {strides = array<i32>} : memref<1024xi32, #tpu.memory_space<vmem>>, vector<16xi32>,
        %swap3A_259 = vector.shape_cast %swap3A_258 : vector<16xi32> to vector<16xi32>
        %swap3A_260 = vector.shape_cast %add3A_256 : vector<16xi32> to vector<16xi32>
        tpu.vector_store %arg9[%swap3A_257], %swap3A_260 {strides = array<i32>} : memref<1024xi32, #tpu.memory_space<vmem>>, vector<16xi32>,
        %get3A_261 = arith.constant 240 : index
        %get3A_262 = tpu.vector_load %arg8[%get3A_261] {strides = array<i32>} : memref<1024xi32, #tpu.memory_space<vmem>>, vector<16xi32>,
        %get3A_263 = vector.shape_cast %get3A_262 : vector<16xi32> to vector<16xi32>
        %mul3A_264 = arith.constant 8 : i32
        %mul3A_265 = vector.broadcast %mul3A_264 : i32 to vector<16xi32>
        %mul3A_266 = arith.muli %get3A_263, %mul3A_265 : vector<16xi32>
        %add3A_267 = vector.broadcast %scan3A_31 : i32 to vector<16xi32>
        %add3A_268 = arith.addi %mul3A_266, %add3A_267 : vector<16xi32>
        %swap3A_269 = arith.constant 240 : index
        %swap3A_270 = tpu.vector_load %arg9[%swap3A_269] {strides = array<i32>} : memref<1024xi32, #tpu.memory_space<vmem>>, vector<16xi32>,
        %swap3A_271 = vector.shape_cast %swap3A_270 : vector<16xi32> to vector<16xi32>
        %swap3A_272 = vector.shape_cast %add3A_268 : vector<16xi32> to vector<16xi32>
        tpu.vector_store %arg9[%swap3A_269], %swap3A_272 {strides = array<i32>} : memref<1024xi32, #tpu.memory_space<vmem>>, vector<16xi32>,
        %get3A_273 = arith.constant 256 : index
        %get3A_274 = tpu.vector_load %arg8[%get3A_273] {strides = array<i32>} : memref<1024xi32, #tpu.memory_space<vmem>>, vector<16xi32>,
        %get3A_275 = vector.shape_cast %get3A_274 : vector<16xi32> to vector<16xi32>
        %mul3A_276 = arith.constant 8 : i32
        %mul3A_277 = vector.broadcast %mul3A_276 : i32 to vector<16xi32>
        %mul3A_278 = arith.muli %get3A_275, %mul3A_277 : vector<16xi32>
        %add3A_279 = vector.broadcast %scan3A_31 : i32 to vector<16xi32>
        %add3A_280 = arith.addi %mul3A_278, %add3A_279 : vector<16xi32>
        %swap3A_281 = arith.constant 256 : index
        %swap3A_282 = tpu.vector_load %arg9[%swap3A_281] {strides = array<i32>} : memref<1024xi32, #tpu.memory_space<vmem>>, vector<16xi32>,
        %swap3A_283 = vector.shape_cast %swap3A_282 : vector<16xi32> to vector<16xi32>
        %swap3A_284 = vector.shape_cast %add3A_280 : vector<16xi32> to vector<16xi32>
        tpu.vector_store %arg9[%swap3A_281], %swap3A_284 {strides = array<i32>} : memref<1024xi32, #tpu.memory_space<vmem>>, vector<16xi32>,
        %get3A_285 = arith.constant 272 : index
        %get3A_286 = tpu.vector_load %arg8[%get3A_285] {strides = array<i32>} : memref<1024xi32, #tpu.memory_space<vmem>>, vector<16xi32>,
        %get3A_287 = vector.shape_cast %get3A_286 : vector<16xi32> to vector<16xi32>
        %mul3A_288 = arith.constant 8 : i32
        %mul3A_289 = vector.broadcast %mul3A_288 : i32 to vector<16xi32>
        %mul3A_290 = arith.muli %get3A_287, %mul3A_289 : vector<16xi32>
        %add3A_291 = vector.broadcast %scan3A_31 : i32 to vector<16xi32>
        %add3A_292 = arith.addi %mul3A_290, %add3A_291 : vector<16xi32>
        %swap3A_293 = arith.constant 272 : index
        %swap3A_294 = tpu.vector_load %arg9[%swap3A_293] {strides = array<i32>} : memref<1024xi32, #tpu.memory_space<vmem>>, vector<16xi32>,
        %swap3A_295 = vector.shape_cast %swap3A_294 : vector<16xi32> to vector<16xi32>
        %swap3A_296 = vector.shape_cast %add3A_292 : vector<16xi32> to vector<16xi32>
        tpu.vector_store %arg9[%swap3A_293], %swap3A_296 {strides = array<i32>} : memref<1024xi32, #tpu.memory_space<vmem>>, vector<16xi32>,
        %get3A_297 = arith.constant 288 : index
        %get3A_298 = tpu.vector_load %arg8[%get3A_297] {strides = array<i32>} : memref<1024xi32, #tpu.memory_space<vmem>>, vector<16xi32>,
        %get3A_299 = vector.shape_cast %get3A_298 : vector<16xi32> to vector<16xi32>
        %mul3A_300 = arith.constant 8 : i32
        %mul3A_301 = vector.broadcast %mul3A_300 : i32 to vector<16xi32>
        %mul3A_302 = arith.muli %get3A_299, %mul3A_301 : vector<16xi32>
        %add3A_303 = vector.broadcast %scan3A_31 : i32 to vector<16xi32>
        %add3A_304 = arith.addi %mul3A_302, %add3A_303 : vector<16xi32>
        %swap3A_305 = arith.constant 288 : index
        %swap3A_306 = tpu.vector_load %arg9[%swap3A_305] {strides = array<i32>} : memref<1024xi32, #tpu.memory_space<vmem>>, vector<16xi32>,
        %swap3A_307 = vector.shape_cast %swap3A_306 : vector<16xi32> to vector<16xi32>
        %swap3A_308 = vector.shape_cast %add3A_304 : vector<16xi32> to vector<16xi32>
        tpu.vector_store %arg9[%swap3A_305], %swap3A_308 {strides = array<i32>} : memref<1024xi32, #tpu.memory_space<vmem>>, vector<16xi32>,
        %get3A_309 = arith.constant 304 : index
        %get3A_310 = tpu.vector_load %arg8[%get3A_309] {strides = array<i32>} : memref<1024xi32, #tpu.memory_space<vmem>>, vector<16xi32>,
        %get3A_311 = vector.shape_cast %get3A_310 : vector<16xi32> to vector<16xi32>
        %mul3A_312 = arith.constant 8 : i32
        %mul3A_313 = vector.broadcast %mul3A_312 : i32 to vector<16xi32>
        %mul3A_314 = arith.muli %get3A_311, %mul3A_313 : vector<16xi32>
        %add3A_315 = vector.broadcast %scan3A_31 : i32 to vector<16xi32>
        %add3A_316 = arith.addi %mul3A_314, %add3A_315 : vector<16xi32>
        %swap3A_317 = arith.constant 304 : index
        %swap3A_318 = tpu.vector_load %arg9[%swap3A_317] {strides = array<i32>} : memref<1024xi32, #tpu.memory_space<vmem>>, vector<16xi32>,
        %swap3A_319 = vector.shape_cast %swap3A_318 : vector<16xi32> to vector<16xi32>
        %swap3A_320 = vector.shape_cast %add3A_316 : vector<16xi32> to vector<16xi32>
        tpu.vector_store %arg9[%swap3A_317], %swap3A_320 {strides = array<i32>} : memref<1024xi32, #tpu.memory_space<vmem>>, vector<16xi32>,
        %get3A_321 = arith.constant 320 : index
        %get3A_322 = tpu.vector_load %arg8[%get3A_321] {strides = array<i32>} : memref<1024xi32, #tpu.memory_space<vmem>>, vector<16xi32>,
        %get3A_323 = vector.shape_cast %get3A_322 : vector<16xi32> to vector<16xi32>
        %mul3A_324 = arith.constant 8 : i32
        %mul3A_325 = vector.broadcast %mul3A_324 : i32 to vector<16xi32>
        %mul3A_326 = arith.muli %get3A_323, %mul3A_325 : vector<16xi32>
        %add3A_327 = vector.broadcast %scan3A_31 : i32 to vector<16xi32>
        %add3A_328 = arith.addi %mul3A_326, %add3A_327 : vector<16xi32>
        %swap3A_329 = arith.constant 320 : index
        %swap3A_330 = tpu.vector_load %arg9[%swap3A_329] {strides = array<i32>} : memref<1024xi32, #tpu.memory_space<vmem>>, vector<16xi32>,
        %swap3A_331 = vector.shape_cast %swap3A_330 : vector<16xi32> to vector<16xi32>
        %swap3A_332 = vector.shape_cast %add3A_328 : vector<16xi32> to vector<16xi32>
        tpu.vector_store %arg9[%swap3A_329], %swap3A_332 {strides = array<i32>} : memref<1024xi32, #tpu.memory_space<vmem>>, vector<16xi32>,
        %get3A_333 = arith.constant 336 : index
        %get3A_334 = tpu.vector_load %arg8[%get3A_333] {strides = array<i32>} : memref<1024xi32, #tpu.memory_space<vmem>>, vector<16xi32>,
        %get3A_335 = vector.shape_cast %get3A_334 : vector<16xi32> to vector<16xi32>
        %mul3A_336 = arith.constant 8 : i32
        %mul3A_337 = vector.broadcast %mul3A_336 : i32 to vector<16xi32>
        %mul3A_338 = arith.muli %get3A_335, %mul3A_337 : vector<16xi32>
        %add3A_339 = vector.broadcast %scan3A_31 : i32 to vector<16xi32>
        %add3A_340 = arith.addi %mul3A_338, %add3A_339 : vector<16xi32>
        %swap3A_341 = arith.constant 336 : index
        %swap3A_342 = tpu.vector_load %arg9[%swap3A_341] {strides = array<i32>} : memref<1024xi32, #tpu.memory_space<vmem>>, vector<16xi32>,
        %swap3A_343 = vector.shape_cast %swap3A_342 : vector<16xi32> to vector<16xi32>
        %swap3A_344 = vector.shape_cast %add3A_340 : vector<16xi32> to vector<16xi32>
        tpu.vector_store %arg9[%swap3A_341], %swap3A_344 {strides = array<i32>} : memref<1024xi32, #tpu.memory_space<vmem>>, vector<16xi32>,
        %get3A_345 = arith.constant 352 : index
        %get3A_346 = tpu.vector_load %arg8[%get3A_345] {strides = array<i32>} : memref<1024xi32, #tpu.memory_space<vmem>>, vector<16xi32>,
        %get3A_347 = vector.shape_cast %get3A_346 : vector<16xi32> to vector<16xi32>
        %mul3A_348 = arith.constant 8 : i32
        %mul3A_349 = vector.broadcast %mul3A_348 : i32 to vector<16xi32>
        %mul3A_350 = arith.muli %get3A_347, %mul3A_349 : vector<16xi32>
        %add3A_351 = vector.broadcast %scan3A_31 : i32 to vector<16xi32>
        %add3A_352 = arith.addi %mul3A_350, %add3A_351 : vector<16xi32>
        %swap3A_353 = arith.constant 352 : index
        %swap3A_354 = tpu.vector_load %arg9[%swap3A_353] {strides = array<i32>} : memref<1024xi32, #tpu.memory_space<vmem>>, vector<16xi32>,
        %swap3A_355 = vector.shape_cast %swap3A_354 : vector<16xi32> to vector<16xi32>
        %swap3A_356 = vector.shape_cast %add3A_352 : vector<16xi32> to vector<16xi32>
        tpu.vector_store %arg9[%swap3A_353], %swap3A_356 {strides = array<i32>} : memref<1024xi32, #tpu.memory_space<vmem>>, vector<16xi32>,
        %get3A_357 = arith.constant 368 : index
        %get3A_358 = tpu.vector_load %arg8[%get3A_357] {strides = array<i32>} : memref<1024xi32, #tpu.memory_space<vmem>>, vector<16xi32>,
        %get3A_359 = vector.shape_cast %get3A_358 : vector<16xi32> to vector<16xi32>
        %mul3A_360 = arith.constant 8 : i32
        %mul3A_361 = vector.broadcast %mul3A_360 : i32 to vector<16xi32>
        %mul3A_362 = arith.muli %get3A_359, %mul3A_361 : vector<16xi32>
        %add3A_363 = vector.broadcast %scan3A_31 : i32 to vector<16xi32>
        %add3A_364 = arith.addi %mul3A_362, %add3A_363 : vector<16xi32>
        %swap3A_365 = arith.constant 368 : index
        %swap3A_366 = tpu.vector_load %arg9[%swap3A_365] {strides = array<i32>} : memref<1024xi32, #tpu.memory_space<vmem>>, vector<16xi32>,
        %swap3A_367 = vector.shape_cast %swap3A_366 : vector<16xi32> to vector<16xi32>
        %swap3A_368 = vector.shape_cast %add3A_364 : vector<16xi32> to vector<16xi32>
        tpu.vector_store %arg9[%swap3A_365], %swap3A_368 {strides = array<i32>} : memref<1024xi32, #tpu.memory_space<vmem>>, vector<16xi32>,
        %get3A_369 = arith.constant 384 : index
        %get3A_370 = tpu.vector_load %arg8[%get3A_369] {strides = array<i32>} : memref<1024xi32, #tpu.memory_space<vmem>>, vector<16xi32>,
        %get3A_371 = vector.shape_cast %get3A_370 : vector<16xi32> to vector<16xi32>
        %mul3A_372 = arith.constant 8 : i32
        %mul3A_373 = vector.broadcast %mul3A_372 : i32 to vector<16xi32>
        %mul3A_374 = arith.muli %get3A_371, %mul3A_373 : vector<16xi32>
        %add3A_375 = vector.broadcast %scan3A_31 : i32 to vector<16xi32>
        %add3A_376 = arith.addi %mul3A_374, %add3A_375 : vector<16xi32>
        %swap3A_377 = arith.constant 384 : index
        %swap3A_378 = tpu.vector_load %arg9[%swap3A_377] {strides = array<i32>} : memref<1024xi32, #tpu.memory_space<vmem>>, vector<16xi32>,
        %swap3A_379 = vector.shape_cast %swap3A_378 : vector<16xi32> to vector<16xi32>
        %swap3A_380 = vector.shape_cast %add3A_376 : vector<16xi32> to vector<16xi32>
        tpu.vector_store %arg9[%swap3A_377], %swap3A_380 {strides = array<i32>} : memref<1024xi32, #tpu.memory_space<vmem>>, vector<16xi32>,
        %get3A_381 = arith.constant 400 : index
        %get3A_382 = tpu.vector_load %arg8[%get3A_381] {strides = array<i32>} : memref<1024xi32, #tpu.memory_space<vmem>>, vector<16xi32>,
        %get3A_383 = vector.shape_cast %get3A_382 : vector<16xi32> to vector<16xi32>
        %mul3A_384 = arith.constant 8 : i32
        %mul3A_385 = vector.broadcast %mul3A_384 : i32 to vector<16xi32>
        %mul3A_386 = arith.muli %get3A_383, %mul3A_385 : vector<16xi32>
        %add3A_387 = vector.broadcast %scan3A_31 : i32 to vector<16xi32>
        %add3A_388 = arith.addi %mul3A_386, %add3A_387 : vector<16xi32>
        %swap3A_389 = arith.constant 400 : index
        %swap3A_390 = tpu.vector_load %arg9[%swap3A_389] {strides = array<i32>} : memref<1024xi32, #tpu.memory_space<vmem>>, vector<16xi32>,
        %swap3A_391 = vector.shape_cast %swap3A_390 : vector<16xi32> to vector<16xi32>
        %swap3A_392 = vector.shape_cast %add3A_388 : vector<16xi32> to vector<16xi32>
        tpu.vector_store %arg9[%swap3A_389], %swap3A_392 {strides = array<i32>} : memref<1024xi32, #tpu.memory_space<vmem>>, vector<16xi32>,
        %get3A_393 = arith.constant 416 : index
        %get3A_394 = tpu.vector_load %arg8[%get3A_393] {strides = array<i32>} : memref<1024xi32, #tpu.memory_space<vmem>>, vector<16xi32>,
        %get3A_395 = vector.shape_cast %get3A_394 : vector<16xi32> to vector<16xi32>
        %mul3A_396 = arith.constant 8 : i32
        %mul3A_397 = vector.broadcast %mul3A_396 : i32 to vector<16xi32>
        %mul3A_398 = arith.muli %get3A_395, %mul3A_397 : vector<16xi32>
        %add3A_399 = vector.broadcast %scan3A_31 : i32 to vector<16xi32>
        %add3A_400 = arith.addi %mul3A_398, %add3A_399 : vector<16xi32>
        %swap3A_401 = arith.constant 416 : index
        %swap3A_402 = tpu.vector_load %arg9[%swap3A_401] {strides = array<i32>} : memref<1024xi32, #tpu.memory_space<vmem>>, vector<16xi32>,
        %swap3A_403 = vector.shape_cast %swap3A_402 : vector<16xi32> to vector<16xi32>
        %swap3A_404 = vector.shape_cast %add3A_400 : vector<16xi32> to vector<16xi32>
        tpu.vector_store %arg9[%swap3A_401], %swap3A_404 {strides = array<i32>} : memref<1024xi32, #tpu.memory_space<vmem>>, vector<16xi32>,
        %get3A_405 = arith.constant 432 : index
        %get3A_406 = tpu.vector_load %arg8[%get3A_405] {strides = array<i32>} : memref<1024xi32, #tpu.memory_space<vmem>>, vector<16xi32>,
        %get3A_407 = vector.shape_cast %get3A_406 : vector<16xi32> to vector<16xi32>
        %mul3A_408 = arith.constant 8 : i32
        %mul3A_409 = vector.broadcast %mul3A_408 : i32 to vector<16xi32>
        %mul3A_410 = arith.muli %get3A_407, %mul3A_409 : vector<16xi32>
        %add3A_411 = vector.broadcast %scan3A_31 : i32 to vector<16xi32>
        %add3A_412 = arith.addi %mul3A_410, %add3A_411 : vector<16xi32>
        %swap3A_413 = arith.constant 432 : index
        %swap3A_414 = tpu.vector_load %arg9[%swap3A_413] {strides = array<i32>} : memref<1024xi32, #tpu.memory_space<vmem>>, vector<16xi32>,
        %swap3A_415 = vector.shape_cast %swap3A_414 : vector<16xi32> to vector<16xi32>
        %swap3A_416 = vector.shape_cast %add3A_412 : vector<16xi32> to vector<16xi32>
        tpu.vector_store %arg9[%swap3A_413], %swap3A_416 {strides = array<i32>} : memref<1024xi32, #tpu.memory_space<vmem>>, vector<16xi32>,
        %get3A_417 = arith.constant 448 : index
        %get3A_418 = tpu.vector_load %arg8[%get3A_417] {strides = array<i32>} : memref<1024xi32, #tpu.memory_space<vmem>>, vector<16xi32>,
        %get3A_419 = vector.shape_cast %get3A_418 : vector<16xi32> to vector<16xi32>
        %mul3A_420 = arith.constant 8 : i32
        %mul3A_421 = vector.broadcast %mul3A_420 : i32 to vector<16xi32>
        %mul3A_422 = arith.muli %get3A_419, %mul3A_421 : vector<16xi32>
        %add3A_423 = vector.broadcast %scan3A_31 : i32 to vector<16xi32>
        %add3A_424 = arith.addi %mul3A_422, %add3A_423 : vector<16xi32>
        %swap3A_425 = arith.constant 448 : index
        %swap3A_426 = tpu.vector_load %arg9[%swap3A_425] {strides = array<i32>} : memref<1024xi32, #tpu.memory_space<vmem>>, vector<16xi32>,
        %swap3A_427 = vector.shape_cast %swap3A_426 : vector<16xi32> to vector<16xi32>
        %swap3A_428 = vector.shape_cast %add3A_424 : vector<16xi32> to vector<16xi32>
        tpu.vector_store %arg9[%swap3A_425], %swap3A_428 {strides = array<i32>} : memref<1024xi32, #tpu.memory_space<vmem>>, vector<16xi32>,
        %get3A_429 = arith.constant 464 : index
        %get3A_430 = tpu.vector_load %arg8[%get3A_429] {strides = array<i32>} : memref<1024xi32, #tpu.memory_space<vmem>>, vector<16xi32>,
        %get3A_431 = vector.shape_cast %get3A_430 : vector<16xi32> to vector<16xi32>
        %mul3A_432 = arith.constant 8 : i32
        %mul3A_433 = vector.broadcast %mul3A_432 : i32 to vector<16xi32>
        %mul3A_434 = arith.muli %get3A_431, %mul3A_433 : vector<16xi32>
        %add3A_435 = vector.broadcast %scan3A_31 : i32 to vector<16xi32>
        %add3A_436 = arith.addi %mul3A_434, %add3A_435 : vector<16xi32>
        %swap3A_437 = arith.constant 464 : index
        %swap3A_438 = tpu.vector_load %arg9[%swap3A_437] {strides = array<i32>} : memref<1024xi32, #tpu.memory_space<vmem>>, vector<16xi32>,
        %swap3A_439 = vector.shape_cast %swap3A_438 : vector<16xi32> to vector<16xi32>
        %swap3A_440 = vector.shape_cast %add3A_436 : vector<16xi32> to vector<16xi32>
        tpu.vector_store %arg9[%swap3A_437], %swap3A_440 {strides = array<i32>} : memref<1024xi32, #tpu.memory_space<vmem>>, vector<16xi32>,
        %get3A_441 = arith.constant 480 : index
        %get3A_442 = tpu.vector_load %arg8[%get3A_441] {strides = array<i32>} : memref<1024xi32, #tpu.memory_space<vmem>>, vector<16xi32>,
        %get3A_443 = vector.shape_cast %get3A_442 : vector<16xi32> to vector<16xi32>
        %mul3A_444 = arith.constant 8 : i32
        %mul3A_445 = vector.broadcast %mul3A_444 : i32 to vector<16xi32>
        %mul3A_446 = arith.muli %get3A_443, %mul3A_445 : vector<16xi32>
        %add3A_447 = vector.broadcast %scan3A_31 : i32 to vector<16xi32>
        %add3A_448 = arith.addi %mul3A_446, %add3A_447 : vector<16xi32>
        %swap3A_449 = arith.constant 480 : index
        %swap3A_450 = tpu.vector_load %arg9[%swap3A_449] {strides = array<i32>} : memref<1024xi32, #tpu.memory_space<vmem>>, vector<16xi32>,
        %swap3A_451 = vector.shape_cast %swap3A_450 : vector<16xi32> to vector<16xi32>
        %swap3A_452 = vector.shape_cast %add3A_448 : vector<16xi32> to vector<16xi32>
        tpu.vector_store %arg9[%swap3A_449], %swap3A_452 {strides = array<i32>} : memref<1024xi32, #tpu.memory_space<vmem>>, vector<16xi32>,
        %get3A_453 = arith.constant 496 : index
        %get3A_454 = tpu.vector_load %arg8[%get3A_453] {strides = array<i32>} : memref<1024xi32, #tpu.memory_space<vmem>>, vector<16xi32>,
        %get3A_455 = vector.shape_cast %get3A_454 : vector<16xi32> to vector<16xi32>
        %mul3A_456 = arith.constant 8 : i32
        %mul3A_457 = vector.broadcast %mul3A_456 : i32 to vector<16xi32>
        %mul3A_458 = arith.muli %get3A_455, %mul3A_457 : vector<16xi32>
        %add3A_459 = vector.broadcast %scan3A_31 : i32 to vector<16xi32>
        %add3A_460 = arith.addi %mul3A_458, %add3A_459 : vector<16xi32>
        %swap3A_461 = arith.constant 496 : index
        %swap3A_462 = tpu.vector_load %arg9[%swap3A_461] {strides = array<i32>} : memref<1024xi32, #tpu.memory_space<vmem>>, vector<16xi32>,
        %swap3A_463 = vector.shape_cast %swap3A_462 : vector<16xi32> to vector<16xi32>
        %swap3A_464 = vector.shape_cast %add3A_460 : vector<16xi32> to vector<16xi32>
        tpu.vector_store %arg9[%swap3A_461], %swap3A_464 {strides = array<i32>} : memref<1024xi32, #tpu.memory_space<vmem>>, vector<16xi32>,
        %get3A_465 = arith.constant 512 : index
        %get3A_466 = tpu.vector_load %arg8[%get3A_465] {strides = array<i32>} : memref<1024xi32, #tpu.memory_space<vmem>>, vector<16xi32>,
        %get3A_467 = vector.shape_cast %get3A_466 : vector<16xi32> to vector<16xi32>
        %mul3A_468 = arith.constant 8 : i32
        %mul3A_469 = vector.broadcast %mul3A_468 : i32 to vector<16xi32>
        %mul3A_470 = arith.muli %get3A_467, %mul3A_469 : vector<16xi32>
        %add3A_471 = vector.broadcast %scan3A_31 : i32 to vector<16xi32>
        %add3A_472 = arith.addi %mul3A_470, %add3A_471 : vector<16xi32>
        %swap3A_473 = arith.constant 512 : index
        %swap3A_474 = tpu.vector_load %arg9[%swap3A_473] {strides = array<i32>} : memref<1024xi32, #tpu.memory_space<vmem>>, vector<16xi32>,
        %swap3A_475 = vector.shape_cast %swap3A_474 : vector<16xi32> to vector<16xi32>
        %swap3A_476 = vector.shape_cast %add3A_472 : vector<16xi32> to vector<16xi32>
        tpu.vector_store %arg9[%swap3A_473], %swap3A_476 {strides = array<i32>} : memref<1024xi32, #tpu.memory_space<vmem>>, vector<16xi32>,
        %get3A_477 = arith.constant 528 : index
        %get3A_478 = tpu.vector_load %arg8[%get3A_477] {strides = array<i32>} : memref<1024xi32, #tpu.memory_space<vmem>>, vector<16xi32>,
        %get3A_479 = vector.shape_cast %get3A_478 : vector<16xi32> to vector<16xi32>
        %mul3A_480 = arith.constant 8 : i32
        %mul3A_481 = vector.broadcast %mul3A_480 : i32 to vector<16xi32>
        %mul3A_482 = arith.muli %get3A_479, %mul3A_481 : vector<16xi32>
        %add3A_483 = vector.broadcast %scan3A_31 : i32 to vector<16xi32>
        %add3A_484 = arith.addi %mul3A_482, %add3A_483 : vector<16xi32>
        %swap3A_485 = arith.constant 528 : index
        %swap3A_486 = tpu.vector_load %arg9[%swap3A_485] {strides = array<i32>} : memref<1024xi32, #tpu.memory_space<vmem>>, vector<16xi32>,
        %swap3A_487 = vector.shape_cast %swap3A_486 : vector<16xi32> to vector<16xi32>
        %swap3A_488 = vector.shape_cast %add3A_484 : vector<16xi32> to vector<16xi32>
        tpu.vector_store %arg9[%swap3A_485], %swap3A_488 {strides = array<i32>} : memref<1024xi32, #tpu.memory_space<vmem>>, vector<16xi32>,
        %get3A_489 = arith.constant 544 : index
        %get3A_490 = tpu.vector_load %arg8[%get3A_489] {strides = array<i32>} : memref<1024xi32, #tpu.memory_space<vmem>>, vector<16xi32>,
        %get3A_491 = vector.shape_cast %get3A_490 : vector<16xi32> to vector<16xi32>
        %mul3A_492 = arith.constant 8 : i32
        %mul3A_493 = vector.broadcast %mul3A_492 : i32 to vector<16xi32>
        %mul3A_494 = arith.muli %get3A_491, %mul3A_493 : vector<16xi32>
        %add3A_495 = vector.broadcast %scan3A_31 : i32 to vector<16xi32>
        %add3A_496 = arith.addi %mul3A_494, %add3A_495 : vector<16xi32>
        %swap3A_497 = arith.constant 544 : index
        %swap3A_498 = tpu.vector_load %arg9[%swap3A_497] {strides = array<i32>} : memref<1024xi32, #tpu.memory_space<vmem>>, vector<16xi32>,
        %swap3A_499 = vector.shape_cast %swap3A_498 : vector<16xi32> to vector<16xi32>
        %swap3A_500 = vector.shape_cast %add3A_496 : vector<16xi32> to vector<16xi32>
        tpu.vector_store %arg9[%swap3A_497], %swap3A_500 {strides = array<i32>} : memref<1024xi32, #tpu.memory_space<vmem>>, vector<16xi32>,
        %get3A_501 = arith.constant 560 : index
        %get3A_502 = tpu.vector_load %arg8[%get3A_501] {strides = array<i32>} : memref<1024xi32, #tpu.memory_space<vmem>>, vector<16xi32>,
        %get3A_503 = vector.shape_cast %get3A_502 : vector<16xi32> to vector<16xi32>
        %mul3A_504 = arith.constant 8 : i32
        %mul3A_505 = vector.broadcast %mul3A_504 : i32 to vector<16xi32>
        %mul3A_506 = arith.muli %get3A_503, %mul3A_505 : vector<16xi32>
        %add3A_507 = vector.broadcast %scan3A_31 : i32 to vector<16xi32>
        %add3A_508 = arith.addi %mul3A_506, %add3A_507 : vector<16xi32>
        %swap3A_509 = arith.constant 560 : index
        %swap3A_510 = tpu.vector_load %arg9[%swap3A_509] {strides = array<i32>} : memref<1024xi32, #tpu.memory_space<vmem>>, vector<16xi32>,
        %swap3A_511 = vector.shape_cast %swap3A_510 : vector<16xi32> to vector<16xi32>
        %swap3A_512 = vector.shape_cast %add3A_508 : vector<16xi32> to vector<16xi32>
        tpu.vector_store %arg9[%swap3A_509], %swap3A_512 {strides = array<i32>} : memref<1024xi32, #tpu.memory_space<vmem>>, vector<16xi32>,
        %get3A_513 = arith.constant 576 : index
        %get3A_514 = tpu.vector_load %arg8[%get3A_513] {strides = array<i32>} : memref<1024xi32, #tpu.memory_space<vmem>>, vector<16xi32>,
        %get3A_515 = vector.shape_cast %get3A_514 : vector<16xi32> to vector<16xi32>
        %mul3A_516 = arith.constant 8 : i32
        %mul3A_517 = vector.broadcast %mul3A_516 : i32 to vector<16xi32>
        %mul3A_518 = arith.muli %get3A_515, %mul3A_517 : vector<16xi32>
        %add3A_519 = vector.broadcast %scan3A_31 : i32 to vector<16xi32>
        %add3A_520 = arith.addi %mul3A_518, %add3A_519 : vector<16xi32>
        %swap3A_521 = arith.constant 576 : index
        %swap3A_522 = tpu.vector_load %arg9[%swap3A_521] {strides = array<i32>} : memref<1024xi32, #tpu.memory_space<vmem>>, vector<16xi32>,
        %swap3A_523 = vector.shape_cast %swap3A_522 : vector<16xi32> to vector<16xi32>
        %swap3A_524 = vector.shape_cast %add3A_520 : vector<16xi32> to vector<16xi32>
        tpu.vector_store %arg9[%swap3A_521], %swap3A_524 {strides = array<i32>} : memref<1024xi32, #tpu.memory_space<vmem>>, vector<16xi32>,
        %get3A_525 = arith.constant 592 : index
        %get3A_526 = tpu.vector_load %arg8[%get3A_525] {strides = array<i32>} : memref<1024xi32, #tpu.memory_space<vmem>>, vector<16xi32>,
        %get3A_527 = vector.shape_cast %get3A_526 : vector<16xi32> to vector<16xi32>
        %mul3A_528 = arith.constant 8 : i32
        %mul3A_529 = vector.broadcast %mul3A_528 : i32 to vector<16xi32>
        %mul3A_530 = arith.muli %get3A_527, %mul3A_529 : vector<16xi32>
        %add3A_531 = vector.broadcast %scan3A_31 : i32 to vector<16xi32>
        %add3A_532 = arith.addi %mul3A_530, %add3A_531 : vector<16xi32>
        %swap3A_533 = arith.constant 592 : index
        %swap3A_534 = tpu.vector_load %arg9[%swap3A_533] {strides = array<i32>} : memref<1024xi32, #tpu.memory_space<vmem>>, vector<16xi32>,
        %swap3A_535 = vector.shape_cast %swap3A_534 : vector<16xi32> to vector<16xi32>
        %swap3A_536 = vector.shape_cast %add3A_532 : vector<16xi32> to vector<16xi32>
        tpu.vector_store %arg9[%swap3A_533], %swap3A_536 {strides = array<i32>} : memref<1024xi32, #tpu.memory_space<vmem>>, vector<16xi32>,
        %get3A_537 = arith.constant 608 : index
        %get3A_538 = tpu.vector_load %arg8[%get3A_537] {strides = array<i32>} : memref<1024xi32, #tpu.memory_space<vmem>>, vector<16xi32>,
        %get3A_539 = vector.shape_cast %get3A_538 : vector<16xi32> to vector<16xi32>
        %mul3A_540 = arith.constant 8 : i32
        %mul3A_541 = vector.broadcast %mul3A_540 : i32 to vector<16xi32>
        %mul3A_542 = arith.muli %get3A_539, %mul3A_541 : vector<16xi32>
        %add3A_543 = vector.broadcast %scan3A_31 : i32 to vector<16xi32>
        %add3A_544 = arith.addi %mul3A_542, %add3A_543 : vector<16xi32>
        %swap3A_545 = arith.constant 608 : index
        %swap3A_546 = tpu.vector_load %arg9[%swap3A_545] {strides = array<i32>} : memref<1024xi32, #tpu.memory_space<vmem>>, vector<16xi32>,
        %swap3A_547 = vector.shape_cast %swap3A_546 : vector<16xi32> to vector<16xi32>
        %swap3A_548 = vector.shape_cast %add3A_544 : vector<16xi32> to vector<16xi32>
        tpu.vector_store %arg9[%swap3A_545], %swap3A_548 {strides = array<i32>} : memref<1024xi32, #tpu.memory_space<vmem>>, vector<16xi32>,
        %get3A_549 = arith.constant 624 : index
        %get3A_550 = tpu.vector_load %arg8[%get3A_549] {strides = array<i32>} : memref<1024xi32, #tpu.memory_space<vmem>>, vector<16xi32>,
        %get3A_551 = vector.shape_cast %get3A_550 : vector<16xi32> to vector<16xi32>
        %mul3A_552 = arith.constant 8 : i32
        %mul3A_553 = vector.broadcast %mul3A_552 : i32 to vector<16xi32>
        %mul3A_554 = arith.muli %get3A_551, %mul3A_553 : vector<16xi32>
        %add3A_555 = vector.broadcast %scan3A_31 : i32 to vector<16xi32>
        %add3A_556 = arith.addi %mul3A_554, %add3A_555 : vector<16xi32>
        %swap3A_557 = arith.constant 624 : index
        %swap3A_558 = tpu.vector_load %arg9[%swap3A_557] {strides = array<i32>} : memref<1024xi32, #tpu.memory_space<vmem>>, vector<16xi32>,
        %swap3A_559 = vector.shape_cast %swap3A_558 : vector<16xi32> to vector<16xi32>
        %swap3A_560 = vector.shape_cast %add3A_556 : vector<16xi32> to vector<16xi32>
        tpu.vector_store %arg9[%swap3A_557], %swap3A_560 {strides = array<i32>} : memref<1024xi32, #tpu.memory_space<vmem>>, vector<16xi32>,
        %get3A_561 = arith.constant 640 : index
        %get3A_562 = tpu.vector_load %arg8[%get3A_561] {strides = array<i32>} : memref<1024xi32, #tpu.memory_space<vmem>>, vector<16xi32>,
        %get3A_563 = vector.shape_cast %get3A_562 : vector<16xi32> to vector<16xi32>
        %mul3A_564 = arith.constant 8 : i32
        %mul3A_565 = vector.broadcast %mul3A_564 : i32 to vector<16xi32>
        %mul3A_566 = arith.muli %get3A_563, %mul3A_565 : vector<16xi32>
        %add3A_567 = vector.broadcast %scan3A_31 : i32 to vector<16xi32>
        %add3A_568 = arith.addi %mul3A_566, %add3A_567 : vector<16xi32>
        %swap3A_569 = arith.constant 640 : index
        %swap3A_570 = tpu.vector_load %arg9[%swap3A_569] {strides = array<i32>} : memref<1024xi32, #tpu.memory_space<vmem>>, vector<16xi32>,
        %swap3A_571 = vector.shape_cast %swap3A_570 : vector<16xi32> to vector<16xi32>
        %swap3A_572 = vector.shape_cast %add3A_568 : vector<16xi32> to vector<16xi32>
        tpu.vector_store %arg9[%swap3A_569], %swap3A_572 {strides = array<i32>} : memref<1024xi32, #tpu.memory_space<vmem>>, vector<16xi32>,
        %get3A_573 = arith.constant 656 : index
        %get3A_574 = tpu.vector_load %arg8[%get3A_573] {strides = array<i32>} : memref<1024xi32, #tpu.memory_space<vmem>>, vector<16xi32>,
        %get3A_575 = vector.shape_cast %get3A_574 : vector<16xi32> to vector<16xi32>
        %mul3A_576 = arith.constant 8 : i32
        %mul3A_577 = vector.broadcast %mul3A_576 : i32 to vector<16xi32>
        %mul3A_578 = arith.muli %get3A_575, %mul3A_577 : vector<16xi32>
        %add3A_579 = vector.broadcast %scan3A_31 : i32 to vector<16xi32>
        %add3A_580 = arith.addi %mul3A_578, %add3A_579 : vector<16xi32>
        %swap3A_581 = arith.constant 656 : index
        %swap3A_582 = tpu.vector_load %arg9[%swap3A_581] {strides = array<i32>} : memref<1024xi32, #tpu.memory_space<vmem>>, vector<16xi32>,
        %swap3A_583 = vector.shape_cast %swap3A_582 : vector<16xi32> to vector<16xi32>
        %swap3A_584 = vector.shape_cast %add3A_580 : vector<16xi32> to vector<16xi32>
        tpu.vector_store %arg9[%swap3A_581], %swap3A_584 {strides = array<i32>} : memref<1024xi32, #tpu.memory_space<vmem>>, vector<16xi32>,
        %get3A_585 = arith.constant 672 : index
        %get3A_586 = tpu.vector_load %arg8[%get3A_585] {strides = array<i32>} : memref<1024xi32, #tpu.memory_space<vmem>>, vector<16xi32>,
        %get3A_587 = vector.shape_cast %get3A_586 : vector<16xi32> to vector<16xi32>
        %mul3A_588 = arith.constant 8 : i32
        %mul3A_589 = vector.broadcast %mul3A_588 : i32 to vector<16xi32>
        %mul3A_590 = arith.muli %get3A_587, %mul3A_589 : vector<16xi32>
        %add3A_591 = vector.broadcast %scan3A_31 : i32 to vector<16xi32>
        %add3A_592 = arith.addi %mul3A_590, %add3A_591 : vector<16xi32>
        %swap3A_593 = arith.constant 672 : index
        %swap3A_594 = tpu.vector_load %arg9[%swap3A_593] {strides = array<i32>} : memref<1024xi32, #tpu.memory_space<vmem>>, vector<16xi32>,
        %swap3A_595 = vector.shape_cast %swap3A_594 : vector<16xi32> to vector<16xi32>
        %swap3A_596 = vector.shape_cast %add3A_592 : vector<16xi32> to vector<16xi32>
        tpu.vector_store %arg9[%swap3A_593], %swap3A_596 {strides = array<i32>} : memref<1024xi32, #tpu.memory_space<vmem>>, vector<16xi32>,
        %get3A_597 = arith.constant 688 : index
        %get3A_598 = tpu.vector_load %arg8[%get3A_597] {strides = array<i32>} : memref<1024xi32, #tpu.memory_space<vmem>>, vector<16xi32>,
        %get3A_599 = vector.shape_cast %get3A_598 : vector<16xi32> to vector<16xi32>
        %mul3A_600 = arith.constant 8 : i32
        %mul3A_601 = vector.broadcast %mul3A_600 : i32 to vector<16xi32>
        %mul3A_602 = arith.muli %get3A_599, %mul3A_601 : vector<16xi32>
        %add3A_603 = vector.broadcast %scan3A_31 : i32 to vector<16xi32>
        %add3A_604 = arith.addi %mul3A_602, %add3A_603 : vector<16xi32>
        %swap3A_605 = arith.constant 688 : index
        %swap3A_606 = tpu.vector_load %arg9[%swap3A_605] {strides = array<i32>} : memref<1024xi32, #tpu.memory_space<vmem>>, vector<16xi32>,
        %swap3A_607 = vector.shape_cast %swap3A_606 : vector<16xi32> to vector<16xi32>
        %swap3A_608 = vector.shape_cast %add3A_604 : vector<16xi32> to vector<16xi32>
        tpu.vector_store %arg9[%swap3A_605], %swap3A_608 {strides = array<i32>} : memref<1024xi32, #tpu.memory_space<vmem>>, vector<16xi32>,
        %get3A_609 = arith.constant 704 : index
        %get3A_610 = tpu.vector_load %arg8[%get3A_609] {strides = array<i32>} : memref<1024xi32, #tpu.memory_space<vmem>>, vector<16xi32>,
        %get3A_611 = vector.shape_cast %get3A_610 : vector<16xi32> to vector<16xi32>
        %mul3A_612 = arith.constant 8 : i32
        %mul3A_613 = vector.broadcast %mul3A_612 : i32 to vector<16xi32>
        %mul3A_614 = arith.muli %get3A_611, %mul3A_613 : vector<16xi32>
        %add3A_615 = vector.broadcast %scan3A_31 : i32 to vector<16xi32>
        %add3A_616 = arith.addi %mul3A_614, %add3A_615 : vector<16xi32>
        %swap3A_617 = arith.constant 704 : index
        %swap3A_618 = tpu.vector_load %arg9[%swap3A_617] {strides = array<i32>} : memref<1024xi32, #tpu.memory_space<vmem>>, vector<16xi32>,
        %swap3A_619 = vector.shape_cast %swap3A_618 : vector<16xi32> to vector<16xi32>
        %swap3A_620 = vector.shape_cast %add3A_616 : vector<16xi32> to vector<16xi32>
        tpu.vector_store %arg9[%swap3A_617], %swap3A_620 {strides = array<i32>} : memref<1024xi32, #tpu.memory_space<vmem>>, vector<16xi32>,
        %get3A_621 = arith.constant 720 : index
        %get3A_622 = tpu.vector_load %arg8[%get3A_621] {strides = array<i32>} : memref<1024xi32, #tpu.memory_space<vmem>>, vector<16xi32>,
        %get3A_623 = vector.shape_cast %get3A_622 : vector<16xi32> to vector<16xi32>
        %mul3A_624 = arith.constant 8 : i32
        %mul3A_625 = vector.broadcast %mul3A_624 : i32 to vector<16xi32>
        %mul3A_626 = arith.muli %get3A_623, %mul3A_625 : vector<16xi32>
        %add3A_627 = vector.broadcast %scan3A_31 : i32 to vector<16xi32>
        %add3A_628 = arith.addi %mul3A_626, %add3A_627 : vector<16xi32>
        %swap3A_629 = arith.constant 720 : index
        %swap3A_630 = tpu.vector_load %arg9[%swap3A_629] {strides = array<i32>} : memref<1024xi32, #tpu.memory_space<vmem>>, vector<16xi32>,
        %swap3A_631 = vector.shape_cast %swap3A_630 : vector<16xi32> to vector<16xi32>
        %swap3A_632 = vector.shape_cast %add3A_628 : vector<16xi32> to vector<16xi32>
        tpu.vector_store %arg9[%swap3A_629], %swap3A_632 {strides = array<i32>} : memref<1024xi32, #tpu.memory_space<vmem>>, vector<16xi32>,
        %get3A_633 = arith.constant 736 : index
        %get3A_634 = tpu.vector_load %arg8[%get3A_633] {strides = array<i32>} : memref<1024xi32, #tpu.memory_space<vmem>>, vector<16xi32>,
        %get3A_635 = vector.shape_cast %get3A_634 : vector<16xi32> to vector<16xi32>
        %mul3A_636 = arith.constant 8 : i32
        %mul3A_637 = vector.broadcast %mul3A_636 : i32 to vector<16xi32>
        %mul3A_638 = arith.muli %get3A_635, %mul3A_637 : vector<16xi32>
        %add3A_639 = vector.broadcast %scan3A_31 : i32 to vector<16xi32>
        %add3A_640 = arith.addi %mul3A_638, %add3A_639 : vector<16xi32>
        %swap3A_641 = arith.constant 736 : index
        %swap3A_642 = tpu.vector_load %arg9[%swap3A_641] {strides = array<i32>} : memref<1024xi32, #tpu.memory_space<vmem>>, vector<16xi32>,
        %swap3A_643 = vector.shape_cast %swap3A_642 : vector<16xi32> to vector<16xi32>
        %swap3A_644 = vector.shape_cast %add3A_640 : vector<16xi32> to vector<16xi32>
        tpu.vector_store %arg9[%swap3A_641], %swap3A_644 {strides = array<i32>} : memref<1024xi32, #tpu.memory_space<vmem>>, vector<16xi32>,
        %get3A_645 = arith.constant 752 : index
        %get3A_646 = tpu.vector_load %arg8[%get3A_645] {strides = array<i32>} : memref<1024xi32, #tpu.memory_space<vmem>>, vector<16xi32>,
        %get3A_647 = vector.shape_cast %get3A_646 : vector<16xi32> to vector<16xi32>
        %mul3A_648 = arith.constant 8 : i32
        %mul3A_649 = vector.broadcast %mul3A_648 : i32 to vector<16xi32>
        %mul3A_650 = arith.muli %get3A_647, %mul3A_649 : vector<16xi32>
        %add3A_651 = vector.broadcast %scan3A_31 : i32 to vector<16xi32>
        %add3A_652 = arith.addi %mul3A_650, %add3A_651 : vector<16xi32>
        %swap3A_653 = arith.constant 752 : index
        %swap3A_654 = tpu.vector_load %arg9[%swap3A_653] {strides = array<i32>} : memref<1024xi32, #tpu.memory_space<vmem>>, vector<16xi32>,
        %swap3A_655 = vector.shape_cast %swap3A_654 : vector<16xi32> to vector<16xi32>
        %swap3A_656 = vector.shape_cast %add3A_652 : vector<16xi32> to vector<16xi32>
        tpu.vector_store %arg9[%swap3A_653], %swap3A_656 {strides = array<i32>} : memref<1024xi32, #tpu.memory_space<vmem>>, vector<16xi32>,
        %get3A_657 = arith.constant 768 : index
        %get3A_658 = tpu.vector_load %arg8[%get3A_657] {strides = array<i32>} : memref<1024xi32, #tpu.memory_space<vmem>>, vector<16xi32>,
        %get3A_659 = vector.shape_cast %get3A_658 : vector<16xi32> to vector<16xi32>
        %mul3A_660 = arith.constant 8 : i32
        %mul3A_661 = vector.broadcast %mul3A_660 : i32 to vector<16xi32>
        %mul3A_662 = arith.muli %get3A_659, %mul3A_661 : vector<16xi32>
        %add3A_663 = vector.broadcast %scan3A_31 : i32 to vector<16xi32>
        %add3A_664 = arith.addi %mul3A_662, %add3A_663 : vector<16xi32>
        %swap3A_665 = arith.constant 768 : index
        %swap3A_666 = tpu.vector_load %arg9[%swap3A_665] {strides = array<i32>} : memref<1024xi32, #tpu.memory_space<vmem>>, vector<16xi32>,
        %swap3A_667 = vector.shape_cast %swap3A_666 : vector<16xi32> to vector<16xi32>
        %swap3A_668 = vector.shape_cast %add3A_664 : vector<16xi32> to vector<16xi32>
        tpu.vector_store %arg9[%swap3A_665], %swap3A_668 {strides = array<i32>} : memref<1024xi32, #tpu.memory_space<vmem>>, vector<16xi32>,
        %get3A_669 = arith.constant 784 : index
        %get3A_670 = tpu.vector_load %arg8[%get3A_669] {strides = array<i32>} : memref<1024xi32, #tpu.memory_space<vmem>>, vector<16xi32>,
        %get3A_671 = vector.shape_cast %get3A_670 : vector<16xi32> to vector<16xi32>
        %mul3A_672 = arith.constant 8 : i32
        %mul3A_673 = vector.broadcast %mul3A_672 : i32 to vector<16xi32>
        %mul3A_674 = arith.muli %get3A_671, %mul3A_673 : vector<16xi32>
        %add3A_675 = vector.broadcast %scan3A_31 : i32 to vector<16xi32>
        %add3A_676 = arith.addi %mul3A_674, %add3A_675 : vector<16xi32>
        %swap3A_677 = arith.constant 784 : index
        %swap3A_678 = tpu.vector_load %arg9[%swap3A_677] {strides = array<i32>} : memref<1024xi32, #tpu.memory_space<vmem>>, vector<16xi32>,
        %swap3A_679 = vector.shape_cast %swap3A_678 : vector<16xi32> to vector<16xi32>
        %swap3A_680 = vector.shape_cast %add3A_676 : vector<16xi32> to vector<16xi32>
        tpu.vector_store %arg9[%swap3A_677], %swap3A_680 {strides = array<i32>} : memref<1024xi32, #tpu.memory_space<vmem>>, vector<16xi32>,
        %get3A_681 = arith.constant 800 : index
        %get3A_682 = tpu.vector_load %arg8[%get3A_681] {strides = array<i32>} : memref<1024xi32, #tpu.memory_space<vmem>>, vector<16xi32>,
        %get3A_683 = vector.shape_cast %get3A_682 : vector<16xi32> to vector<16xi32>
        %mul3A_684 = arith.constant 8 : i32
        %mul3A_685 = vector.broadcast %mul3A_684 : i32 to vector<16xi32>
        %mul3A_686 = arith.muli %get3A_683, %mul3A_685 : vector<16xi32>
        %add3A_687 = vector.broadcast %scan3A_31 : i32 to vector<16xi32>
        %add3A_688 = arith.addi %mul3A_686, %add3A_687 : vector<16xi32>
        %swap3A_689 = arith.constant 800 : index
        %swap3A_690 = tpu.vector_load %arg9[%swap3A_689] {strides = array<i32>} : memref<1024xi32, #tpu.memory_space<vmem>>, vector<16xi32>,
        %swap3A_691 = vector.shape_cast %swap3A_690 : vector<16xi32> to vector<16xi32>
        %swap3A_692 = vector.shape_cast %add3A_688 : vector<16xi32> to vector<16xi32>
        tpu.vector_store %arg9[%swap3A_689], %swap3A_692 {strides = array<i32>} : memref<1024xi32, #tpu.memory_space<vmem>>, vector<16xi32>,
        %get3A_693 = arith.constant 816 : index
        %get3A_694 = tpu.vector_load %arg8[%get3A_693] {strides = array<i32>} : memref<1024xi32, #tpu.memory_space<vmem>>, vector<16xi32>,
        %get3A_695 = vector.shape_cast %get3A_694 : vector<16xi32> to vector<16xi32>
        %mul3A_696 = arith.constant 8 : i32
        %mul3A_697 = vector.broadcast %mul3A_696 : i32 to vector<16xi32>
        %mul3A_698 = arith.muli %get3A_695, %mul3A_697 : vector<16xi32>
        %add3A_699 = vector.broadcast %scan3A_31 : i32 to vector<16xi32>
        %add3A_700 = arith.addi %mul3A_698, %add3A_699 : vector<16xi32>
        %swap3A_701 = arith.constant 816 : index
        %swap3A_702 = tpu.vector_load %arg9[%swap3A_701] {strides = array<i32>} : memref<1024xi32, #tpu.memory_space<vmem>>, vector<16xi32>,
        %swap3A_703 = vector.shape_cast %swap3A_702 : vector<16xi32> to vector<16xi32>
        %swap3A_704 = vector.shape_cast %add3A_700 : vector<16xi32> to vector<16xi32>
        tpu.vector_store %arg9[%swap3A_701], %swap3A_704 {strides = array<i32>} : memref<1024xi32, #tpu.memory_space<vmem>>, vector<16xi32>,
        %get3A_705 = arith.constant 832 : index
        %get3A_706 = tpu.vector_load %arg8[%get3A_705] {strides = array<i32>} : memref<1024xi32, #tpu.memory_space<vmem>>, vector<16xi32>,
        %get3A_707 = vector.shape_cast %get3A_706 : vector<16xi32> to vector<16xi32>
        %mul3A_708 = arith.constant 8 : i32
        %mul3A_709 = vector.broadcast %mul3A_708 : i32 to vector<16xi32>
        %mul3A_710 = arith.muli %get3A_707, %mul3A_709 : vector<16xi32>
        %add3A_711 = vector.broadcast %scan3A_31 : i32 to vector<16xi32>
        %add3A_712 = arith.addi %mul3A_710, %add3A_711 : vector<16xi32>
        %swap3A_713 = arith.constant 832 : index
        %swap3A_714 = tpu.vector_load %arg9[%swap3A_713] {strides = array<i32>} : memref<1024xi32, #tpu.memory_space<vmem>>, vector<16xi32>,
        %swap3A_715 = vector.shape_cast %swap3A_714 : vector<16xi32> to vector<16xi32>
        %swap3A_716 = vector.shape_cast %add3A_712 : vector<16xi32> to vector<16xi32>
        tpu.vector_store %arg9[%swap3A_713], %swap3A_716 {strides = array<i32>} : memref<1024xi32, #tpu.memory_space<vmem>>, vector<16xi32>,
        %get3A_717 = arith.constant 848 : index
        %get3A_718 = tpu.vector_load %arg8[%get3A_717] {strides = array<i32>} : memref<1024xi32, #tpu.memory_space<vmem>>, vector<16xi32>,
        %get3A_719 = vector.shape_cast %get3A_718 : vector<16xi32> to vector<16xi32>
        %mul3A_720 = arith.constant 8 : i32
        %mul3A_721 = vector.broadcast %mul3A_720 : i32 to vector<16xi32>
        %mul3A_722 = arith.muli %get3A_719, %mul3A_721 : vector<16xi32>
        %add3A_723 = vector.broadcast %scan3A_31 : i32 to vector<16xi32>
        %add3A_724 = arith.addi %mul3A_722, %add3A_723 : vector<16xi32>
        %swap3A_725 = arith.constant 848 : index
        %swap3A_726 = tpu.vector_load %arg9[%swap3A_725] {strides = array<i32>} : memref<1024xi32, #tpu.memory_space<vmem>>, vector<16xi32>,
        %swap3A_727 = vector.shape_cast %swap3A_726 : vector<16xi32> to vector<16xi32>
        %swap3A_728 = vector.shape_cast %add3A_724 : vector<16xi32> to vector<16xi32>
        tpu.vector_store %arg9[%swap3A_725], %swap3A_728 {strides = array<i32>} : memref<1024xi32, #tpu.memory_space<vmem>>, vector<16xi32>,
        %get3A_729 = arith.constant 864 : index
        %get3A_730 = tpu.vector_load %arg8[%get3A_729] {strides = array<i32>} : memref<1024xi32, #tpu.memory_space<vmem>>, vector<16xi32>,
        %get3A_731 = vector.shape_cast %get3A_730 : vector<16xi32> to vector<16xi32>
        %mul3A_732 = arith.constant 8 : i32
        %mul3A_733 = vector.broadcast %mul3A_732 : i32 to vector<16xi32>
        %mul3A_734 = arith.muli %get3A_731, %mul3A_733 : vector<16xi32>
        %add3A_735 = vector.broadcast %scan3A_31 : i32 to vector<16xi32>
        %add3A_736 = arith.addi %mul3A_734, %add3A_735 : vector<16xi32>
        %swap3A_737 = arith.constant 864 : index
        %swap3A_738 = tpu.vector_load %arg9[%swap3A_737] {strides = array<i32>} : memref<1024xi32, #tpu.memory_space<vmem>>, vector<16xi32>,
        %swap3A_739 = vector.shape_cast %swap3A_738 : vector<16xi32> to vector<16xi32>
        %swap3A_740 = vector.shape_cast %add3A_736 : vector<16xi32> to vector<16xi32>
        tpu.vector_store %arg9[%swap3A_737], %swap3A_740 {strides = array<i32>} : memref<1024xi32, #tpu.memory_space<vmem>>, vector<16xi32>,
        %get3A_741 = arith.constant 880 : index
        %get3A_742 = tpu.vector_load %arg8[%get3A_741] {strides = array<i32>} : memref<1024xi32, #tpu.memory_space<vmem>>, vector<16xi32>,
        %get3A_743 = vector.shape_cast %get3A_742 : vector<16xi32> to vector<16xi32>
        %mul3A_744 = arith.constant 8 : i32
        %mul3A_745 = vector.broadcast %mul3A_744 : i32 to vector<16xi32>
        %mul3A_746 = arith.muli %get3A_743, %mul3A_745 : vector<16xi32>
        %add3A_747 = vector.broadcast %scan3A_31 : i32 to vector<16xi32>
        %add3A_748 = arith.addi %mul3A_746, %add3A_747 : vector<16xi32>
        %swap3A_749 = arith.constant 880 : index
        %swap3A_750 = tpu.vector_load %arg9[%swap3A_749] {strides = array<i32>} : memref<1024xi32, #tpu.memory_space<vmem>>, vector<16xi32>,
        %swap3A_751 = vector.shape_cast %swap3A_750 : vector<16xi32> to vector<16xi32>
        %swap3A_752 = vector.shape_cast %add3A_748 : vector<16xi32> to vector<16xi32>
        tpu.vector_store %arg9[%swap3A_749], %swap3A_752 {strides = array<i32>} : memref<1024xi32, #tpu.memory_space<vmem>>, vector<16xi32>,
        %get3A_753 = arith.constant 896 : index
        %get3A_754 = tpu.vector_load %arg8[%get3A_753] {strides = array<i32>} : memref<1024xi32, #tpu.memory_space<vmem>>, vector<16xi32>,
        %get3A_755 = vector.shape_cast %get3A_754 : vector<16xi32> to vector<16xi32>
        %mul3A_756 = arith.constant 8 : i32
        %mul3A_757 = vector.broadcast %mul3A_756 : i32 to vector<16xi32>
        %mul3A_758 = arith.muli %get3A_755, %mul3A_757 : vector<16xi32>
        %add3A_759 = vector.broadcast %scan3A_31 : i32 to vector<16xi32>
        %add3A_760 = arith.addi %mul3A_758, %add3A_759 : vector<16xi32>
        %swap3A_761 = arith.constant 896 : index
        %swap3A_762 = tpu.vector_load %arg9[%swap3A_761] {strides = array<i32>} : memref<1024xi32, #tpu.memory_space<vmem>>, vector<16xi32>,
        %swap3A_763 = vector.shape_cast %swap3A_762 : vector<16xi32> to vector<16xi32>
        %swap3A_764 = vector.shape_cast %add3A_760 : vector<16xi32> to vector<16xi32>
        tpu.vector_store %arg9[%swap3A_761], %swap3A_764 {strides = array<i32>} : memref<1024xi32, #tpu.memory_space<vmem>>, vector<16xi32>,
        %get3A_765 = arith.constant 912 : index
        %get3A_766 = tpu.vector_load %arg8[%get3A_765] {strides = array<i32>} : memref<1024xi32, #tpu.memory_space<vmem>>, vector<16xi32>,
        %get3A_767 = vector.shape_cast %get3A_766 : vector<16xi32> to vector<16xi32>
        %mul3A_768 = arith.constant 8 : i32
        %mul3A_769 = vector.broadcast %mul3A_768 : i32 to vector<16xi32>
        %mul3A_770 = arith.muli %get3A_767, %mul3A_769 : vector<16xi32>
        %add3A_771 = vector.broadcast %scan3A_31 : i32 to vector<16xi32>
        %add3A_772 = arith.addi %mul3A_770, %add3A_771 : vector<16xi32>
        %swap3A_773 = arith.constant 912 : index
        %swap3A_774 = tpu.vector_load %arg9[%swap3A_773] {strides = array<i32>} : memref<1024xi32, #tpu.memory_space<vmem>>, vector<16xi32>,
        %swap3A_775 = vector.shape_cast %swap3A_774 : vector<16xi32> to vector<16xi32>
        %swap3A_776 = vector.shape_cast %add3A_772 : vector<16xi32> to vector<16xi32>
        tpu.vector_store %arg9[%swap3A_773], %swap3A_776 {strides = array<i32>} : memref<1024xi32, #tpu.memory_space<vmem>>, vector<16xi32>,
        %get3A_777 = arith.constant 928 : index
        %get3A_778 = tpu.vector_load %arg8[%get3A_777] {strides = array<i32>} : memref<1024xi32, #tpu.memory_space<vmem>>, vector<16xi32>,
        %get3A_779 = vector.shape_cast %get3A_778 : vector<16xi32> to vector<16xi32>
        %mul3A_780 = arith.constant 8 : i32
        %mul3A_781 = vector.broadcast %mul3A_780 : i32 to vector<16xi32>
        %mul3A_782 = arith.muli %get3A_779, %mul3A_781 : vector<16xi32>
        %add3A_783 = vector.broadcast %scan3A_31 : i32 to vector<16xi32>
        %add3A_784 = arith.addi %mul3A_782, %add3A_783 : vector<16xi32>
        %swap3A_785 = arith.constant 928 : index
        %swap3A_786 = tpu.vector_load %arg9[%swap3A_785] {strides = array<i32>} : memref<1024xi32, #tpu.memory_space<vmem>>, vector<16xi32>,
        %swap3A_787 = vector.shape_cast %swap3A_786 : vector<16xi32> to vector<16xi32>
        %swap3A_788 = vector.shape_cast %add3A_784 : vector<16xi32> to vector<16xi32>
        tpu.vector_store %arg9[%swap3A_785], %swap3A_788 {strides = array<i32>} : memref<1024xi32, #tpu.memory_space<vmem>>, vector<16xi32>,
        %get3A_789 = arith.constant 944 : index
        %get3A_790 = tpu.vector_load %arg8[%get3A_789] {strides = array<i32>} : memref<1024xi32, #tpu.memory_space<vmem>>, vector<16xi32>,
        %get3A_791 = vector.shape_cast %get3A_790 : vector<16xi32> to vector<16xi32>
        %mul3A_792 = arith.constant 8 : i32
        %mul3A_793 = vector.broadcast %mul3A_792 : i32 to vector<16xi32>
        %mul3A_794 = arith.muli %get3A_791, %mul3A_793 : vector<16xi32>
        %add3A_795 = vector.broadcast %scan3A_31 : i32 to vector<16xi32>
        %add3A_796 = arith.addi %mul3A_794, %add3A_795 : vector<16xi32>
        %swap3A_797 = arith.constant 944 : index
        %swap3A_798 = tpu.vector_load %arg9[%swap3A_797] {strides = array<i32>} : memref<1024xi32, #tpu.memory_space<vmem>>, vector<16xi32>,
        %swap3A_799 = vector.shape_cast %swap3A_798 : vector<16xi32> to vector<16xi32>
        %swap3A_800 = vector.shape_cast %add3A_796 : vector<16xi32> to vector<16xi32>
        tpu.vector_store %arg9[%swap3A_797], %swap3A_800 {strides = array<i32>} : memref<1024xi32, #tpu.memory_space<vmem>>, vector<16xi32>,
        %get3A_801 = arith.constant 960 : index
        %get3A_802 = tpu.vector_load %arg8[%get3A_801] {strides = array<i32>} : memref<1024xi32, #tpu.memory_space<vmem>>, vector<16xi32>,
        %get3A_803 = vector.shape_cast %get3A_802 : vector<16xi32> to vector<16xi32>
        %mul3A_804 = arith.constant 8 : i32
        %mul3A_805 = vector.broadcast %mul3A_804 : i32 to vector<16xi32>
        %mul3A_806 = arith.muli %get3A_803, %mul3A_805 : vector<16xi32>
        %add3A_807 = vector.broadcast %scan3A_31 : i32 to vector<16xi32>
        %add3A_808 = arith.addi %mul3A_806, %add3A_807 : vector<16xi32>
        %swap3A_809 = arith.constant 960 : index
        %swap3A_810 = tpu.vector_load %arg9[%swap3A_809] {strides = array<i32>} : memref<1024xi32, #tpu.memory_space<vmem>>, vector<16xi32>,
        %swap3A_811 = vector.shape_cast %swap3A_810 : vector<16xi32> to vector<16xi32>
        %swap3A_812 = vector.shape_cast %add3A_808 : vector<16xi32> to vector<16xi32>
        tpu.vector_store %arg9[%swap3A_809], %swap3A_812 {strides = array<i32>} : memref<1024xi32, #tpu.memory_space<vmem>>, vector<16xi32>,
        %get3A_813 = arith.constant 976 : index
        %get3A_814 = tpu.vector_load %arg8[%get3A_813] {strides = array<i32>} : memref<1024xi32, #tpu.memory_space<vmem>>, vector<16xi32>,
        %get3A_815 = vector.shape_cast %get3A_814 : vector<16xi32> to vector<16xi32>
        %mul3A_816 = arith.constant 8 : i32
        %mul3A_817 = vector.broadcast %mul3A_816 : i32 to vector<16xi32>
        %mul3A_818 = arith.muli %get3A_815, %mul3A_817 : vector<16xi32>
        %add3A_819 = vector.broadcast %scan3A_31 : i32 to vector<16xi32>
        %add3A_820 = arith.addi %mul3A_818, %add3A_819 : vector<16xi32>
        %swap3A_821 = arith.constant 976 : index
        %swap3A_822 = tpu.vector_load %arg9[%swap3A_821] {strides = array<i32>} : memref<1024xi32, #tpu.memory_space<vmem>>, vector<16xi32>,
        %swap3A_823 = vector.shape_cast %swap3A_822 : vector<16xi32> to vector<16xi32>
        %swap3A_824 = vector.shape_cast %add3A_820 : vector<16xi32> to vector<16xi32>
        tpu.vector_store %arg9[%swap3A_821], %swap3A_824 {strides = array<i32>} : memref<1024xi32, #tpu.memory_space<vmem>>, vector<16xi32>,
        %get3A_825 = arith.constant 992 : index
        %get3A_826 = tpu.vector_load %arg8[%get3A_825] {strides = array<i32>} : memref<1024xi32, #tpu.memory_space<vmem>>, vector<16xi32>,
        %get3A_827 = vector.shape_cast %get3A_826 : vector<16xi32> to vector<16xi32>
        %mul3A_828 = arith.constant 8 : i32
        %mul3A_829 = vector.broadcast %mul3A_828 : i32 to vector<16xi32>
        %mul3A_830 = arith.muli %get3A_827, %mul3A_829 : vector<16xi32>
        %add3A_831 = vector.broadcast %scan3A_31 : i32 to vector<16xi32>
        %add3A_832 = arith.addi %mul3A_830, %add3A_831 : vector<16xi32>
        %swap3A_833 = arith.constant 992 : index
        %swap3A_834 = tpu.vector_load %arg9[%swap3A_833] {strides = array<i32>} : memref<1024xi32, #tpu.memory_space<vmem>>, vector<16xi32>,
        %swap3A_835 = vector.shape_cast %swap3A_834 : vector<16xi32> to vector<16xi32>
        %swap3A_836 = vector.shape_cast %add3A_832 : vector<16xi32> to vector<16xi32>
        tpu.vector_store %arg9[%swap3A_833], %swap3A_836 {strides = array<i32>} : memref<1024xi32, #tpu.memory_space<vmem>>, vector<16xi32>,
        %get3A_837 = arith.constant 1008 : index
        %get3A_838 = tpu.vector_load %arg8[%get3A_837] {strides = array<i32>} : memref<1024xi32, #tpu.memory_space<vmem>>, vector<16xi32>,
        %get3A_839 = vector.shape_cast %get3A_838 : vector<16xi32> to vector<16xi32>
        %mul3A_840 = arith.constant 8 : i32
        %mul3A_841 = vector.broadcast %mul3A_840 : i32 to vector<16xi32>
        %mul3A_842 = arith.muli %get3A_839, %mul3A_841 : vector<16xi32>
        %add3A_843 = vector.broadcast %scan3A_31 : i32 to vector<16xi32>
        %add3A_844 = arith.addi %mul3A_842, %add3A_843 : vector<16xi32>
        %swap3A_845 = arith.constant 1008 : index
        %swap3A_846 = tpu.vector_load %arg9[%swap3A_845] {strides = array<i32>} : memref<1024xi32, #tpu.memory_space<vmem>>, vector<16xi32>,
        %swap3A_847 = vector.shape_cast %swap3A_846 : vector<16xi32> to vector<16xi32>
        %swap3A_848 = vector.shape_cast %add3A_844 : vector<16xi32> to vector<16xi32>
        tpu.vector_store %arg9[%swap3A_845], %swap3A_848 {strides = array<i32>} : memref<1024xi32, #tpu.memory_space<vmem>>, vector<16xi32>,
        %dma_start3A = arith.constant 0 : i32
        %dma_start3A_849 = arith.constant 0 : i32
        %dma_start3A_850 = tpu.memref_slice %arg11[%dma_start3A, %dma_start3A_849] : memref<1024x16xf32, #tpu.memory_space<vmem>> -> memref<128x16xf32, #tpu.memory_space<vmem>>
        %dma_start3A_851 = arith.constant 0 : i32
        %dma_start3A_852 = tpu.memref_slice %arg9[%dma_start3A_851] : memref<1024xi32, #tpu.memory_space<vmem>> -> memref<128xi32, #tpu.memory_space<vmem>>
        %dma_start3A_853 = arith.constant 0 : i32
        %dma_start3A_854 = arith.constant 0 : i32
        %dma_start3A_855 = tpu.memref_slice %arg2[%dma_start3A_853, %dma_start3A_854] : memref<819200x16xf32, #tpu.memory_space<hbm>> -> memref<819200x16xf32, #tpu.memory_space<hbm>>
        tpu.enqueue_indirect_dma source(%dma_start3A_855 : memref<819200x16xf32, #tpu.memory_space<hbm>>) target(%dma_start3A_850 : memref<128x16xf32, #tpu.memory_space<vmem>>) offsets(%dma_start3A_852 : memref<128xi32, #tpu.memory_space<vmem>>) semaphore(%arg15 : memref<!tpu.dma_semaphore, #tpu.memory_space<semaphore_mem>>)
        %dma_start3A_856 = arith.constant 128 : i32
        %dma_start3A_857 = arith.constant 0 : i32
        %dma_start3A_858 = tpu.memref_slice %arg11[%dma_start3A_856, %dma_start3A_857] : memref<1024x16xf32, #tpu.memory_space<vmem>> -> memref<128x16xf32, #tpu.memory_space<vmem>>
        %dma_start3A_859 = arith.constant 128 : i32
        %dma_start3A_860 = tpu.memref_slice %arg9[%dma_start3A_859] : memref<1024xi32, #tpu.memory_space<vmem>> -> memref<128xi32, #tpu.memory_space<vmem>>
        %dma_start3A_861 = arith.constant 0 : i32
        %dma_start3A_862 = arith.constant 0 : i32
        %dma_start3A_863 = tpu.memref_slice %arg2[%dma_start3A_861, %dma_start3A_862] : memref<819200x16xf32, #tpu.memory_space<hbm>> -> memref<819200x16xf32, #tpu.memory_space<hbm>>
        tpu.enqueue_indirect_dma source(%dma_start3A_863 : memref<819200x16xf32, #tpu.memory_space<hbm>>) target(%dma_start3A_858 : memref<128x16xf32, #tpu.memory_space<vmem>>) offsets(%dma_start3A_860 : memref<128xi32, #tpu.memory_space<vmem>>) semaphore(%arg15 : memref<!tpu.dma_semaphore, #tpu.memory_space<semaphore_mem>>)
        %dma_start3A_864 = arith.constant 256 : i32
        %dma_start3A_865 = arith.constant 0 : i32
        %dma_start3A_866 = tpu.memref_slice %arg11[%dma_start3A_864, %dma_start3A_865] : memref<1024x16xf32, #tpu.memory_space<vmem>> -> memref<128x16xf32, #tpu.memory_space<vmem>>
        %dma_start3A_867 = arith.constant 256 : i32
        %dma_start3A_868 = tpu.memref_slice %arg9[%dma_start3A_867] : memref<1024xi32, #tpu.memory_space<vmem>> -> memref<128xi32, #tpu.memory_space<vmem>>
        %dma_start3A_869 = arith.constant 0 : i32
        %dma_start3A_870 = arith.constant 0 : i32
        %dma_start3A_871 = tpu.memref_slice %arg2[%dma_start3A_869, %dma_start3A_870] : memref<819200x16xf32, #tpu.memory_space<hbm>> -> memref<819200x16xf32, #tpu.memory_space<hbm>>
        tpu.enqueue_indirect_dma source(%dma_start3A_871 : memref<819200x16xf32, #tpu.memory_space<hbm>>) target(%dma_start3A_866 : memref<128x16xf32, #tpu.memory_space<vmem>>) offsets(%dma_start3A_868 : memref<128xi32, #tpu.memory_space<vmem>>) semaphore(%arg15 : memref<!tpu.dma_semaphore, #tpu.memory_space<semaphore_mem>>)
        %dma_start3A_872 = arith.constant 384 : i32
        %dma_start3A_873 = arith.constant 0 : i32
        %dma_start3A_874 = tpu.memref_slice %arg11[%dma_start3A_872, %dma_start3A_873] : memref<1024x16xf32, #tpu.memory_space<vmem>> -> memref<128x16xf32, #tpu.memory_space<vmem>>
        %dma_start3A_875 = arith.constant 384 : i32
        %dma_start3A_876 = tpu.memref_slice %arg9[%dma_start3A_875] : memref<1024xi32, #tpu.memory_space<vmem>> -> memref<128xi32, #tpu.memory_space<vmem>>
        %dma_start3A_877 = arith.constant 0 : i32
        %dma_start3A_878 = arith.constant 0 : i32
        %dma_start3A_879 = tpu.memref_slice %arg2[%dma_start3A_877, %dma_start3A_878] : memref<819200x16xf32, #tpu.memory_space<hbm>> -> memref<819200x16xf32, #tpu.memory_space<hbm>>
        tpu.enqueue_indirect_dma source(%dma_start3A_879 : memref<819200x16xf32, #tpu.memory_space<hbm>>) target(%dma_start3A_874 : memref<128x16xf32, #tpu.memory_space<vmem>>) offsets(%dma_start3A_876 : memref<128xi32, #tpu.memory_space<vmem>>) semaphore(%arg15 : memref<!tpu.dma_semaphore, #tpu.memory_space<semaphore_mem>>)
        %dma_start3A_880 = arith.constant 512 : i32
        %dma_start3A_881 = arith.constant 0 : i32
        %dma_start3A_882 = tpu.memref_slice %arg11[%dma_start3A_880, %dma_start3A_881] : memref<1024x16xf32, #tpu.memory_space<vmem>> -> memref<128x16xf32, #tpu.memory_space<vmem>>
        %dma_start3A_883 = arith.constant 512 : i32
        %dma_start3A_884 = tpu.memref_slice %arg9[%dma_start3A_883] : memref<1024xi32, #tpu.memory_space<vmem>> -> memref<128xi32, #tpu.memory_space<vmem>>
        %dma_start3A_885 = arith.constant 0 : i32
        %dma_start3A_886 = arith.constant 0 : i32
        %dma_start3A_887 = tpu.memref_slice %arg2[%dma_start3A_885, %dma_start3A_886] : memref<819200x16xf32, #tpu.memory_space<hbm>> -> memref<819200x16xf32, #tpu.memory_space<hbm>>
        tpu.enqueue_indirect_dma source(%dma_start3A_887 : memref<819200x16xf32, #tpu.memory_space<hbm>>) target(%dma_start3A_882 : memref<128x16xf32, #tpu.memory_space<vmem>>) offsets(%dma_start3A_884 : memref<128xi32, #tpu.memory_space<vmem>>) semaphore(%arg15 : memref<!tpu.dma_semaphore, #tpu.memory_space<semaphore_mem>>)
        %dma_start3A_888 = arith.constant 640 : i32
        %dma_start3A_889 = arith.constant 0 : i32
        %dma_start3A_890 = tpu.memref_slice %arg11[%dma_start3A_888, %dma_start3A_889] : memref<1024x16xf32, #tpu.memory_space<vmem>> -> memref<128x16xf32, #tpu.memory_space<vmem>>
        %dma_start3A_891 = arith.constant 640 : i32
        %dma_start3A_892 = tpu.memref_slice %arg9[%dma_start3A_891] : memref<1024xi32, #tpu.memory_space<vmem>> -> memref<128xi32, #tpu.memory_space<vmem>>
        %dma_start3A_893 = arith.constant 0 : i32
        %dma_start3A_894 = arith.constant 0 : i32
        %dma_start3A_895 = tpu.memref_slice %arg2[%dma_start3A_893, %dma_start3A_894] : memref<819200x16xf32, #tpu.memory_space<hbm>> -> memref<819200x16xf32, #tpu.memory_space<hbm>>
        tpu.enqueue_indirect_dma source(%dma_start3A_895 : memref<819200x16xf32, #tpu.memory_space<hbm>>) target(%dma_start3A_890 : memref<128x16xf32, #tpu.memory_space<vmem>>) offsets(%dma_start3A_892 : memref<128xi32, #tpu.memory_space<vmem>>) semaphore(%arg15 : memref<!tpu.dma_semaphore, #tpu.memory_space<semaphore_mem>>)
        %dma_start3A_896 = arith.constant 768 : i32
        %dma_start3A_897 = arith.constant 0 : i32
        %dma_start3A_898 = tpu.memref_slice %arg11[%dma_start3A_896, %dma_start3A_897] : memref<1024x16xf32, #tpu.memory_space<vmem>> -> memref<128x16xf32, #tpu.memory_space<vmem>>
        %dma_start3A_899 = arith.constant 768 : i32
        %dma_start3A_900 = tpu.memref_slice %arg9[%dma_start3A_899] : memref<1024xi32, #tpu.memory_space<vmem>> -> memref<128xi32, #tpu.memory_space<vmem>>
        %dma_start3A_901 = arith.constant 0 : i32
        %dma_start3A_902 = arith.constant 0 : i32
        %dma_start3A_903 = tpu.memref_slice %arg2[%dma_start3A_901, %dma_start3A_902] : memref<819200x16xf32, #tpu.memory_space<hbm>> -> memref<819200x16xf32, #tpu.memory_space<hbm>>
        tpu.enqueue_indirect_dma source(%dma_start3A_903 : memref<819200x16xf32, #tpu.memory_space<hbm>>) target(%dma_start3A_898 : memref<128x16xf32, #tpu.memory_space<vmem>>) offsets(%dma_start3A_900 : memref<128xi32, #tpu.memory_space<vmem>>) semaphore(%arg15 : memref<!tpu.dma_semaphore, #tpu.memory_space<semaphore_mem>>)
        %dma_start3A_904 = arith.constant 896 : i32
        %dma_start3A_905 = arith.constant 0 : i32
        %dma_start3A_906 = tpu.memref_slice %arg11[%dma_start3A_904, %dma_start3A_905] : memref<1024x16xf32, #tpu.memory_space<vmem>> -> memref<128x16xf32, #tpu.memory_space<vmem>>
        %dma_start3A_907 = arith.constant 896 : i32
        %dma_start3A_908 = tpu.memref_slice %arg9[%dma_start3A_907] : memref<1024xi32, #tpu.memory_space<vmem>> -> memref<128xi32, #tpu.memory_space<vmem>>
        %dma_start3A_909 = arith.constant 0 : i32
        %dma_start3A_910 = arith.constant 0 : i32
        %dma_start3A_911 = tpu.memref_slice %arg2[%dma_start3A_909, %dma_start3A_910] : memref<819200x16xf32, #tpu.memory_space<hbm>> -> memref<819200x16xf32, #tpu.memory_space<hbm>>
        tpu.enqueue_indirect_dma source(%dma_start3A_911 : memref<819200x16xf32, #tpu.memory_space<hbm>>) target(%dma_start3A_906 : memref<128x16xf32, #tpu.memory_space<vmem>>) offsets(%dma_start3A_908 : memref<128xi32, #tpu.memory_space<vmem>>) semaphore(%arg15 : memref<!tpu.dma_semaphore, #tpu.memory_space<semaphore_mem>>)
        %dma_wait3A = arith.constant 0 : i32
        %dma_wait3A_912 = arith.constant 0 : i32
        %dma_wait3A_913 = tpu.memref_slice %arg11[%dma_wait3A, %dma_wait3A_912] : memref<1024x16xf32, #tpu.memory_space<vmem>> -> memref<128x16xf32, #tpu.memory_space<vmem>>
        %dma_wait3A_914 = arith.constant 0 : i32
        %dma_wait3A_915 = tpu.memref_slice %arg9[%dma_wait3A_914] : memref<1024xi32, #tpu.memory_space<vmem>> -> memref<128xi32, #tpu.memory_space<vmem>>
        %dma_wait3A_916 = arith.constant 0 : i32
        %dma_wait3A_917 = arith.constant 0 : i32
        %dma_wait3A_918 = tpu.memref_slice %arg2[%dma_wait3A_916, %dma_wait3A_917] : memref<819200x16xf32, #tpu.memory_space<hbm>> -> memref<819200x16xf32, #tpu.memory_space<hbm>>
        tpu.wait_indirect_dma semaphore(%arg15 : memref<!tpu.dma_semaphore, #tpu.memory_space<semaphore_mem>>) src(%dma_wait3A_918 : memref<819200x16xf32, #tpu.memory_space<hbm>>) dst(%dma_wait3A_913 : memref<128x16xf32, #tpu.memory_space<vmem>>)
        %dma_wait3A_919 = arith.constant 128 : i32
        %dma_wait3A_920 = arith.constant 0 : i32
        %dma_wait3A_921 = tpu.memref_slice %arg11[%dma_wait3A_919, %dma_wait3A_920] : memref<1024x16xf32, #tpu.memory_space<vmem>> -> memref<128x16xf32, #tpu.memory_space<vmem>>
        %dma_wait3A_922 = arith.constant 128 : i32
        %dma_wait3A_923 = tpu.memref_slice %arg9[%dma_wait3A_922] : memref<1024xi32, #tpu.memory_space<vmem>> -> memref<128xi32, #tpu.memory_space<vmem>>
        %dma_wait3A_924 = arith.constant 0 : i32
        %dma_wait3A_925 = arith.constant 0 : i32
        %dma_wait3A_926 = tpu.memref_slice %arg2[%dma_wait3A_924, %dma_wait3A_925] : memref<819200x16xf32, #tpu.memory_space<hbm>> -> memref<819200x16xf32, #tpu.memory_space<hbm>>
        tpu.wait_indirect_dma semaphore(%arg15 : memref<!tpu.dma_semaphore, #tpu.memory_space<semaphore_mem>>) src(%dma_wait3A_926 : memref<819200x16xf32, #tpu.memory_space<hbm>>) dst(%dma_wait3A_921 : memref<128x16xf32, #tpu.memory_space<vmem>>)
        %dma_wait3A_927 = arith.constant 256 : i32
        %dma_wait3A_928 = arith.constant 0 : i32
        %dma_wait3A_929 = tpu.memref_slice %arg11[%dma_wait3A_927, %dma_wait3A_928] : memref<1024x16xf32, #tpu.memory_space<vmem>> -> memref<128x16xf32, #tpu.memory_space<vmem>>
        %dma_wait3A_930 = arith.constant 256 : i32
        %dma_wait3A_931 = tpu.memref_slice %arg9[%dma_wait3A_930] : memref<1024xi32, #tpu.memory_space<vmem>> -> memref<128xi32, #tpu.memory_space<vmem>>
        %dma_wait3A_932 = arith.constant 0 : i32
        %dma_wait3A_933 = arith.constant 0 : i32
        %dma_wait3A_934 = tpu.memref_slice %arg2[%dma_wait3A_932, %dma_wait3A_933] : memref<819200x16xf32, #tpu.memory_space<hbm>> -> memref<819200x16xf32, #tpu.memory_space<hbm>>
        tpu.wait_indirect_dma semaphore(%arg15 : memref<!tpu.dma_semaphore, #tpu.memory_space<semaphore_mem>>) src(%dma_wait3A_934 : memref<819200x16xf32, #tpu.memory_space<hbm>>) dst(%dma_wait3A_929 : memref<128x16xf32, #tpu.memory_space<vmem>>)
        %dma_wait3A_935 = arith.constant 384 : i32
        %dma_wait3A_936 = arith.constant 0 : i32
        %dma_wait3A_937 = tpu.memref_slice %arg11[%dma_wait3A_935, %dma_wait3A_936] : memref<1024x16xf32, #tpu.memory_space<vmem>> -> memref<128x16xf32, #tpu.memory_space<vmem>>
        %dma_wait3A_938 = arith.constant 384 : i32
        %dma_wait3A_939 = tpu.memref_slice %arg9[%dma_wait3A_938] : memref<1024xi32, #tpu.memory_space<vmem>> -> memref<128xi32, #tpu.memory_space<vmem>>
        %dma_wait3A_940 = arith.constant 0 : i32
        %dma_wait3A_941 = arith.constant 0 : i32
        %dma_wait3A_942 = tpu.memref_slice %arg2[%dma_wait3A_940, %dma_wait3A_941] : memref<819200x16xf32, #tpu.memory_space<hbm>> -> memref<819200x16xf32, #tpu.memory_space<hbm>>
        tpu.wait_indirect_dma semaphore(%arg15 : memref<!tpu.dma_semaphore, #tpu.memory_space<semaphore_mem>>) src(%dma_wait3A_942 : memref<819200x16xf32, #tpu.memory_space<hbm>>) dst(%dma_wait3A_937 : memref<128x16xf32, #tpu.memory_space<vmem>>)
        %dma_wait3A_943 = arith.constant 512 : i32
        %dma_wait3A_944 = arith.constant 0 : i32
        %dma_wait3A_945 = tpu.memref_slice %arg11[%dma_wait3A_943, %dma_wait3A_944] : memref<1024x16xf32, #tpu.memory_space<vmem>> -> memref<128x16xf32, #tpu.memory_space<vmem>>
        %dma_wait3A_946 = arith.constant 512 : i32
        %dma_wait3A_947 = tpu.memref_slice %arg9[%dma_wait3A_946] : memref<1024xi32, #tpu.memory_space<vmem>> -> memref<128xi32, #tpu.memory_space<vmem>>
        %dma_wait3A_948 = arith.constant 0 : i32
        %dma_wait3A_949 = arith.constant 0 : i32
        %dma_wait3A_950 = tpu.memref_slice %arg2[%dma_wait3A_948, %dma_wait3A_949] : memref<819200x16xf32, #tpu.memory_space<hbm>> -> memref<819200x16xf32, #tpu.memory_space<hbm>>
        tpu.wait_indirect_dma semaphore(%arg15 : memref<!tpu.dma_semaphore, #tpu.memory_space<semaphore_mem>>) src(%dma_wait3A_950 : memref<819200x16xf32, #tpu.memory_space<hbm>>) dst(%dma_wait3A_945 : memref<128x16xf32, #tpu.memory_space<vmem>>)
        %dma_wait3A_951 = arith.constant 640 : i32
        %dma_wait3A_952 = arith.constant 0 : i32
        %dma_wait3A_953 = tpu.memref_slice %arg11[%dma_wait3A_951, %dma_wait3A_952] : memref<1024x16xf32, #tpu.memory_space<vmem>> -> memref<128x16xf32, #tpu.memory_space<vmem>>
        %dma_wait3A_954 = arith.constant 640 : i32
        %dma_wait3A_955 = tpu.memref_slice %arg9[%dma_wait3A_954] : memref<1024xi32, #tpu.memory_space<vmem>> -> memref<128xi32, #tpu.memory_space<vmem>>
        %dma_wait3A_956 = arith.constant 0 : i32
        %dma_wait3A_957 = arith.constant 0 : i32
        %dma_wait3A_958 = tpu.memref_slice %arg2[%dma_wait3A_956, %dma_wait3A_957] : memref<819200x16xf32, #tpu.memory_space<hbm>> -> memref<819200x16xf32, #tpu.memory_space<hbm>>
        tpu.wait_indirect_dma semaphore(%arg15 : memref<!tpu.dma_semaphore, #tpu.memory_space<semaphore_mem>>) src(%dma_wait3A_958 : memref<819200x16xf32, #tpu.memory_space<hbm>>) dst(%dma_wait3A_953 : memref<128x16xf32, #tpu.memory_space<vmem>>)
        %dma_wait3A_959 = arith.constant 768 : i32
        %dma_wait3A_960 = arith.constant 0 : i32
        %dma_wait3A_961 = tpu.memref_slice %arg11[%dma_wait3A_959, %dma_wait3A_960] : memref<1024x16xf32, #tpu.memory_space<vmem>> -> memref<128x16xf32, #tpu.memory_space<vmem>>
        %dma_wait3A_962 = arith.constant 768 : i32
        %dma_wait3A_963 = tpu.memref_slice %arg9[%dma_wait3A_962] : memref<1024xi32, #tpu.memory_space<vmem>> -> memref<128xi32, #tpu.memory_space<vmem>>
        %dma_wait3A_964 = arith.constant 0 : i32
        %dma_wait3A_965 = arith.constant 0 : i32
        %dma_wait3A_966 = tpu.memref_slice %arg2[%dma_wait3A_964, %dma_wait3A_965] : memref<819200x16xf32, #tpu.memory_space<hbm>> -> memref<819200x16xf32, #tpu.memory_space<hbm>>
        tpu.wait_indirect_dma semaphore(%arg15 : memref<!tpu.dma_semaphore, #tpu.memory_space<semaphore_mem>>) src(%dma_wait3A_966 : memref<819200x16xf32, #tpu.memory_space<hbm>>) dst(%dma_wait3A_961 : memref<128x16xf32, #tpu.memory_space<vmem>>)
        %dma_wait3A_967 = arith.constant 896 : i32
        %dma_wait3A_968 = arith.constant 0 : i32
        %dma_wait3A_969 = tpu.memref_slice %arg11[%dma_wait3A_967, %dma_wait3A_968] : memref<1024x16xf32, #tpu.memory_space<vmem>> -> memref<128x16xf32, #tpu.memory_space<vmem>>
        %dma_wait3A_970 = arith.constant 896 : i32
        %dma_wait3A_971 = tpu.memref_slice %arg9[%dma_wait3A_970] : memref<1024xi32, #tpu.memory_space<vmem>> -> memref<128xi32, #tpu.memory_space<vmem>>
        %dma_wait3A_972 = arith.constant 0 : i32
        %dma_wait3A_973 = arith.constant 0 : i32
        %dma_wait3A_974 = tpu.memref_slice %arg2[%dma_wait3A_972, %dma_wait3A_973] : memref<819200x16xf32, #tpu.memory_space<hbm>> -> memref<819200x16xf32, #tpu.memory_space<hbm>>
        tpu.wait_indirect_dma semaphore(%arg15 : memref<!tpu.dma_semaphore, #tpu.memory_space<semaphore_mem>>) src(%dma_wait3A_974 : memref<819200x16xf32, #tpu.memory_space<hbm>>) dst(%dma_wait3A_969 : memref<128x16xf32, #tpu.memory_space<vmem>>)
        %run_scoped3A_975 = arith.constant 0 : i32
        "tpu.region"() ({
          %run_scoped3A_984 = tpu.sem_alloc : memref<!tpu.dma_semaphore, #tpu.memory_space<semaphore_mem>>
          %dma_start3A_985 = arith.constant 0 : i32
          %dma_start3A_986 = arith.constant 0 : i32
          %dma_start3A_987 = tpu.memref_slice %arg11[%dma_start3A_985, %dma_start3A_986] : memref<1024x16xf32, #tpu.memory_space<vmem>> -> memref<128x16xf32, #tpu.memory_space<vmem>>
          %dma_start3A_988 = arith.constant 0 : i32
          %dma_start3A_989 = tpu.memref_slice %arg10[%run_scoped3A_975, %dma_start3A_988] : memref<8x128xi32, #tpu.memory_space<vmem>> -> memref<1x128xi32, #tpu.memory_space<vmem>>
          %dma_start3A_990 = tpu.memref_squeeze %dma_start3A_989 : memref<1x128xi32, #tpu.memory_space<vmem>> -> memref<128xi32, #tpu.memory_space<vmem>>
          %dma_start3A_991 = arith.constant 0 : i32
          %dma_start3A_992 = arith.constant 0 : i32
          %dma_start3A_993 = tpu.memref_slice %arg14[%dma_start3A_991, %dma_start3A_992] : memref<102400x16xf32, #tpu.memory_space<vmem_shared>> -> memref<102400x16xf32, #tpu.memory_space<vmem_shared>>
          tpu.enqueue_indirect_dma source(%dma_start3A_987 : memref<128x16xf32, #tpu.memory_space<vmem>>) target(%dma_start3A_993 : memref<102400x16xf32, #tpu.memory_space<vmem_shared>>) offsets(%dma_start3A_990 : memref<128xi32, #tpu.memory_space<vmem>>) semaphore(%run_scoped3A_984 : memref<!tpu.dma_semaphore, #tpu.memory_space<semaphore_mem>>) {add = true}
          %dma_wait3A_994 = arith.constant 0 : i32
          %dma_wait3A_995 = arith.constant 0 : i32
          %dma_wait3A_996 = tpu.memref_slice %arg11[%dma_wait3A_994, %dma_wait3A_995] : memref<1024x16xf32, #tpu.memory_space<vmem>> -> memref<128x16xf32, #tpu.memory_space<vmem>>
          %dma_wait3A_997 = arith.constant 0 : i32
          %dma_wait3A_998 = tpu.memref_slice %arg10[%run_scoped3A_975, %dma_wait3A_997] : memref<8x128xi32, #tpu.memory_space<vmem>> -> memref<1x128xi32, #tpu.memory_space<vmem>>
          %dma_wait3A_999 = tpu.memref_squeeze %dma_wait3A_998 : memref<1x128xi32, #tpu.memory_space<vmem>> -> memref<128xi32, #tpu.memory_space<vmem>>
          %dma_wait3A_1000 = arith.constant 0 : i32
          %dma_wait3A_1001 = arith.constant 0 : i32
          %dma_wait3A_1002 = tpu.memref_slice %arg14[%dma_wait3A_1000, %dma_wait3A_1001] : memref<102400x16xf32, #tpu.memory_space<vmem_shared>> -> memref<102400x16xf32, #tpu.memory_space<vmem_shared>>
          tpu.wait_indirect_dma semaphore(%run_scoped3A_984 : memref<!tpu.dma_semaphore, #tpu.memory_space<semaphore_mem>>) src(%dma_wait3A_996 : memref<128x16xf32, #tpu.memory_space<vmem>>) dst(%dma_wait3A_1002 : memref<102400x16xf32, #tpu.memory_space<vmem_shared>>)
          tpu.yield
        }) : () -> ()
        %run_scoped3A_976 = arith.constant 1 : i32
        "tpu.region"() ({
          %run_scoped3A_984 = tpu.sem_alloc : memref<!tpu.dma_semaphore, #tpu.memory_space<semaphore_mem>>
          %dma_start3A_985 = arith.constant 128 : i32
          %dma_start3A_986 = arith.constant 0 : i32
          %dma_start3A_987 = tpu.memref_slice %arg11[%dma_start3A_985, %dma_start3A_986] : memref<1024x16xf32, #tpu.memory_space<vmem>> -> memref<128x16xf32, #tpu.memory_space<vmem>>
          %dma_start3A_988 = arith.constant 0 : i32
          %dma_start3A_989 = tpu.memref_slice %arg10[%run_scoped3A_976, %dma_start3A_988] : memref<8x128xi32, #tpu.memory_space<vmem>> -> memref<1x128xi32, #tpu.memory_space<vmem>>
          %dma_start3A_990 = tpu.memref_squeeze %dma_start3A_989 : memref<1x128xi32, #tpu.memory_space<vmem>> -> memref<128xi32, #tpu.memory_space<vmem>>
          %dma_start3A_991 = arith.constant 0 : i32
          %dma_start3A_992 = arith.constant 0 : i32
          %dma_start3A_993 = tpu.memref_slice %arg14[%dma_start3A_991, %dma_start3A_992] : memref<102400x16xf32, #tpu.memory_space<vmem_shared>> -> memref<102400x16xf32, #tpu.memory_space<vmem_shared>>
          tpu.enqueue_indirect_dma source(%dma_start3A_987 : memref<128x16xf32, #tpu.memory_space<vmem>>) target(%dma_start3A_993 : memref<102400x16xf32, #tpu.memory_space<vmem_shared>>) offsets(%dma_start3A_990 : memref<128xi32, #tpu.memory_space<vmem>>) semaphore(%run_scoped3A_984 : memref<!tpu.dma_semaphore, #tpu.memory_space<semaphore_mem>>) {add = true}
          %dma_wait3A_994 = arith.constant 128 : i32
          %dma_wait3A_995 = arith.constant 0 : i32
          %dma_wait3A_996 = tpu.memref_slice %arg11[%dma_wait3A_994, %dma_wait3A_995] : memref<1024x16xf32, #tpu.memory_space<vmem>> -> memref<128x16xf32, #tpu.memory_space<vmem>>
          %dma_wait3A_997 = arith.constant 0 : i32
          %dma_wait3A_998 = tpu.memref_slice %arg10[%run_scoped3A_976, %dma_wait3A_997] : memref<8x128xi32, #tpu.memory_space<vmem>> -> memref<1x128xi32, #tpu.memory_space<vmem>>
          %dma_wait3A_999 = tpu.memref_squeeze %dma_wait3A_998 : memref<1x128xi32, #tpu.memory_space<vmem>> -> memref<128xi32, #tpu.memory_space<vmem>>
          %dma_wait3A_1000 = arith.constant 0 : i32
          %dma_wait3A_1001 = arith.constant 0 : i32
          %dma_wait3A_1002 = tpu.memref_slice %arg14[%dma_wait3A_1000, %dma_wait3A_1001] : memref<102400x16xf32, #tpu.memory_space<vmem_shared>> -> memref<102400x16xf32, #tpu.memory_space<vmem_shared>>
          tpu.wait_indirect_dma semaphore(%run_scoped3A_984 : memref<!tpu.dma_semaphore, #tpu.memory_space<semaphore_mem>>) src(%dma_wait3A_996 : memref<128x16xf32, #tpu.memory_space<vmem>>) dst(%dma_wait3A_1002 : memref<102400x16xf32, #tpu.memory_space<vmem_shared>>)
          tpu.yield
        }) : () -> ()
        %run_scoped3A_977 = arith.constant 2 : i32
        "tpu.region"() ({
          %run_scoped3A_984 = tpu.sem_alloc : memref<!tpu.dma_semaphore, #tpu.memory_space<semaphore_mem>>
          %dma_start3A_985 = arith.constant 256 : i32
          %dma_start3A_986 = arith.constant 0 : i32
          %dma_start3A_987 = tpu.memref_slice %arg11[%dma_start3A_985, %dma_start3A_986] : memref<1024x16xf32, #tpu.memory_space<vmem>> -> memref<128x16xf32, #tpu.memory_space<vmem>>
          %dma_start3A_988 = arith.constant 0 : i32
          %dma_start3A_989 = tpu.memref_slice %arg10[%run_scoped3A_977, %dma_start3A_988] : memref<8x128xi32, #tpu.memory_space<vmem>> -> memref<1x128xi32, #tpu.memory_space<vmem>>
          %dma_start3A_990 = tpu.memref_squeeze %dma_start3A_989 : memref<1x128xi32, #tpu.memory_space<vmem>> -> memref<128xi32, #tpu.memory_space<vmem>>
          %dma_start3A_991 = arith.constant 0 : i32
          %dma_start3A_992 = arith.constant 0 : i32
          %dma_start3A_993 = tpu.memref_slice %arg14[%dma_start3A_991, %dma_start3A_992] : memref<102400x16xf32, #tpu.memory_space<vmem_shared>> -> memref<102400x16xf32, #tpu.memory_space<vmem_shared>>
          tpu.enqueue_indirect_dma source(%dma_start3A_987 : memref<128x16xf32, #tpu.memory_space<vmem>>) target(%dma_start3A_993 : memref<102400x16xf32, #tpu.memory_space<vmem_shared>>) offsets(%dma_start3A_990 : memref<128xi32, #tpu.memory_space<vmem>>) semaphore(%run_scoped3A_984 : memref<!tpu.dma_semaphore, #tpu.memory_space<semaphore_mem>>) {add = true}
          %dma_wait3A_994 = arith.constant 256 : i32
          %dma_wait3A_995 = arith.constant 0 : i32
          %dma_wait3A_996 = tpu.memref_slice %arg11[%dma_wait3A_994, %dma_wait3A_995] : memref<1024x16xf32, #tpu.memory_space<vmem>> -> memref<128x16xf32, #tpu.memory_space<vmem>>
          %dma_wait3A_997 = arith.constant 0 : i32
          %dma_wait3A_998 = tpu.memref_slice %arg10[%run_scoped3A_977, %dma_wait3A_997] : memref<8x128xi32, #tpu.memory_space<vmem>> -> memref<1x128xi32, #tpu.memory_space<vmem>>
          %dma_wait3A_999 = tpu.memref_squeeze %dma_wait3A_998 : memref<1x128xi32, #tpu.memory_space<vmem>> -> memref<128xi32, #tpu.memory_space<vmem>>
          %dma_wait3A_1000 = arith.constant 0 : i32
          %dma_wait3A_1001 = arith.constant 0 : i32
          %dma_wait3A_1002 = tpu.memref_slice %arg14[%dma_wait3A_1000, %dma_wait3A_1001] : memref<102400x16xf32, #tpu.memory_space<vmem_shared>> -> memref<102400x16xf32, #tpu.memory_space<vmem_shared>>
          tpu.wait_indirect_dma semaphore(%run_scoped3A_984 : memref<!tpu.dma_semaphore, #tpu.memory_space<semaphore_mem>>) src(%dma_wait3A_996 : memref<128x16xf32, #tpu.memory_space<vmem>>) dst(%dma_wait3A_1002 : memref<102400x16xf32, #tpu.memory_space<vmem_shared>>)
          tpu.yield
        }) : () -> ()
        %run_scoped3A_978 = arith.constant 3 : i32
        "tpu.region"() ({
          %run_scoped3A_984 = tpu.sem_alloc : memref<!tpu.dma_semaphore, #tpu.memory_space<semaphore_mem>>
          %dma_start3A_985 = arith.constant 384 : i32
          %dma_start3A_986 = arith.constant 0 : i32
          %dma_start3A_987 = tpu.memref_slice %arg11[%dma_start3A_985, %dma_start3A_986] : memref<1024x16xf32, #tpu.memory_space<vmem>> -> memref<128x16xf32, #tpu.memory_space<vmem>>
          %dma_start3A_988 = arith.constant 0 : i32
          %dma_start3A_989 = tpu.memref_slice %arg10[%run_scoped3A_978, %dma_start3A_988] : memref<8x128xi32, #tpu.memory_space<vmem>> -> memref<1x128xi32, #tpu.memory_space<vmem>>
          %dma_start3A_990 = tpu.memref_squeeze %dma_start3A_989 : memref<1x128xi32, #tpu.memory_space<vmem>> -> memref<128xi32, #tpu.memory_space<vmem>>
          %dma_start3A_991 = arith.constant 0 : i32
          %dma_start3A_992 = arith.constant 0 : i32
          %dma_start3A_993 = tpu.memref_slice %arg14[%dma_start3A_991, %dma_start3A_992] : memref<102400x16xf32, #tpu.memory_space<vmem_shared>> -> memref<102400x16xf32, #tpu.memory_space<vmem_shared>>
          tpu.enqueue_indirect_dma source(%dma_start3A_987 : memref<128x16xf32, #tpu.memory_space<vmem>>) target(%dma_start3A_993 : memref<102400x16xf32, #tpu.memory_space<vmem_shared>>) offsets(%dma_start3A_990 : memref<128xi32, #tpu.memory_space<vmem>>) semaphore(%run_scoped3A_984 : memref<!tpu.dma_semaphore, #tpu.memory_space<semaphore_mem>>) {add = true}
          %dma_wait3A_994 = arith.constant 384 : i32
          %dma_wait3A_995 = arith.constant 0 : i32
          %dma_wait3A_996 = tpu.memref_slice %arg11[%dma_wait3A_994, %dma_wait3A_995] : memref<1024x16xf32, #tpu.memory_space<vmem>> -> memref<128x16xf32, #tpu.memory_space<vmem>>
          %dma_wait3A_997 = arith.constant 0 : i32
          %dma_wait3A_998 = tpu.memref_slice %arg10[%run_scoped3A_978, %dma_wait3A_997] : memref<8x128xi32, #tpu.memory_space<vmem>> -> memref<1x128xi32, #tpu.memory_space<vmem>>
          %dma_wait3A_999 = tpu.memref_squeeze %dma_wait3A_998 : memref<1x128xi32, #tpu.memory_space<vmem>> -> memref<128xi32, #tpu.memory_space<vmem>>
          %dma_wait3A_1000 = arith.constant 0 : i32
          %dma_wait3A_1001 = arith.constant 0 : i32
          %dma_wait3A_1002 = tpu.memref_slice %arg14[%dma_wait3A_1000, %dma_wait3A_1001] : memref<102400x16xf32, #tpu.memory_space<vmem_shared>> -> memref<102400x16xf32, #tpu.memory_space<vmem_shared>>
          tpu.wait_indirect_dma semaphore(%run_scoped3A_984 : memref<!tpu.dma_semaphore, #tpu.memory_space<semaphore_mem>>) src(%dma_wait3A_996 : memref<128x16xf32, #tpu.memory_space<vmem>>) dst(%dma_wait3A_1002 : memref<102400x16xf32, #tpu.memory_space<vmem_shared>>)
          tpu.yield
        }) : () -> ()
        %run_scoped3A_979 = arith.constant 4 : i32
        "tpu.region"() ({
          %run_scoped3A_984 = tpu.sem_alloc : memref<!tpu.dma_semaphore, #tpu.memory_space<semaphore_mem>>
          %dma_start3A_985 = arith.constant 512 : i32
          %dma_start3A_986 = arith.constant 0 : i32
          %dma_start3A_987 = tpu.memref_slice %arg11[%dma_start3A_985, %dma_start3A_986] : memref<1024x16xf32, #tpu.memory_space<vmem>> -> memref<128x16xf32, #tpu.memory_space<vmem>>
          %dma_start3A_988 = arith.constant 0 : i32
          %dma_start3A_989 = tpu.memref_slice %arg10[%run_scoped3A_979, %dma_start3A_988] : memref<8x128xi32, #tpu.memory_space<vmem>> -> memref<1x128xi32, #tpu.memory_space<vmem>>
          %dma_start3A_990 = tpu.memref_squeeze %dma_start3A_989 : memref<1x128xi32, #tpu.memory_space<vmem>> -> memref<128xi32, #tpu.memory_space<vmem>>
          %dma_start3A_991 = arith.constant 0 : i32
          %dma_start3A_992 = arith.constant 0 : i32
          %dma_start3A_993 = tpu.memref_slice %arg14[%dma_start3A_991, %dma_start3A_992] : memref<102400x16xf32, #tpu.memory_space<vmem_shared>> -> memref<102400x16xf32, #tpu.memory_space<vmem_shared>>
          tpu.enqueue_indirect_dma source(%dma_start3A_987 : memref<128x16xf32, #tpu.memory_space<vmem>>) target(%dma_start3A_993 : memref<102400x16xf32, #tpu.memory_space<vmem_shared>>) offsets(%dma_start3A_990 : memref<128xi32, #tpu.memory_space<vmem>>) semaphore(%run_scoped3A_984 : memref<!tpu.dma_semaphore, #tpu.memory_space<semaphore_mem>>) {add = true}
          %dma_wait3A_994 = arith.constant 512 : i32
          %dma_wait3A_995 = arith.constant 0 : i32
          %dma_wait3A_996 = tpu.memref_slice %arg11[%dma_wait3A_994, %dma_wait3A_995] : memref<1024x16xf32, #tpu.memory_space<vmem>> -> memref<128x16xf32, #tpu.memory_space<vmem>>
          %dma_wait3A_997 = arith.constant 0 : i32
          %dma_wait3A_998 = tpu.memref_slice %arg10[%run_scoped3A_979, %dma_wait3A_997] : memref<8x128xi32, #tpu.memory_space<vmem>> -> memref<1x128xi32, #tpu.memory_space<vmem>>
          %dma_wait3A_999 = tpu.memref_squeeze %dma_wait3A_998 : memref<1x128xi32, #tpu.memory_space<vmem>> -> memref<128xi32, #tpu.memory_space<vmem>>
          %dma_wait3A_1000 = arith.constant 0 : i32
          %dma_wait3A_1001 = arith.constant 0 : i32
          %dma_wait3A_1002 = tpu.memref_slice %arg14[%dma_wait3A_1000, %dma_wait3A_1001] : memref<102400x16xf32, #tpu.memory_space<vmem_shared>> -> memref<102400x16xf32, #tpu.memory_space<vmem_shared>>
          tpu.wait_indirect_dma semaphore(%run_scoped3A_984 : memref<!tpu.dma_semaphore, #tpu.memory_space<semaphore_mem>>) src(%dma_wait3A_996 : memref<128x16xf32, #tpu.memory_space<vmem>>) dst(%dma_wait3A_1002 : memref<102400x16xf32, #tpu.memory_space<vmem_shared>>)
          tpu.yield
        }) : () -> ()
        %run_scoped3A_980 = arith.constant 5 : i32
        "tpu.region"() ({
          %run_scoped3A_984 = tpu.sem_alloc : memref<!tpu.dma_semaphore, #tpu.memory_space<semaphore_mem>>
          %dma_start3A_985 = arith.constant 640 : i32
          %dma_start3A_986 = arith.constant 0 : i32
          %dma_start3A_987 = tpu.memref_slice %arg11[%dma_start3A_985, %dma_start3A_986] : memref<1024x16xf32, #tpu.memory_space<vmem>> -> memref<128x16xf32, #tpu.memory_space<vmem>>
          %dma_start3A_988 = arith.constant 0 : i32
          %dma_start3A_989 = tpu.memref_slice %arg10[%run_scoped3A_980, %dma_start3A_988] : memref<8x128xi32, #tpu.memory_space<vmem>> -> memref<1x128xi32, #tpu.memory_space<vmem>>
          %dma_start3A_990 = tpu.memref_squeeze %dma_start3A_989 : memref<1x128xi32, #tpu.memory_space<vmem>> -> memref<128xi32, #tpu.memory_space<vmem>>
          %dma_start3A_991 = arith.constant 0 : i32
          %dma_start3A_992 = arith.constant 0 : i32
          %dma_start3A_993 = tpu.memref_slice %arg14[%dma_start3A_991, %dma_start3A_992] : memref<102400x16xf32, #tpu.memory_space<vmem_shared>> -> memref<102400x16xf32, #tpu.memory_space<vmem_shared>>
          tpu.enqueue_indirect_dma source(%dma_start3A_987 : memref<128x16xf32, #tpu.memory_space<vmem>>) target(%dma_start3A_993 : memref<102400x16xf32, #tpu.memory_space<vmem_shared>>) offsets(%dma_start3A_990 : memref<128xi32, #tpu.memory_space<vmem>>) semaphore(%run_scoped3A_984 : memref<!tpu.dma_semaphore, #tpu.memory_space<semaphore_mem>>) {add = true}
          %dma_wait3A_994 = arith.constant 640 : i32
          %dma_wait3A_995 = arith.constant 0 : i32
          %dma_wait3A_996 = tpu.memref_slice %arg11[%dma_wait3A_994, %dma_wait3A_995] : memref<1024x16xf32, #tpu.memory_space<vmem>> -> memref<128x16xf32, #tpu.memory_space<vmem>>
          %dma_wait3A_997 = arith.constant 0 : i32
          %dma_wait3A_998 = tpu.memref_slice %arg10[%run_scoped3A_980, %dma_wait3A_997] : memref<8x128xi32, #tpu.memory_space<vmem>> -> memref<1x128xi32, #tpu.memory_space<vmem>>
          %dma_wait3A_999 = tpu.memref_squeeze %dma_wait3A_998 : memref<1x128xi32, #tpu.memory_space<vmem>> -> memref<128xi32, #tpu.memory_space<vmem>>
          %dma_wait3A_1000 = arith.constant 0 : i32
          %dma_wait3A_1001 = arith.constant 0 : i32
          %dma_wait3A_1002 = tpu.memref_slice %arg14[%dma_wait3A_1000, %dma_wait3A_1001] : memref<102400x16xf32, #tpu.memory_space<vmem_shared>> -> memref<102400x16xf32, #tpu.memory_space<vmem_shared>>
          tpu.wait_indirect_dma semaphore(%run_scoped3A_984 : memref<!tpu.dma_semaphore, #tpu.memory_space<semaphore_mem>>) src(%dma_wait3A_996 : memref<128x16xf32, #tpu.memory_space<vmem>>) dst(%dma_wait3A_1002 : memref<102400x16xf32, #tpu.memory_space<vmem_shared>>)
          tpu.yield
        }) : () -> ()
        %run_scoped3A_981 = arith.constant 6 : i32
        "tpu.region"() ({
          %run_scoped3A_984 = tpu.sem_alloc : memref<!tpu.dma_semaphore, #tpu.memory_space<semaphore_mem>>
          %dma_start3A_985 = arith.constant 768 : i32
          %dma_start3A_986 = arith.constant 0 : i32
          %dma_start3A_987 = tpu.memref_slice %arg11[%dma_start3A_985, %dma_start3A_986] : memref<1024x16xf32, #tpu.memory_space<vmem>> -> memref<128x16xf32, #tpu.memory_space<vmem>>
          %dma_start3A_988 = arith.constant 0 : i32
          %dma_start3A_989 = tpu.memref_slice %arg10[%run_scoped3A_981, %dma_start3A_988] : memref<8x128xi32, #tpu.memory_space<vmem>> -> memref<1x128xi32, #tpu.memory_space<vmem>>
          %dma_start3A_990 = tpu.memref_squeeze %dma_start3A_989 : memref<1x128xi32, #tpu.memory_space<vmem>> -> memref<128xi32, #tpu.memory_space<vmem>>
          %dma_start3A_991 = arith.constant 0 : i32
          %dma_start3A_992 = arith.constant 0 : i32
          %dma_start3A_993 = tpu.memref_slice %arg14[%dma_start3A_991, %dma_start3A_992] : memref<102400x16xf32, #tpu.memory_space<vmem_shared>> -> memref<102400x16xf32, #tpu.memory_space<vmem_shared>>
          tpu.enqueue_indirect_dma source(%dma_start3A_987 : memref<128x16xf32, #tpu.memory_space<vmem>>) target(%dma_start3A_993 : memref<102400x16xf32, #tpu.memory_space<vmem_shared>>) offsets(%dma_start3A_990 : memref<128xi32, #tpu.memory_space<vmem>>) semaphore(%run_scoped3A_984 : memref<!tpu.dma_semaphore, #tpu.memory_space<semaphore_mem>>) {add = true}
          %dma_wait3A_994 = arith.constant 768 : i32
          %dma_wait3A_995 = arith.constant 0 : i32
          %dma_wait3A_996 = tpu.memref_slice %arg11[%dma_wait3A_994, %dma_wait3A_995] : memref<1024x16xf32, #tpu.memory_space<vmem>> -> memref<128x16xf32, #tpu.memory_space<vmem>>
          %dma_wait3A_997 = arith.constant 0 : i32
          %dma_wait3A_998 = tpu.memref_slice %arg10[%run_scoped3A_981, %dma_wait3A_997] : memref<8x128xi32, #tpu.memory_space<vmem>> -> memref<1x128xi32, #tpu.memory_space<vmem>>
          %dma_wait3A_999 = tpu.memref_squeeze %dma_wait3A_998 : memref<1x128xi32, #tpu.memory_space<vmem>> -> memref<128xi32, #tpu.memory_space<vmem>>
          %dma_wait3A_1000 = arith.constant 0 : i32
          %dma_wait3A_1001 = arith.constant 0 : i32
          %dma_wait3A_1002 = tpu.memref_slice %arg14[%dma_wait3A_1000, %dma_wait3A_1001] : memref<102400x16xf32, #tpu.memory_space<vmem_shared>> -> memref<102400x16xf32, #tpu.memory_space<vmem_shared>>
          tpu.wait_indirect_dma semaphore(%run_scoped3A_984 : memref<!tpu.dma_semaphore, #tpu.memory_space<semaphore_mem>>) src(%dma_wait3A_996 : memref<128x16xf32, #tpu.memory_space<vmem>>) dst(%dma_wait3A_1002 : memref<102400x16xf32, #tpu.memory_space<vmem_shared>>)
          tpu.yield
        }) : () -> ()
        %run_scoped3A_982 = arith.constant 7 : i32
        "tpu.region"() ({
          %run_scoped3A_984 = tpu.sem_alloc : memref<!tpu.dma_semaphore, #tpu.memory_space<semaphore_mem>>
          %dma_start3A_985 = arith.constant 896 : i32
          %dma_start3A_986 = arith.constant 0 : i32
          %dma_start3A_987 = tpu.memref_slice %arg11[%dma_start3A_985, %dma_start3A_986] : memref<1024x16xf32, #tpu.memory_space<vmem>> -> memref<128x16xf32, #tpu.memory_space<vmem>>
          %dma_start3A_988 = arith.constant 0 : i32
          %dma_start3A_989 = tpu.memref_slice %arg10[%run_scoped3A_982, %dma_start3A_988] : memref<8x128xi32, #tpu.memory_space<vmem>> -> memref<1x128xi32, #tpu.memory_space<vmem>>
          %dma_start3A_990 = tpu.memref_squeeze %dma_start3A_989 : memref<1x128xi32, #tpu.memory_space<vmem>> -> memref<128xi32, #tpu.memory_space<vmem>>
          %dma_start3A_991 = arith.constant 0 : i32
          %dma_start3A_992 = arith.constant 0 : i32
          %dma_start3A_993 = tpu.memref_slice %arg14[%dma_start3A_991, %dma_start3A_992] : memref<102400x16xf32, #tpu.memory_space<vmem_shared>> -> memref<102400x16xf32, #tpu.memory_space<vmem_shared>>
          tpu.enqueue_indirect_dma source(%dma_start3A_987 : memref<128x16xf32, #tpu.memory_space<vmem>>) target(%dma_start3A_993 : memref<102400x16xf32, #tpu.memory_space<vmem_shared>>) offsets(%dma_start3A_990 : memref<128xi32, #tpu.memory_space<vmem>>) semaphore(%run_scoped3A_984 : memref<!tpu.dma_semaphore, #tpu.memory_space<semaphore_mem>>) {add = true}
          %dma_wait3A_994 = arith.constant 896 : i32
          %dma_wait3A_995 = arith.constant 0 : i32
          %dma_wait3A_996 = tpu.memref_slice %arg11[%dma_wait3A_994, %dma_wait3A_995] : memref<1024x16xf32, #tpu.memory_space<vmem>> -> memref<128x16xf32, #tpu.memory_space<vmem>>
          %dma_wait3A_997 = arith.constant 0 : i32
          %dma_wait3A_998 = tpu.memref_slice %arg10[%run_scoped3A_982, %dma_wait3A_997] : memref<8x128xi32, #tpu.memory_space<vmem>> -> memref<1x128xi32, #tpu.memory_space<vmem>>
          %dma_wait3A_999 = tpu.memref_squeeze %dma_wait3A_998 : memref<1x128xi32, #tpu.memory_space<vmem>> -> memref<128xi32, #tpu.memory_space<vmem>>
          %dma_wait3A_1000 = arith.constant 0 : i32
          %dma_wait3A_1001 = arith.constant 0 : i32
          %dma_wait3A_1002 = tpu.memref_slice %arg14[%dma_wait3A_1000, %dma_wait3A_1001] : memref<102400x16xf32, #tpu.memory_space<vmem_shared>> -> memref<102400x16xf32, #tpu.memory_space<vmem_shared>>
          tpu.wait_indirect_dma semaphore(%run_scoped3A_984 : memref<!tpu.dma_semaphore, #tpu.memory_space<semaphore_mem>>) src(%dma_wait3A_996 : memref<128x16xf32, #tpu.memory_space<vmem>>) dst(%dma_wait3A_1002 : memref<102400x16xf32, #tpu.memory_space<vmem_shared>>)
          tpu.yield
        }) : () -> ()
        %scan3A_983 = arith.constant 0 : i32
        scf.yield %scan3A_983 : i32
      }
      %scan3A_47 = arith.constant 50 : i32
      %barrier3A_48 = arith.constant 0 : index
      tpu.barrier barrier_id(%barrier3A_48)
      %mul3A_49 = arith.constant 6400 : i32
      %mul3A_50 = arith.muli %arg1, %mul3A_49 : i32
      %add3A_51 = arith.constant 0 : i32
      %add3A_52 = arith.addi %mul3A_50, %add3A_51 : i32
      "tpu.region"() ({
        %run_scoped3A_59 = tpu.sem_alloc : memref<!tpu.dma_semaphore, #tpu.memory_space<semaphore_mem>>
        %dma_start3A = arith.constant 0 : i32
        %dma_start3A_60 = tpu.memref_slice %arg7[%arg0, %scan3A_31, %add3A_52, %dma_start3A] : memref<2x9x102400x16xf32, #tpu.memory_space<hbm>> -> memref<1x1x3200x16xf32, #tpu.memory_space<hbm>>
        %dma_start3A_61 = tpu.memref_squeeze %dma_start3A_60 : memref<1x1x3200x16xf32, #tpu.memory_space<hbm>> -> memref<3200x16xf32, #tpu.memory_space<hbm>>
        %dma_start3A_62 = arith.constant 0 : i32
        %dma_start3A_63 = tpu.memref_slice %arg14[%add3A_52, %dma_start3A_62] : memref<102400x16xf32, #tpu.memory_space<vmem_shared>> -> memref<3200x16xf32, #tpu.memory_space<vmem_shared>>
        tpu.enqueue_dma source(%dma_start3A_63 : memref<3200x16xf32, #tpu.memory_space<vmem_shared>>) target(%dma_start3A_61 : memref<3200x16xf32, #tpu.memory_space<hbm>>) target_semaphore(%run_scoped3A_59 : memref<!tpu.dma_semaphore, #tpu.memory_space<semaphore_mem>>)
        %dma_wait3A = arith.constant 0 : i32
        %dma_wait3A_64 = tpu.memref_slice %arg7[%arg0, %scan3A_31, %add3A_52, %dma_wait3A] : memref<2x9x102400x16xf32, #tpu.memory_space<hbm>> -> memref<1x1x3200x16xf32, #tpu.memory_space<hbm>>
        %dma_wait3A_65 = tpu.memref_squeeze %dma_wait3A_64 : memref<1x1x3200x16xf32, #tpu.memory_space<hbm>> -> memref<3200x16xf32, #tpu.memory_space<hbm>>
        %dma_wait3A_66 = arith.constant 0 : i32
        %dma_wait3A_67 = tpu.memref_slice %arg14[%add3A_52, %dma_wait3A_66] : memref<102400x16xf32, #tpu.memory_space<vmem_shared>> -> memref<3200x16xf32, #tpu.memory_space<vmem_shared>>
        tpu.wait_dma2 semaphore(%run_scoped3A_59 : memref<!tpu.dma_semaphore, #tpu.memory_space<semaphore_mem>>) src(%dma_wait3A_67 : memref<3200x16xf32, #tpu.memory_space<vmem_shared>>) dst(%dma_wait3A_65 : memref<3200x16xf32, #tpu.memory_space<hbm>>)
        tpu.yield
      }) : () -> ()
      %mul3A_53 = arith.constant 6400 : i32
      %mul3A_54 = arith.muli %arg1, %mul3A_53 : i32
      %add3A_55 = arith.constant 3200 : i32
      %add3A_56 = arith.addi %mul3A_54, %add3A_55 : i32
      "tpu.region"() ({
        %run_scoped3A_59 = tpu.sem_alloc : memref<!tpu.dma_semaphore, #tpu.memory_space<semaphore_mem>>
        %dma_start3A = arith.constant 0 : i32
        %dma_start3A_60 = tpu.memref_slice %arg7[%arg0, %scan3A_31, %add3A_56, %dma_start3A] : memref<2x9x102400x16xf32, #tpu.memory_space<hbm>> -> memref<1x1x3200x16xf32, #tpu.memory_space<hbm>>
        %dma_start3A_61 = tpu.memref_squeeze %dma_start3A_60 : memref<1x1x3200x16xf32, #tpu.memory_space<hbm>> -> memref<3200x16xf32, #tpu.memory_space<hbm>>
        %dma_start3A_62 = arith.constant 0 : i32
        %dma_start3A_63 = tpu.memref_slice %arg14[%add3A_56, %dma_start3A_62] : memref<102400x16xf32, #tpu.memory_space<vmem_shared>> -> memref<3200x16xf32, #tpu.memory_space<vmem_shared>>
        tpu.enqueue_dma source(%dma_start3A_63 : memref<3200x16xf32, #tpu.memory_space<vmem_shared>>) target(%dma_start3A_61 : memref<3200x16xf32, #tpu.memory_space<hbm>>) target_semaphore(%run_scoped3A_59 : memref<!tpu.dma_semaphore, #tpu.memory_space<semaphore_mem>>)
        %dma_wait3A = arith.constant 0 : i32
        %dma_wait3A_64 = tpu.memref_slice %arg7[%arg0, %scan3A_31, %add3A_56, %dma_wait3A] : memref<2x9x102400x16xf32, #tpu.memory_space<hbm>> -> memref<1x1x3200x16xf32, #tpu.memory_space<hbm>>
        %dma_wait3A_65 = tpu.memref_squeeze %dma_wait3A_64 : memref<1x1x3200x16xf32, #tpu.memory_space<hbm>> -> memref<3200x16xf32, #tpu.memory_space<hbm>>
        %dma_wait3A_66 = arith.constant 0 : i32
        %dma_wait3A_67 = tpu.memref_slice %arg14[%add3A_56, %dma_wait3A_66] : memref<102400x16xf32, #tpu.memory_space<vmem_shared>> -> memref<3200x16xf32, #tpu.memory_space<vmem_shared>>
        tpu.wait_dma2 semaphore(%run_scoped3A_59 : memref<!tpu.dma_semaphore, #tpu.memory_space<semaphore_mem>>) src(%dma_wait3A_67 : memref<3200x16xf32, #tpu.memory_space<vmem_shared>>) dst(%dma_wait3A_65 : memref<3200x16xf32, #tpu.memory_space<hbm>>)
        tpu.yield
      }) : () -> ()
      %barrier3A_57 = arith.constant 0 : index
      tpu.barrier barrier_id(%barrier3A_57)
      %scan3A_58 = arith.constant 0 : i32
      scf.yield %scan3A_58 : i32
    }
    %scan3A_6 = arith.constant 8 : i32
    %scan3A_7 = arith.constant 0 : i32
    %scan3A_8 = arith.constant 0 : i32
    %scan3A_9 = arith.constant 16 : i32
    %scan3A_10 = arith.addi %scan3A_8, %scan3A_9 : i32
    %scan3A_11 = arith.constant 1 : i32
    %scan3A_12 = scf.for %scan3A_31 = %scan3A_8 to %scan3A_10 step %scan3A_11 iter_args(%scan3A_32 = %scan3A_7) -> (i32)  : i32 {
      %mul3A_33 = arith.constant 6400 : i32
      %mul3A_34 = arith.muli %arg1, %mul3A_33 : i32
      %mul3A_35 = arith.constant 400 : i32
      %mul3A_36 = arith.muli %scan3A_31, %mul3A_35 : i32
      %add3A_37 = arith.addi %mul3A_34, %mul3A_36 : i32
      %multiple_of3A = tpu.assume_multiple %add3A_37, 400 : i32
      "tpu.region"() ({
        %run_scoped3A_39 = tpu.sem_alloc : memref<!tpu.dma_semaphore, #tpu.memory_space<semaphore_mem>>
        %dma_start3A = arith.constant 0 : i32
        %dma_start3A_40 = tpu.memref_slice %arg14[%multiple_of3A, %dma_start3A] : memref<102400x16xf32, #tpu.memory_space<vmem_shared>> -> memref<400x16xf32, #tpu.memory_space<vmem_shared>>
        %dma_start3A_41 = arith.constant 0 : i32
        %dma_start3A_42 = tpu.memref_slice %arg14[%multiple_of3A, %dma_start3A_41] : memref<102400x16xf32, #tpu.memory_space<vmem_shared>> -> memref<400x16xf32, #tpu.memory_space<vmem_shared>>
        tpu.enqueue_dma source(%arg12 : memref<400x16xf32, #tpu.memory_space<vmem>>) target(%dma_start3A_42 : memref<400x16xf32, #tpu.memory_space<vmem_shared>>) target_semaphore(%run_scoped3A_39 : memref<!tpu.dma_semaphore, #tpu.memory_space<semaphore_mem>>)
        %dma_wait3A = arith.constant 0 : i32
        %dma_wait3A_43 = tpu.memref_slice %arg14[%multiple_of3A, %dma_wait3A] : memref<102400x16xf32, #tpu.memory_space<vmem_shared>> -> memref<400x16xf32, #tpu.memory_space<vmem_shared>>
        %dma_wait3A_44 = arith.constant 0 : i32
        %dma_wait3A_45 = tpu.memref_slice %arg14[%multiple_of3A, %dma_wait3A_44] : memref<102400x16xf32, #tpu.memory_space<vmem_shared>> -> memref<400x16xf32, #tpu.memory_space<vmem_shared>>
        tpu.wait_dma2 semaphore(%run_scoped3A_39 : memref<!tpu.dma_semaphore, #tpu.memory_space<semaphore_mem>>) src(%arg12 : memref<400x16xf32, #tpu.memory_space<vmem>>) dst(%dma_wait3A_45 : memref<400x16xf32, #tpu.memory_space<vmem_shared>>)
        tpu.yield
      }) : () -> ()
      %scan3A_38 = arith.constant 0 : i32
      scf.yield %scan3A_38 : i32
    }
    %scan3A_13 = arith.constant 16 : i32
    %barrier3A = arith.constant 0 : index
    tpu.barrier barrier_id(%barrier3A)
    %scan3A_14 = arith.constant 0 : i32
    %scan3A_15 = arith.constant 0 : i32
    %scan3A_16 = arith.constant 50 : i32
    %scan3A_17 = arith.addi %scan3A_15, %scan3A_16 : i32
    %scan3A_18 = arith.constant 1 : i32
    %scan3A_19 = scf.for %scan3A_31 = %scan3A_15 to %scan3A_17 step %scan3A_18 iter_args(%scan3A_32 = %scan3A_14) -> (i32)  : i32 {
      %mul3A_33 = arith.constant 51200 : i32
      %mul3A_34 = arith.muli %add3A, %mul3A_33 : i32
      %mul3A_35 = arith.constant 1024 : i32
      %mul3A_36 = arith.muli %scan3A_31, %mul3A_35 : i32
      %add3A_37 = arith.addi %mul3A_34, %mul3A_36 : i32
      %multiple_of3A = tpu.assume_multiple %add3A_37, 1024 : i32
      %jit3A = arith.constant 128 : i32
      %div3A = arith.divsi %multiple_of3A, %jit3A : i32
      %sign3A = arith.constant 0 : i32
      %sign3A_38 = arith.cmpi sgt, %multiple_of3A, %sign3A : i32
      %sign3A_39 = arith.extui %sign3A_38 : i1 to i32
      %sign3A_40 = arith.constant 0 : i32
      %sign3A_41 = arith.cmpi slt, %multiple_of3A, %sign3A_40 : i32
      %sign3A_42 = arith.extui %sign3A_41 : i1 to i32
      %sign3A_43 = arith.subi %sign3A_39, %sign3A_42 : i32
      %sign3A_44 = arith.constant 0 : i32
      %sign3A_45 = arith.cmpi sgt, %jit3A, %sign3A_44 : i32
      %sign3A_46 = arith.extui %sign3A_45 : i1 to i32
      %sign3A_47 = arith.constant 0 : i32
      %sign3A_48 = arith.cmpi slt, %jit3A, %sign3A_47 : i32
      %sign3A_49 = arith.extui %sign3A_48 : i1 to i32
      %sign3A_50 = arith.subi %sign3A_46, %sign3A_49 : i32
      %ne3A = arith.cmpi ne, %sign3A_43, %sign3A_50 : i32
      %rem3A = arith.remsi %multiple_of3A, %jit3A : i32
      %ne3A_51 = arith.constant 0 : i32
      %ne3A_52 = arith.cmpi ne, %rem3A, %ne3A_51 : i32
      %and3A = arith.andi %ne3A, %ne3A_52 : i1
      %sub3A = arith.constant 1 : i32
      %sub3A_53 = arith.subi %div3A, %sub3A : i32
      %select_n3A = arith.select %and3A, %sub3A_53, %div3A : i32
      %multiple_of3A_54 = tpu.assume_multiple %select_n3A, 8 : i32
      "tpu.region"() ({
        %run_scoped3A_64 = tpu.sem_alloc : memref<!tpu.dma_semaphore, #tpu.memory_space<semaphore_mem>>
        %dma_start3A = arith.constant 0 : i32
        %dma_start3A_65 = tpu.memref_slice %arg4[%multiple_of3A_54, %dma_start3A] : memref<12800x128xi32, #tpu.memory_space<hbm>> -> memref<8x128xi32, #tpu.memory_space<hbm>>
        %dma_start3A_66 = arith.constant 0 : i32
        %dma_start3A_67 = tpu.memref_slice %arg4[%multiple_of3A_54, %dma_start3A_66] : memref<12800x128xi32, #tpu.memory_space<hbm>> -> memref<8x128xi32, #tpu.memory_space<hbm>>
        tpu.enqueue_dma source(%dma_start3A_67 : memref<8x128xi32, #tpu.memory_space<hbm>>) target(%arg10 : memref<8x128xi32, #tpu.memory_space<vmem>>) target_semaphore(%run_scoped3A_64 : memref<!tpu.dma_semaphore, #tpu.memory_space<semaphore_mem>>)
        %dma_wait3A = arith.constant 0 : i32
        %dma_wait3A_68 = tpu.memref_slice %arg4[%multiple_of3A_54, %dma_wait3A] : memref<12800x128xi32, #tpu.memory_space<hbm>> -> memref<8x128xi32, #tpu.memory_space<hbm>>
        %dma_wait3A_69 = arith.constant 0 : i32
        %dma_wait3A_70 = tpu.memref_slice %arg4[%multiple_of3A_54, %dma_wait3A_69] : memref<12800x128xi32, #tpu.memory_space<hbm>> -> memref<8x128xi32, #tpu.memory_space<hbm>>
        tpu.wait_dma2 semaphore(%run_scoped3A_64 : memref<!tpu.dma_semaphore, #tpu.memory_space<semaphore_mem>>) src(%dma_wait3A_70 : memref<8x128xi32, #tpu.memory_space<hbm>>) dst(%arg10 : memref<8x128xi32, #tpu.memory_space<vmem>>)
        tpu.yield
      }) : () -> ()
      %run_scoped3A_55 = arith.constant 0 : i32
      "tpu.region"() ({
        %run_scoped3A_64 = tpu.sem_alloc : memref<!tpu.dma_semaphore, #tpu.memory_space<semaphore_mem>>
        %dma_start3A = arith.constant 0 : i32
        %dma_start3A_65 = tpu.memref_slice %arg10[%run_scoped3A_55, %dma_start3A] : memref<8x128xi32, #tpu.memory_space<vmem>> -> memref<1x128xi32, #tpu.memory_space<vmem>>
        %dma_start3A_66 = tpu.memref_squeeze %dma_start3A_65 : memref<1x128xi32, #tpu.memory_space<vmem>> -> memref<128xi32, #tpu.memory_space<vmem>>
        %dma_start3A_67 = arith.constant 0 : i32
        %dma_start3A_68 = arith.constant 0 : i32
        %dma_start3A_69 = tpu.memref_slice %arg14[%dma_start3A_67, %dma_start3A_68] : memref<102400x16xf32, #tpu.memory_space<vmem_shared>> -> memref<102400x16xf32, #tpu.memory_space<vmem_shared>>
        tpu.enqueue_indirect_dma source(%arg13 : memref<128x16xf32, #tpu.memory_space<vmem>>) target(%dma_start3A_69 : memref<102400x16xf32, #tpu.memory_space<vmem_shared>>) offsets(%dma_start3A_66 : memref<128xi32, #tpu.memory_space<vmem>>) semaphore(%run_scoped3A_64 : memref<!tpu.dma_semaphore, #tpu.memory_space<semaphore_mem>>) {add = true}
        %dma_wait3A = arith.constant 0 : i32
        %dma_wait3A_70 = tpu.memref_slice %arg10[%run_scoped3A_55, %dma_wait3A] : memref<8x128xi32, #tpu.memory_space<vmem>> -> memref<1x128xi32, #tpu.memory_space<vmem>>
        %dma_wait3A_71 = tpu.memref_squeeze %dma_wait3A_70 : memref<1x128xi32, #tpu.memory_space<vmem>> -> memref<128xi32, #tpu.memory_space<vmem>>
        %dma_wait3A_72 = arith.constant 0 : i32
        %dma_wait3A_73 = arith.constant 0 : i32
        %dma_wait3A_74 = tpu.memref_slice %arg14[%dma_wait3A_72, %dma_wait3A_73] : memref<102400x16xf32, #tpu.memory_space<vmem_shared>> -> memref<102400x16xf32, #tpu.memory_space<vmem_shared>>
        tpu.wait_indirect_dma semaphore(%run_scoped3A_64 : memref<!tpu.dma_semaphore, #tpu.memory_space<semaphore_mem>>) src(%arg13 : memref<128x16xf32, #tpu.memory_space<vmem>>) dst(%dma_wait3A_74 : memref<102400x16xf32, #tpu.memory_space<vmem_shared>>)
        tpu.yield
      }) : () -> ()
      %run_scoped3A_56 = arith.constant 1 : i32
      "tpu.region"() ({
        %run_scoped3A_64 = tpu.sem_alloc : memref<!tpu.dma_semaphore, #tpu.memory_space<semaphore_mem>>
        %dma_start3A = arith.constant 0 : i32
        %dma_start3A_65 = tpu.memref_slice %arg10[%run_scoped3A_56, %dma_start3A] : memref<8x128xi32, #tpu.memory_space<vmem>> -> memref<1x128xi32, #tpu.memory_space<vmem>>
        %dma_start3A_66 = tpu.memref_squeeze %dma_start3A_65 : memref<1x128xi32, #tpu.memory_space<vmem>> -> memref<128xi32, #tpu.memory_space<vmem>>
        %dma_start3A_67 = arith.constant 0 : i32
        %dma_start3A_68 = arith.constant 0 : i32
        %dma_start3A_69 = tpu.memref_slice %arg14[%dma_start3A_67, %dma_start3A_68] : memref<102400x16xf32, #tpu.memory_space<vmem_shared>> -> memref<102400x16xf32, #tpu.memory_space<vmem_shared>>
        tpu.enqueue_indirect_dma source(%arg13 : memref<128x16xf32, #tpu.memory_space<vmem>>) target(%dma_start3A_69 : memref<102400x16xf32, #tpu.memory_space<vmem_shared>>) offsets(%dma_start3A_66 : memref<128xi32, #tpu.memory_space<vmem>>) semaphore(%run_scoped3A_64 : memref<!tpu.dma_semaphore, #tpu.memory_space<semaphore_mem>>) {add = true}
        %dma_wait3A = arith.constant 0 : i32
        %dma_wait3A_70 = tpu.memref_slice %arg10[%run_scoped3A_56, %dma_wait3A] : memref<8x128xi32, #tpu.memory_space<vmem>> -> memref<1x128xi32, #tpu.memory_space<vmem>>
        %dma_wait3A_71 = tpu.memref_squeeze %dma_wait3A_70 : memref<1x128xi32, #tpu.memory_space<vmem>> -> memref<128xi32, #tpu.memory_space<vmem>>
        %dma_wait3A_72 = arith.constant 0 : i32
        %dma_wait3A_73 = arith.constant 0 : i32
        %dma_wait3A_74 = tpu.memref_slice %arg14[%dma_wait3A_72, %dma_wait3A_73] : memref<102400x16xf32, #tpu.memory_space<vmem_shared>> -> memref<102400x16xf32, #tpu.memory_space<vmem_shared>>
        tpu.wait_indirect_dma semaphore(%run_scoped3A_64 : memref<!tpu.dma_semaphore, #tpu.memory_space<semaphore_mem>>) src(%arg13 : memref<128x16xf32, #tpu.memory_space<vmem>>) dst(%dma_wait3A_74 : memref<102400x16xf32, #tpu.memory_space<vmem_shared>>)
        tpu.yield
      }) : () -> ()
      %run_scoped3A_57 = arith.constant 2 : i32
      "tpu.region"() ({
        %run_scoped3A_64 = tpu.sem_alloc : memref<!tpu.dma_semaphore, #tpu.memory_space<semaphore_mem>>
        %dma_start3A = arith.constant 0 : i32
        %dma_start3A_65 = tpu.memref_slice %arg10[%run_scoped3A_57, %dma_start3A] : memref<8x128xi32, #tpu.memory_space<vmem>> -> memref<1x128xi32, #tpu.memory_space<vmem>>
        %dma_start3A_66 = tpu.memref_squeeze %dma_start3A_65 : memref<1x128xi32, #tpu.memory_space<vmem>> -> memref<128xi32, #tpu.memory_space<vmem>>
        %dma_start3A_67 = arith.constant 0 : i32
        %dma_start3A_68 = arith.constant 0 : i32
        %dma_start3A_69 = tpu.memref_slice %arg14[%dma_start3A_67, %dma_start3A_68] : memref<102400x16xf32, #tpu.memory_space<vmem_shared>> -> memref<102400x16xf32, #tpu.memory_space<vmem_shared>>
        tpu.enqueue_indirect_dma source(%arg13 : memref<128x16xf32, #tpu.memory_space<vmem>>) target(%dma_start3A_69 : memref<102400x16xf32, #tpu.memory_space<vmem_shared>>) offsets(%dma_start3A_66 : memref<128xi32, #tpu.memory_space<vmem>>) semaphore(%run_scoped3A_64 : memref<!tpu.dma_semaphore, #tpu.memory_space<semaphore_mem>>) {add = true}
        %dma_wait3A = arith.constant 0 : i32
        %dma_wait3A_70 = tpu.memref_slice %arg10[%run_scoped3A_57, %dma_wait3A] : memref<8x128xi32, #tpu.memory_space<vmem>> -> memref<1x128xi32, #tpu.memory_space<vmem>>
        %dma_wait3A_71 = tpu.memref_squeeze %dma_wait3A_70 : memref<1x128xi32, #tpu.memory_space<vmem>> -> memref<128xi32, #tpu.memory_space<vmem>>
        %dma_wait3A_72 = arith.constant 0 : i32
        %dma_wait3A_73 = arith.constant 0 : i32
        %dma_wait3A_74 = tpu.memref_slice %arg14[%dma_wait3A_72, %dma_wait3A_73] : memref<102400x16xf32, #tpu.memory_space<vmem_shared>> -> memref<102400x16xf32, #tpu.memory_space<vmem_shared>>
        tpu.wait_indirect_dma semaphore(%run_scoped3A_64 : memref<!tpu.dma_semaphore, #tpu.memory_space<semaphore_mem>>) src(%arg13 : memref<128x16xf32, #tpu.memory_space<vmem>>) dst(%dma_wait3A_74 : memref<102400x16xf32, #tpu.memory_space<vmem_shared>>)
        tpu.yield
      }) : () -> ()
      %run_scoped3A_58 = arith.constant 3 : i32
      "tpu.region"() ({
        %run_scoped3A_64 = tpu.sem_alloc : memref<!tpu.dma_semaphore, #tpu.memory_space<semaphore_mem>>
        %dma_start3A = arith.constant 0 : i32
        %dma_start3A_65 = tpu.memref_slice %arg10[%run_scoped3A_58, %dma_start3A] : memref<8x128xi32, #tpu.memory_space<vmem>> -> memref<1x128xi32, #tpu.memory_space<vmem>>
        %dma_start3A_66 = tpu.memref_squeeze %dma_start3A_65 : memref<1x128xi32, #tpu.memory_space<vmem>> -> memref<128xi32, #tpu.memory_space<vmem>>
        %dma_start3A_67 = arith.constant 0 : i32
        %dma_start3A_68 = arith.constant 0 : i32
        %dma_start3A_69 = tpu.memref_slice %arg14[%dma_start3A_67, %dma_start3A_68] : memref<102400x16xf32, #tpu.memory_space<vmem_shared>> -> memref<102400x16xf32, #tpu.memory_space<vmem_shared>>
        tpu.enqueue_indirect_dma source(%arg13 : memref<128x16xf32, #tpu.memory_space<vmem>>) target(%dma_start3A_69 : memref<102400x16xf32, #tpu.memory_space<vmem_shared>>) offsets(%dma_start3A_66 : memref<128xi32, #tpu.memory_space<vmem>>) semaphore(%run_scoped3A_64 : memref<!tpu.dma_semaphore, #tpu.memory_space<semaphore_mem>>) {add = true}
        %dma_wait3A = arith.constant 0 : i32
        %dma_wait3A_70 = tpu.memref_slice %arg10[%run_scoped3A_58, %dma_wait3A] : memref<8x128xi32, #tpu.memory_space<vmem>> -> memref<1x128xi32, #tpu.memory_space<vmem>>
        %dma_wait3A_71 = tpu.memref_squeeze %dma_wait3A_70 : memref<1x128xi32, #tpu.memory_space<vmem>> -> memref<128xi32, #tpu.memory_space<vmem>>
        %dma_wait3A_72 = arith.constant 0 : i32
        %dma_wait3A_73 = arith.constant 0 : i32
        %dma_wait3A_74 = tpu.memref_slice %arg14[%dma_wait3A_72, %dma_wait3A_73] : memref<102400x16xf32, #tpu.memory_space<vmem_shared>> -> memref<102400x16xf32, #tpu.memory_space<vmem_shared>>
        tpu.wait_indirect_dma semaphore(%run_scoped3A_64 : memref<!tpu.dma_semaphore, #tpu.memory_space<semaphore_mem>>) src(%arg13 : memref<128x16xf32, #tpu.memory_space<vmem>>) dst(%dma_wait3A_74 : memref<102400x16xf32, #tpu.memory_space<vmem_shared>>)
        tpu.yield
      }) : () -> ()
      %run_scoped3A_59 = arith.constant 4 : i32
      "tpu.region"() ({
        %run_scoped3A_64 = tpu.sem_alloc : memref<!tpu.dma_semaphore, #tpu.memory_space<semaphore_mem>>
        %dma_start3A = arith.constant 0 : i32
        %dma_start3A_65 = tpu.memref_slice %arg10[%run_scoped3A_59, %dma_start3A] : memref<8x128xi32, #tpu.memory_space<vmem>> -> memref<1x128xi32, #tpu.memory_space<vmem>>
        %dma_start3A_66 = tpu.memref_squeeze %dma_start3A_65 : memref<1x128xi32, #tpu.memory_space<vmem>> -> memref<128xi32, #tpu.memory_space<vmem>>
        %dma_start3A_67 = arith.constant 0 : i32
        %dma_start3A_68 = arith.constant 0 : i32
        %dma_start3A_69 = tpu.memref_slice %arg14[%dma_start3A_67, %dma_start3A_68] : memref<102400x16xf32, #tpu.memory_space<vmem_shared>> -> memref<102400x16xf32, #tpu.memory_space<vmem_shared>>
        tpu.enqueue_indirect_dma source(%arg13 : memref<128x16xf32, #tpu.memory_space<vmem>>) target(%dma_start3A_69 : memref<102400x16xf32, #tpu.memory_space<vmem_shared>>) offsets(%dma_start3A_66 : memref<128xi32, #tpu.memory_space<vmem>>) semaphore(%run_scoped3A_64 : memref<!tpu.dma_semaphore, #tpu.memory_space<semaphore_mem>>) {add = true}
        %dma_wait3A = arith.constant 0 : i32
        %dma_wait3A_70 = tpu.memref_slice %arg10[%run_scoped3A_59, %dma_wait3A] : memref<8x128xi32, #tpu.memory_space<vmem>> -> memref<1x128xi32, #tpu.memory_space<vmem>>
        %dma_wait3A_71 = tpu.memref_squeeze %dma_wait3A_70 : memref<1x128xi32, #tpu.memory_space<vmem>> -> memref<128xi32, #tpu.memory_space<vmem>>
        %dma_wait3A_72 = arith.constant 0 : i32
        %dma_wait3A_73 = arith.constant 0 : i32
        %dma_wait3A_74 = tpu.memref_slice %arg14[%dma_wait3A_72, %dma_wait3A_73] : memref<102400x16xf32, #tpu.memory_space<vmem_shared>> -> memref<102400x16xf32, #tpu.memory_space<vmem_shared>>
        tpu.wait_indirect_dma semaphore(%run_scoped3A_64 : memref<!tpu.dma_semaphore, #tpu.memory_space<semaphore_mem>>) src(%arg13 : memref<128x16xf32, #tpu.memory_space<vmem>>) dst(%dma_wait3A_74 : memref<102400x16xf32, #tpu.memory_space<vmem_shared>>)
        tpu.yield
      }) : () -> ()
      %run_scoped3A_60 = arith.constant 5 : i32
      "tpu.region"() ({
        %run_scoped3A_64 = tpu.sem_alloc : memref<!tpu.dma_semaphore, #tpu.memory_space<semaphore_mem>>
        %dma_start3A = arith.constant 0 : i32
        %dma_start3A_65 = tpu.memref_slice %arg10[%run_scoped3A_60, %dma_start3A] : memref<8x128xi32, #tpu.memory_space<vmem>> -> memref<1x128xi32, #tpu.memory_space<vmem>>
        %dma_start3A_66 = tpu.memref_squeeze %dma_start3A_65 : memref<1x128xi32, #tpu.memory_space<vmem>> -> memref<128xi32, #tpu.memory_space<vmem>>
        %dma_start3A_67 = arith.constant 0 : i32
        %dma_start3A_68 = arith.constant 0 : i32
        %dma_start3A_69 = tpu.memref_slice %arg14[%dma_start3A_67, %dma_start3A_68] : memref<102400x16xf32, #tpu.memory_space<vmem_shared>> -> memref<102400x16xf32, #tpu.memory_space<vmem_shared>>
        tpu.enqueue_indirect_dma source(%arg13 : memref<128x16xf32, #tpu.memory_space<vmem>>) target(%dma_start3A_69 : memref<102400x16xf32, #tpu.memory_space<vmem_shared>>) offsets(%dma_start3A_66 : memref<128xi32, #tpu.memory_space<vmem>>) semaphore(%run_scoped3A_64 : memref<!tpu.dma_semaphore, #tpu.memory_space<semaphore_mem>>) {add = true}
        %dma_wait3A = arith.constant 0 : i32
        %dma_wait3A_70 = tpu.memref_slice %arg10[%run_scoped3A_60, %dma_wait3A] : memref<8x128xi32, #tpu.memory_space<vmem>> -> memref<1x128xi32, #tpu.memory_space<vmem>>
        %dma_wait3A_71 = tpu.memref_squeeze %dma_wait3A_70 : memref<1x128xi32, #tpu.memory_space<vmem>> -> memref<128xi32, #tpu.memory_space<vmem>>
        %dma_wait3A_72 = arith.constant 0 : i32
        %dma_wait3A_73 = arith.constant 0 : i32
        %dma_wait3A_74 = tpu.memref_slice %arg14[%dma_wait3A_72, %dma_wait3A_73] : memref<102400x16xf32, #tpu.memory_space<vmem_shared>> -> memref<102400x16xf32, #tpu.memory_space<vmem_shared>>
        tpu.wait_indirect_dma semaphore(%run_scoped3A_64 : memref<!tpu.dma_semaphore, #tpu.memory_space<semaphore_mem>>) src(%arg13 : memref<128x16xf32, #tpu.memory_space<vmem>>) dst(%dma_wait3A_74 : memref<102400x16xf32, #tpu.memory_space<vmem_shared>>)
        tpu.yield
      }) : () -> ()
      %run_scoped3A_61 = arith.constant 6 : i32
      "tpu.region"() ({
        %run_scoped3A_64 = tpu.sem_alloc : memref<!tpu.dma_semaphore, #tpu.memory_space<semaphore_mem>>
        %dma_start3A = arith.constant 0 : i32
        %dma_start3A_65 = tpu.memref_slice %arg10[%run_scoped3A_61, %dma_start3A] : memref<8x128xi32, #tpu.memory_space<vmem>> -> memref<1x128xi32, #tpu.memory_space<vmem>>
        %dma_start3A_66 = tpu.memref_squeeze %dma_start3A_65 : memref<1x128xi32, #tpu.memory_space<vmem>> -> memref<128xi32, #tpu.memory_space<vmem>>
        %dma_start3A_67 = arith.constant 0 : i32
        %dma_start3A_68 = arith.constant 0 : i32
        %dma_start3A_69 = tpu.memref_slice %arg14[%dma_start3A_67, %dma_start3A_68] : memref<102400x16xf32, #tpu.memory_space<vmem_shared>> -> memref<102400x16xf32, #tpu.memory_space<vmem_shared>>
        tpu.enqueue_indirect_dma source(%arg13 : memref<128x16xf32, #tpu.memory_space<vmem>>) target(%dma_start3A_69 : memref<102400x16xf32, #tpu.memory_space<vmem_shared>>) offsets(%dma_start3A_66 : memref<128xi32, #tpu.memory_space<vmem>>) semaphore(%run_scoped3A_64 : memref<!tpu.dma_semaphore, #tpu.memory_space<semaphore_mem>>) {add = true}
        %dma_wait3A = arith.constant 0 : i32
        %dma_wait3A_70 = tpu.memref_slice %arg10[%run_scoped3A_61, %dma_wait3A] : memref<8x128xi32, #tpu.memory_space<vmem>> -> memref<1x128xi32, #tpu.memory_space<vmem>>
        %dma_wait3A_71 = tpu.memref_squeeze %dma_wait3A_70 : memref<1x128xi32, #tpu.memory_space<vmem>> -> memref<128xi32, #tpu.memory_space<vmem>>
        %dma_wait3A_72 = arith.constant 0 : i32
        %dma_wait3A_73 = arith.constant 0 : i32
        %dma_wait3A_74 = tpu.memref_slice %arg14[%dma_wait3A_72, %dma_wait3A_73] : memref<102400x16xf32, #tpu.memory_space<vmem_shared>> -> memref<102400x16xf32, #tpu.memory_space<vmem_shared>>
        tpu.wait_indirect_dma semaphore(%run_scoped3A_64 : memref<!tpu.dma_semaphore, #tpu.memory_space<semaphore_mem>>) src(%arg13 : memref<128x16xf32, #tpu.memory_space<vmem>>) dst(%dma_wait3A_74 : memref<102400x16xf32, #tpu.memory_space<vmem_shared>>)
        tpu.yield
      }) : () -> ()
      %run_scoped3A_62 = arith.constant 7 : i32
      "tpu.region"() ({
        %run_scoped3A_64 = tpu.sem_alloc : memref<!tpu.dma_semaphore, #tpu.memory_space<semaphore_mem>>
        %dma_start3A = arith.constant 0 : i32
        %dma_start3A_65 = tpu.memref_slice %arg10[%run_scoped3A_62, %dma_start3A] : memref<8x128xi32, #tpu.memory_space<vmem>> -> memref<1x128xi32, #tpu.memory_space<vmem>>
        %dma_start3A_66 = tpu.memref_squeeze %dma_start3A_65 : memref<1x128xi32, #tpu.memory_space<vmem>> -> memref<128xi32, #tpu.memory_space<vmem>>
        %dma_start3A_67 = arith.constant 0 : i32
        %dma_start3A_68 = arith.constant 0 : i32
        %dma_start3A_69 = tpu.memref_slice %arg14[%dma_start3A_67, %dma_start3A_68] : memref<102400x16xf32, #tpu.memory_space<vmem_shared>> -> memref<102400x16xf32, #tpu.memory_space<vmem_shared>>
        tpu.enqueue_indirect_dma source(%arg13 : memref<128x16xf32, #tpu.memory_space<vmem>>) target(%dma_start3A_69 : memref<102400x16xf32, #tpu.memory_space<vmem_shared>>) offsets(%dma_start3A_66 : memref<128xi32, #tpu.memory_space<vmem>>) semaphore(%run_scoped3A_64 : memref<!tpu.dma_semaphore, #tpu.memory_space<semaphore_mem>>) {add = true}
        %dma_wait3A = arith.constant 0 : i32
        %dma_wait3A_70 = tpu.memref_slice %arg10[%run_scoped3A_62, %dma_wait3A] : memref<8x128xi32, #tpu.memory_space<vmem>> -> memref<1x128xi32, #tpu.memory_space<vmem>>
        %dma_wait3A_71 = tpu.memref_squeeze %dma_wait3A_70 : memref<1x128xi32, #tpu.memory_space<vmem>> -> memref<128xi32, #tpu.memory_space<vmem>>
        %dma_wait3A_72 = arith.constant 0 : i32
        %dma_wait3A_73 = arith.constant 0 : i32
        %dma_wait3A_74 = tpu.memref_slice %arg14[%dma_wait3A_72, %dma_wait3A_73] : memref<102400x16xf32, #tpu.memory_space<vmem_shared>> -> memref<102400x16xf32, #tpu.memory_space<vmem_shared>>
        tpu.wait_indirect_dma semaphore(%run_scoped3A_64 : memref<!tpu.dma_semaphore, #tpu.memory_space<semaphore_mem>>) src(%arg13 : memref<128x16xf32, #tpu.memory_space<vmem>>) dst(%dma_wait3A_74 : memref<102400x16xf32, #tpu.memory_space<vmem_shared>>)
        tpu.yield
      }) : () -> ()
      %scan3A_63 = arith.constant 0 : i32
      scf.yield %scan3A_63 : i32
    }
    %scan3A_20 = arith.constant 50 : i32
    %barrier3A_21 = arith.constant 0 : index
    tpu.barrier barrier_id(%barrier3A_21)
    %mul3A_22 = arith.constant 6400 : i32
    %mul3A_23 = arith.muli %arg1, %mul3A_22 : i32
    %add3A_24 = arith.constant 0 : i32
    %add3A_25 = arith.addi %mul3A_23, %add3A_24 : i32
    %run_scoped3A = arith.constant 8 : i32
    "tpu.region"() ({
      %run_scoped3A_31 = tpu.sem_alloc : memref<!tpu.dma_semaphore, #tpu.memory_space<semaphore_mem>>
      %dma_start3A = arith.constant 0 : i32
      %dma_start3A_32 = tpu.memref_slice %arg7[%arg0, %run_scoped3A, %add3A_25, %dma_start3A] : memref<2x9x102400x16xf32, #tpu.memory_space<hbm>> -> memref<1x1x3200x16xf32, #tpu.memory_space<hbm>>
      %dma_start3A_33 = tpu.memref_squeeze %dma_start3A_32 : memref<1x1x3200x16xf32, #tpu.memory_space<hbm>> -> memref<3200x16xf32, #tpu.memory_space<hbm>>
      %dma_start3A_34 = arith.constant 0 : i32
      %dma_start3A_35 = tpu.memref_slice %arg14[%add3A_25, %dma_start3A_34] : memref<102400x16xf32, #tpu.memory_space<vmem_shared>> -> memref<3200x16xf32, #tpu.memory_space<vmem_shared>>
      tpu.enqueue_dma source(%dma_start3A_35 : memref<3200x16xf32, #tpu.memory_space<vmem_shared>>) target(%dma_start3A_33 : memref<3200x16xf32, #tpu.memory_space<hbm>>) target_semaphore(%run_scoped3A_31 : memref<!tpu.dma_semaphore, #tpu.memory_space<semaphore_mem>>)
      %dma_wait3A = arith.constant 0 : i32
      %dma_wait3A_36 = tpu.memref_slice %arg7[%arg0, %run_scoped3A, %add3A_25, %dma_wait3A] : memref<2x9x102400x16xf32, #tpu.memory_space<hbm>> -> memref<1x1x3200x16xf32, #tpu.memory_space<hbm>>
      %dma_wait3A_37 = tpu.memref_squeeze %dma_wait3A_36 : memref<1x1x3200x16xf32, #tpu.memory_space<hbm>> -> memref<3200x16xf32, #tpu.memory_space<hbm>>
      %dma_wait3A_38 = arith.constant 0 : i32
      %dma_wait3A_39 = tpu.memref_slice %arg14[%add3A_25, %dma_wait3A_38] : memref<102400x16xf32, #tpu.memory_space<vmem_shared>> -> memref<3200x16xf32, #tpu.memory_space<vmem_shared>>
      tpu.wait_dma2 semaphore(%run_scoped3A_31 : memref<!tpu.dma_semaphore, #tpu.memory_space<semaphore_mem>>) src(%dma_wait3A_39 : memref<3200x16xf32, #tpu.memory_space<vmem_shared>>) dst(%dma_wait3A_37 : memref<3200x16xf32, #tpu.memory_space<hbm>>)
      tpu.yield
    }) : () -> ()
    %mul3A_26 = arith.constant 6400 : i32
    %mul3A_27 = arith.muli %arg1, %mul3A_26 : i32
    %add3A_28 = arith.constant 3200 : i32
    %add3A_29 = arith.addi %mul3A_27, %add3A_28 : i32
    %run_scoped3A_30 = arith.constant 8 : i32
    "tpu.region"() ({
      %run_scoped3A_31 = tpu.sem_alloc : memref<!tpu.dma_semaphore, #tpu.memory_space<semaphore_mem>>
      %dma_start3A = arith.constant 0 : i32
      %dma_start3A_32 = tpu.memref_slice %arg7[%arg0, %run_scoped3A_30, %add3A_29, %dma_start3A] : memref<2x9x102400x16xf32, #tpu.memory_space<hbm>> -> memref<1x1x3200x16xf32, #tpu.memory_space<hbm>>
      %dma_start3A_33 = tpu.memref_squeeze %dma_start3A_32 : memref<1x1x3200x16xf32, #tpu.memory_space<hbm>> -> memref<3200x16xf32, #tpu.memory_space<hbm>>
      %dma_start3A_34 = arith.constant 0 : i32
      %dma_start3A_35 = tpu.memref_slice %arg14[%add3A_29, %dma_start3A_34] : memref<102400x16xf32, #tpu.memory_space<vmem_shared>> -> memref<3200x16xf32, #tpu.memory_space<vmem_shared>>
      tpu.enqueue_dma source(%dma_start3A_35 : memref<3200x16xf32, #tpu.memory_space<vmem_shared>>) target(%dma_start3A_33 : memref<3200x16xf32, #tpu.memory_space<hbm>>) target_semaphore(%run_scoped3A_31 : memref<!tpu.dma_semaphore, #tpu.memory_space<semaphore_mem>>)
      %dma_wait3A = arith.constant 0 : i32
      %dma_wait3A_36 = tpu.memref_slice %arg7[%arg0, %run_scoped3A_30, %add3A_29, %dma_wait3A] : memref<2x9x102400x16xf32, #tpu.memory_space<hbm>> -> memref<1x1x3200x16xf32, #tpu.memory_space<hbm>>
      %dma_wait3A_37 = tpu.memref_squeeze %dma_wait3A_36 : memref<1x1x3200x16xf32, #tpu.memory_space<hbm>> -> memref<3200x16xf32, #tpu.memory_space<hbm>>
      %dma_wait3A_38 = arith.constant 0 : i32
      %dma_wait3A_39 = tpu.memref_slice %arg14[%add3A_29, %dma_wait3A_38] : memref<102400x16xf32, #tpu.memory_space<vmem_shared>> -> memref<3200x16xf32, #tpu.memory_space<vmem_shared>>
      tpu.wait_dma2 semaphore(%run_scoped3A_31 : memref<!tpu.dma_semaphore, #tpu.memory_space<semaphore_mem>>) src(%dma_wait3A_39 : memref<3200x16xf32, #tpu.memory_space<vmem_shared>>) dst(%dma_wait3A_37 : memref<3200x16xf32, #tpu.memory_space<hbm>>)
      tpu.yield
    }) : () -> ()
    return
  }
}

module attributes {stable_mosaic.version = 14 : i64} {
  func.func @_emb_body(%arg0: i32, %arg1: memref<512x16xf32, #tpu.memory_space<vmem>>, %arg2: memref<16x128xf32, #tpu.memory_space<vmem>>, %arg3: memref<1x128xf32, #tpu.memory_space<vmem>>, %arg4: memref<512x128xf32, #tpu.memory_space<vmem>>) attributes {dimension_semantics = [#tpu.dimension_semantics<arbitrary>], iteration_bounds = array<i64: 200>, scalar_prefetch = 0 : i64, scratch_operands = 0 : i64, tpu.core_type = #tpu.core_type<tc>, window_params = [{transform_indices = @transform_0, window_bounds = array<i64: 512, 16>}, {pipeline_mode = #tpu.pipeline_mode<synchronous>, transform_indices = @transform_1, window_bounds = array<i64: 16, 128>}, {pipeline_mode = #tpu.pipeline_mode<synchronous>, transform_indices = @transform_2, window_bounds = array<i64: 1, 128>}, {transform_indices = @transform_3, window_bounds = array<i64: 512, 128>}]} {
    %get3A = arith.constant 0 : index
    %get3A_0 = arith.constant 0 : index
    %get3A_1 = vector.load %arg1[%get3A, %get3A_0] : memref<512x16xf32, #tpu.memory_space<vmem>>, vector<512x16xf32>
    %get3A_2 = arith.constant 0 : index
    %get3A_3 = arith.constant 0 : index
    %get3A_4 = vector.load %arg2[%get3A_2, %get3A_3] : memref<16x128xf32, #tpu.memory_space<vmem>>, vector<16x128xf32>
    %dot_general3A = arith.constant dense<0.000000e+00> : vector<512x128xf32>
    %dot_general3A_5 = tpu.matmul %get3A_1, %get3A_4, %dot_general3A {dimension_numbers = #tpu.dot_dimension_numbers<[1], [0], [0], [1], [0, 0, 1, 1], [], []>, precision = #tpu.contract_precision<fp32>, transpose_lhs_hint = false} : vector<512x16xf32>, vector<16x128xf32>, vector<512x128xf32> -> vector<512x128xf32>
    %get3A_6 = arith.constant 0 : index
    %get3A_7 = arith.constant 0 : index
    %get3A_8 = vector.load %arg3[%get3A_6, %get3A_7] : memref<1x128xf32, #tpu.memory_space<vmem>>, vector<1x128xf32>
    %add3A = vector.broadcast %get3A_8 : vector<1x128xf32> to vector<512x128xf32>
    %add3A_9 = arith.addf %dot_general3A_5, %add3A : vector<512x128xf32>
    %swap3A = arith.constant 0 : index
    %swap3A_10 = arith.constant 0 : index
    %swap3A_11 = vector.load %arg4[%swap3A, %swap3A_10] : memref<512x128xf32, #tpu.memory_space<vmem>>, vector<512x128xf32>
    tpu.vector_store %arg4[%swap3A, %swap3A_10], %add3A_9 {strides = array<i32>} : memref<512x128xf32, #tpu.memory_space<vmem>>, vector<512x128xf32>,
    return
  }
  func.func @transform_0(%arg0: i32) -> (i32, i32) {
    %c0_i32 = arith.constant 0 : i32
    %c0_i32_0 = arith.constant 0 : i32
    return %arg0, %c0_i32 : i32, i32
  }
  func.func @transform_1(%arg0: i32) -> (i32, i32) {
    %c0_i32 = arith.constant 0 : i32
    %c0_i32_0 = arith.constant 0 : i32
    %c0_i32_1 = arith.constant 0 : i32
    return %c0_i32, %c0_i32_0 : i32, i32
  }
  func.func @transform_2(%arg0: i32) -> (i32, i32) {
    %c0_i32 = arith.constant 0 : i32
    %c0_i32_0 = arith.constant 0 : i32
    %c0_i32_1 = arith.constant 0 : i32
    return %c0_i32, %c0_i32_0 : i32, i32
  }
  func.func @transform_3(%arg0: i32) -> (i32, i32) {
    %c0_i32 = arith.constant 0 : i32
    %c0_i32_0 = arith.constant 0 : i32
    return %arg0, %c0_i32 : i32, i32
  }
}

module attributes {stable_mosaic.version = 14 : i64} {
  func.func @_layer_body(%arg0: i32, %arg1: memref<1x8x512x16xf32, #tpu.memory_space<vmem>>, %arg2: memref<1x8x512x16xf32, #tpu.memory_space<vmem>>, %arg3: memref<1x1x512x16xf32, #tpu.memory_space<vmem>>, %arg4: memref<1x1x512x16xf32, #tpu.memory_space<vmem>>, %arg5: memref<512x128xf32, #tpu.memory_space<vmem>>, %arg6: memref<128x128xf32, #tpu.memory_space<vmem>>, %arg7: memref<1x128xf32, #tpu.memory_space<vmem>>, %arg8: memref<128x128xf32, #tpu.memory_space<vmem>>, %arg9: memref<512x128xf32, #tpu.memory_space<vmem>>) attributes {dimension_semantics = [#tpu.dimension_semantics<arbitrary>], iteration_bounds = array<i64: 200>, scalar_prefetch = 0 : i64, scratch_operands = 0 : i64, tpu.core_type = #tpu.core_type<tc>, window_params = [{transform_indices = @transform_0, window_bounds = array<i64: 1, 8, 512, 16>}, {transform_indices = @transform_1, window_bounds = array<i64: 1, 8, 512, 16>}, {transform_indices = @transform_2, window_bounds = array<i64: 1, 1, 512, 16>}, {transform_indices = @transform_3, window_bounds = array<i64: 1, 1, 512, 16>}, {transform_indices = @transform_4, window_bounds = array<i64: 512, 128>}, {pipeline_mode = #tpu.pipeline_mode<synchronous>, transform_indices = @transform_5, window_bounds = array<i64: 128, 128>}, {pipeline_mode = #tpu.pipeline_mode<synchronous>, transform_indices = @transform_6, window_bounds = array<i64: 1, 128>}, {pipeline_mode = #tpu.pipeline_mode<synchronous>, transform_indices = @transform_7, window_bounds = array<i64: 128, 128>}, {transform_indices = @transform_8, window_bounds = array<i64: 512, 128>}]} {
    %get3A = arith.constant 0 : index
    %get3A_0 = arith.constant 0 : index
    %get3A_1 = arith.constant 0 : index
    %get3A_2 = arith.constant 0 : index
    %get3A_3 = vector.load %arg3[%get3A, %get3A_0, %get3A_1, %get3A_2] : memref<1x1x512x16xf32, #tpu.memory_space<vmem>>, vector<1x1x512x16xf32>
    %get3A_4 = vector.shape_cast %get3A_3 : vector<1x1x512x16xf32> to vector<512x16xf32>
    %slice3A = vector.extract_strided_slice %get3A_4 {offsets = [0, 0], sizes = [512, 1], strides = [1, 1]} : vector<512x16xf32> to vector<512x1xf32>
    %get3A_5 = arith.constant 0 : index
    %get3A_6 = arith.constant 0 : index
    %get3A_7 = arith.constant 0 : index
    %get3A_8 = arith.constant 0 : index
    %get3A_9 = vector.load %arg4[%get3A_5, %get3A_6, %get3A_7, %get3A_8] : memref<1x1x512x16xf32, #tpu.memory_space<vmem>>, vector<1x1x512x16xf32>
    %get3A_10 = vector.shape_cast %get3A_9 : vector<1x1x512x16xf32> to vector<512x16xf32>
    %slice3A_11 = vector.extract_strided_slice %get3A_10 {offsets = [0, 0], sizes = [512, 1], strides = [1, 1]} : vector<512x16xf32> to vector<512x1xf32>
    %add3A = arith.addf %slice3A, %slice3A_11 : vector<512x1xf32>
    %max3A = arith.constant 1.000000e+00 : f32
    %max3A_12 = vector.broadcast %max3A : f32 to vector<512x1xf32>
    %max3A_13 = arith.maximumf %add3A, %max3A_12 : vector<512x1xf32>
    %div3A = arith.constant 1.000000e+00 : f32
    %div3A_14 = vector.broadcast %div3A : f32 to vector<512x1xf32>
    %div3A_15 = arith.divf %div3A_14, %max3A_13 : vector<512x1xf32>
    %get3A_16 = arith.constant 0 : index
    %get3A_17 = arith.constant 0 : index
    %get3A_18 = arith.constant 0 : index
    %get3A_19 = arith.constant 0 : index
    %get3A_20 = vector.load %arg1[%get3A_16, %get3A_17, %get3A_18, %get3A_19] : memref<1x8x512x16xf32, #tpu.memory_space<vmem>>, vector<1x1x512x16xf32>
    %get3A_21 = vector.shape_cast %get3A_20 : vector<1x1x512x16xf32> to vector<512x16xf32>
    %get3A_22 = arith.constant 0 : index
    %get3A_23 = arith.constant 0 : index
    %get3A_24 = arith.constant 0 : index
    %get3A_25 = arith.constant 0 : index
    %get3A_26 = vector.load %arg2[%get3A_22, %get3A_23, %get3A_24, %get3A_25] : memref<1x8x512x16xf32, #tpu.memory_space<vmem>>, vector<1x1x512x16xf32>
    %get3A_27 = vector.shape_cast %get3A_26 : vector<1x1x512x16xf32> to vector<512x16xf32>
    %add3A_28 = arith.addf %get3A_21, %get3A_27 : vector<512x16xf32>
    %get3A_29 = arith.constant 0 : index
    %get3A_30 = arith.constant 1 : index
    %get3A_31 = arith.constant 0 : index
    %get3A_32 = arith.constant 0 : index
    %get3A_33 = vector.load %arg1[%get3A_29, %get3A_30, %get3A_31, %get3A_32] : memref<1x8x512x16xf32, #tpu.memory_space<vmem>>, vector<1x1x512x16xf32>
    %get3A_34 = vector.shape_cast %get3A_33 : vector<1x1x512x16xf32> to vector<512x16xf32>
    %get3A_35 = arith.constant 0 : index
    %get3A_36 = arith.constant 1 : index
    %get3A_37 = arith.constant 0 : index
    %get3A_38 = arith.constant 0 : index
    %get3A_39 = vector.load %arg2[%get3A_35, %get3A_36, %get3A_37, %get3A_38] : memref<1x8x512x16xf32, #tpu.memory_space<vmem>>, vector<1x1x512x16xf32>
    %get3A_40 = vector.shape_cast %get3A_39 : vector<1x1x512x16xf32> to vector<512x16xf32>
    %add3A_41 = arith.addf %get3A_34, %get3A_40 : vector<512x16xf32>
    %get3A_42 = arith.constant 0 : index
    %get3A_43 = arith.constant 2 : index
    %get3A_44 = arith.constant 0 : index
    %get3A_45 = arith.constant 0 : index
    %get3A_46 = vector.load %arg1[%get3A_42, %get3A_43, %get3A_44, %get3A_45] : memref<1x8x512x16xf32, #tpu.memory_space<vmem>>, vector<1x1x512x16xf32>
    %get3A_47 = vector.shape_cast %get3A_46 : vector<1x1x512x16xf32> to vector<512x16xf32>
    %get3A_48 = arith.constant 0 : index
    %get3A_49 = arith.constant 2 : index
    %get3A_50 = arith.constant 0 : index
    %get3A_51 = arith.constant 0 : index
    %get3A_52 = vector.load %arg2[%get3A_48, %get3A_49, %get3A_50, %get3A_51] : memref<1x8x512x16xf32, #tpu.memory_space<vmem>>, vector<1x1x512x16xf32>
    %get3A_53 = vector.shape_cast %get3A_52 : vector<1x1x512x16xf32> to vector<512x16xf32>
    %add3A_54 = arith.addf %get3A_47, %get3A_53 : vector<512x16xf32>
    %get3A_55 = arith.constant 0 : index
    %get3A_56 = arith.constant 3 : index
    %get3A_57 = arith.constant 0 : index
    %get3A_58 = arith.constant 0 : index
    %get3A_59 = vector.load %arg1[%get3A_55, %get3A_56, %get3A_57, %get3A_58] : memref<1x8x512x16xf32, #tpu.memory_space<vmem>>, vector<1x1x512x16xf32>
    %get3A_60 = vector.shape_cast %get3A_59 : vector<1x1x512x16xf32> to vector<512x16xf32>
    %get3A_61 = arith.constant 0 : index
    %get3A_62 = arith.constant 3 : index
    %get3A_63 = arith.constant 0 : index
    %get3A_64 = arith.constant 0 : index
    %get3A_65 = vector.load %arg2[%get3A_61, %get3A_62, %get3A_63, %get3A_64] : memref<1x8x512x16xf32, #tpu.memory_space<vmem>>, vector<1x1x512x16xf32>
    %get3A_66 = vector.shape_cast %get3A_65 : vector<1x1x512x16xf32> to vector<512x16xf32>
    %add3A_67 = arith.addf %get3A_60, %get3A_66 : vector<512x16xf32>
    %get3A_68 = arith.constant 0 : index
    %get3A_69 = arith.constant 4 : index
    %get3A_70 = arith.constant 0 : index
    %get3A_71 = arith.constant 0 : index
    %get3A_72 = vector.load %arg1[%get3A_68, %get3A_69, %get3A_70, %get3A_71] : memref<1x8x512x16xf32, #tpu.memory_space<vmem>>, vector<1x1x512x16xf32>
    %get3A_73 = vector.shape_cast %get3A_72 : vector<1x1x512x16xf32> to vector<512x16xf32>
    %get3A_74 = arith.constant 0 : index
    %get3A_75 = arith.constant 4 : index
    %get3A_76 = arith.constant 0 : index
    %get3A_77 = arith.constant 0 : index
    %get3A_78 = vector.load %arg2[%get3A_74, %get3A_75, %get3A_76, %get3A_77] : memref<1x8x512x16xf32, #tpu.memory_space<vmem>>, vector<1x1x512x16xf32>
    %get3A_79 = vector.shape_cast %get3A_78 : vector<1x1x512x16xf32> to vector<512x16xf32>
    %add3A_80 = arith.addf %get3A_73, %get3A_79 : vector<512x16xf32>
    %get3A_81 = arith.constant 0 : index
    %get3A_82 = arith.constant 5 : index
    %get3A_83 = arith.constant 0 : index
    %get3A_84 = arith.constant 0 : index
    %get3A_85 = vector.load %arg1[%get3A_81, %get3A_82, %get3A_83, %get3A_84] : memref<1x8x512x16xf32, #tpu.memory_space<vmem>>, vector<1x1x512x16xf32>
    %get3A_86 = vector.shape_cast %get3A_85 : vector<1x1x512x16xf32> to vector<512x16xf32>
    %get3A_87 = arith.constant 0 : index
    %get3A_88 = arith.constant 5 : index
    %get3A_89 = arith.constant 0 : index
    %get3A_90 = arith.constant 0 : index
    %get3A_91 = vector.load %arg2[%get3A_87, %get3A_88, %get3A_89, %get3A_90] : memref<1x8x512x16xf32, #tpu.memory_space<vmem>>, vector<1x1x512x16xf32>
    %get3A_92 = vector.shape_cast %get3A_91 : vector<1x1x512x16xf32> to vector<512x16xf32>
    %add3A_93 = arith.addf %get3A_86, %get3A_92 : vector<512x16xf32>
    %get3A_94 = arith.constant 0 : index
    %get3A_95 = arith.constant 6 : index
    %get3A_96 = arith.constant 0 : index
    %get3A_97 = arith.constant 0 : index
    %get3A_98 = vector.load %arg1[%get3A_94, %get3A_95, %get3A_96, %get3A_97] : memref<1x8x512x16xf32, #tpu.memory_space<vmem>>, vector<1x1x512x16xf32>
    %get3A_99 = vector.shape_cast %get3A_98 : vector<1x1x512x16xf32> to vector<512x16xf32>
    %get3A_100 = arith.constant 0 : index
    %get3A_101 = arith.constant 6 : index
    %get3A_102 = arith.constant 0 : index
    %get3A_103 = arith.constant 0 : index
    %get3A_104 = vector.load %arg2[%get3A_100, %get3A_101, %get3A_102, %get3A_103] : memref<1x8x512x16xf32, #tpu.memory_space<vmem>>, vector<1x1x512x16xf32>
    %get3A_105 = vector.shape_cast %get3A_104 : vector<1x1x512x16xf32> to vector<512x16xf32>
    %add3A_106 = arith.addf %get3A_99, %get3A_105 : vector<512x16xf32>
    %get3A_107 = arith.constant 0 : index
    %get3A_108 = arith.constant 7 : index
    %get3A_109 = arith.constant 0 : index
    %get3A_110 = arith.constant 0 : index
    %get3A_111 = vector.load %arg1[%get3A_107, %get3A_108, %get3A_109, %get3A_110] : memref<1x8x512x16xf32, #tpu.memory_space<vmem>>, vector<1x1x512x16xf32>
    %get3A_112 = vector.shape_cast %get3A_111 : vector<1x1x512x16xf32> to vector<512x16xf32>
    %get3A_113 = arith.constant 0 : index
    %get3A_114 = arith.constant 7 : index
    %get3A_115 = arith.constant 0 : index
    %get3A_116 = arith.constant 0 : index
    %get3A_117 = vector.load %arg2[%get3A_113, %get3A_114, %get3A_115, %get3A_116] : memref<1x8x512x16xf32, #tpu.memory_space<vmem>>, vector<1x1x512x16xf32>
    %get3A_118 = vector.shape_cast %get3A_117 : vector<1x1x512x16xf32> to vector<512x16xf32>
    %add3A_119 = arith.addf %get3A_112, %get3A_118 : vector<512x16xf32>
    %concatenate3A = tpu.concatenate %add3A_28, %add3A_41, %add3A_54, %add3A_67, %add3A_80, %add3A_93, %add3A_106, %add3A_119 in 1 : vector<512x16xf32>, vector<512x16xf32>, vector<512x16xf32>, vector<512x16xf32>, vector<512x16xf32>, vector<512x16xf32>, vector<512x16xf32>, vector<512x16xf32> -> vector<512x128xf32>
    %mul3A = vector.broadcast %div3A_15 : vector<512x1xf32> to vector<512x128xf32>
    %mul3A_120 = arith.mulf %concatenate3A, %mul3A : vector<512x128xf32>
    %get3A_121 = arith.constant 0 : index
    %get3A_122 = arith.constant 0 : index
    %get3A_123 = vector.load %arg6[%get3A_121, %get3A_122] : memref<128x128xf32, #tpu.memory_space<vmem>>, vector<128x128xf32>
    %dot_general3A = arith.constant dense<0.000000e+00> : vector<512x128xf32>
    %dot_general3A_124 = tpu.matmul %mul3A_120, %get3A_123, %dot_general3A {dimension_numbers = #tpu.dot_dimension_numbers<[1], [0], [0], [1], [0, 0, 1, 1], [], []>, precision = #tpu.contract_precision<fp32>, transpose_lhs_hint = false} : vector<512x128xf32>, vector<128x128xf32>, vector<512x128xf32> -> vector<512x128xf32>
    %get3A_125 = arith.constant 0 : index
    %get3A_126 = arith.constant 0 : index
    %get3A_127 = vector.load %arg7[%get3A_125, %get3A_126] : memref<1x128xf32, #tpu.memory_space<vmem>>, vector<1x128xf32>
    %add3A_128 = vector.broadcast %get3A_127 : vector<1x128xf32> to vector<512x128xf32>
    %add3A_129 = arith.addf %dot_general3A_124, %add3A_128 : vector<512x128xf32>
    %get3A_130 = arith.constant 0 : index
    %get3A_131 = arith.constant 0 : index
    %get3A_132 = vector.load %arg5[%get3A_130, %get3A_131] : memref<512x128xf32, #tpu.memory_space<vmem>>, vector<512x128xf32>
    %get3A_133 = arith.constant 0 : index
    %get3A_134 = arith.constant 0 : index
    %get3A_135 = vector.load %arg8[%get3A_133, %get3A_134] : memref<128x128xf32, #tpu.memory_space<vmem>>, vector<128x128xf32>
    %dot_general3A_136 = arith.constant dense<0.000000e+00> : vector<512x128xf32>
    %dot_general3A_137 = tpu.matmul %get3A_132, %get3A_135, %dot_general3A_136 {dimension_numbers = #tpu.dot_dimension_numbers<[1], [0], [0], [1], [0, 0, 1, 1], [], []>, precision = #tpu.contract_precision<fp32>, transpose_lhs_hint = false} : vector<512x128xf32>, vector<128x128xf32>, vector<512x128xf32> -> vector<512x128xf32>
    %add3A_138 = arith.addf %add3A_129, %dot_general3A_137 : vector<512x128xf32>
    %max3A_139 = arith.constant 0.000000e+00 : f32
    %max3A_140 = vector.broadcast %max3A_139 : f32 to vector<512x128xf32>
    %max3A_141 = arith.maximumf %add3A_138, %max3A_140 : vector<512x128xf32>
    %swap3A = arith.constant 0 : index
    %swap3A_142 = arith.constant 0 : index
    %swap3A_143 = vector.load %arg9[%swap3A, %swap3A_142] : memref<512x128xf32, #tpu.memory_space<vmem>>, vector<512x128xf32>
    tpu.vector_store %arg9[%swap3A, %swap3A_142], %max3A_141 {strides = array<i32>} : memref<512x128xf32, #tpu.memory_space<vmem>>, vector<512x128xf32>,
    return
  }
  func.func @transform_0(%arg0: i32) -> (i32, i32, i32, i32) {
    %c0_i32 = arith.constant 0 : i32
    %c0_i32_0 = arith.constant 0 : i32
    %c0_i32_1 = arith.constant 0 : i32
    %c0_i32_2 = arith.constant 0 : i32
    return %c0_i32, %c0_i32_0, %arg0, %c0_i32_1 : i32, i32, i32, i32
  }
  func.func @transform_1(%arg0: i32) -> (i32, i32, i32, i32) {
    %c1_i32 = arith.constant 1 : i32
    %c0_i32 = arith.constant 0 : i32
    %c0_i32_0 = arith.constant 0 : i32
    %c0_i32_1 = arith.constant 0 : i32
    return %c1_i32, %c0_i32, %arg0, %c0_i32_0 : i32, i32, i32, i32
  }
  func.func @transform_2(%arg0: i32) -> (i32, i32, i32, i32) {
    %c0_i32 = arith.constant 0 : i32
    %c8_i32 = arith.constant 8 : i32
    %c0_i32_0 = arith.constant 0 : i32
    %c0_i32_1 = arith.constant 0 : i32
    return %c0_i32, %c8_i32, %arg0, %c0_i32_0 : i32, i32, i32, i32
  }
  func.func @transform_3(%arg0: i32) -> (i32, i32, i32, i32) {
    %c1_i32 = arith.constant 1 : i32
    %c8_i32 = arith.constant 8 : i32
    %c0_i32 = arith.constant 0 : i32
    %c0_i32_0 = arith.constant 0 : i32
    return %c1_i32, %c8_i32, %arg0, %c0_i32 : i32, i32, i32, i32
  }
  func.func @transform_4(%arg0: i32) -> (i32, i32) {
    %c0_i32 = arith.constant 0 : i32
    %c0_i32_0 = arith.constant 0 : i32
    return %arg0, %c0_i32 : i32, i32
  }
  func.func @transform_5(%arg0: i32) -> (i32, i32) {
    %c0_i32 = arith.constant 0 : i32
    %c0_i32_0 = arith.constant 0 : i32
    %c0_i32_1 = arith.constant 0 : i32
    return %c0_i32, %c0_i32_0 : i32, i32
  }
  func.func @transform_6(%arg0: i32) -> (i32, i32) {
    %c0_i32 = arith.constant 0 : i32
    %c0_i32_0 = arith.constant 0 : i32
    %c0_i32_1 = arith.constant 0 : i32
    return %c0_i32, %c0_i32_0 : i32, i32
  }
  func.func @transform_7(%arg0: i32) -> (i32, i32) {
    %c0_i32 = arith.constant 0 : i32
    %c0_i32_0 = arith.constant 0 : i32
    %c0_i32_1 = arith.constant 0 : i32
    return %c0_i32, %c0_i32_0 : i32, i32
  }
  func.func @transform_8(%arg0: i32) -> (i32, i32) {
    %c0_i32 = arith.constant 0 : i32
    %c0_i32_0 = arith.constant 0 : i32
    return %arg0, %c0_i32 : i32, i32
  }
}

module attributes {stable_mosaic.version = 14 : i64} {
  func.func @_head_body(%arg0: i32, %arg1: memref<2x128x128xf32, #tpu.memory_space<vmem>>, %arg2: memref<2x128x16xf32, #tpu.memory_space<vmem>>, %arg3: memref<128x128xf32, #tpu.memory_space<vmem>>, %arg4: memref<1x128xf32, #tpu.memory_space<vmem>>, %arg5: memref<128x128xf32, #tpu.memory_space<vmem>>, %arg6: memref<128x128xf32, #tpu.memory_space<vmem>>) attributes {dimension_semantics = [#tpu.dimension_semantics<arbitrary>], iteration_bounds = array<i64: 1>, scalar_prefetch = 0 : i64, scratch_operands = 0 : i64, tpu.core_type = #tpu.core_type<tc>, window_params = [{pipeline_mode = #tpu.pipeline_mode<synchronous>, transform_indices = @transform_0, window_bounds = array<i64: 2, 128, 128>}, {pipeline_mode = #tpu.pipeline_mode<synchronous>, transform_indices = @transform_1, window_bounds = array<i64: 2, 128, 16>}, {pipeline_mode = #tpu.pipeline_mode<synchronous>, transform_indices = @transform_2, window_bounds = array<i64: 128, 128>}, {pipeline_mode = #tpu.pipeline_mode<synchronous>, transform_indices = @transform_3, window_bounds = array<i64: 1, 128>}, {pipeline_mode = #tpu.pipeline_mode<synchronous>, transform_indices = @transform_4, window_bounds = array<i64: 128, 128>}, {pipeline_mode = #tpu.pipeline_mode<synchronous>, transform_indices = @transform_5, window_bounds = array<i64: 128, 128>}]} {
    %get3A = arith.constant 0 : index
    %get3A_0 = arith.constant 0 : index
    %get3A_1 = arith.constant 0 : index
    %get3A_2 = vector.load %arg1[%get3A, %get3A_0, %get3A_1] : memref<2x128x128xf32, #tpu.memory_space<vmem>>, vector<1x128x128xf32>
    %get3A_3 = vector.shape_cast %get3A_2 : vector<1x128x128xf32> to vector<128x128xf32>
    %get3A_4 = arith.constant 1 : index
    %get3A_5 = arith.constant 0 : index
    %get3A_6 = arith.constant 0 : index
    %get3A_7 = vector.load %arg1[%get3A_4, %get3A_5, %get3A_6] : memref<2x128x128xf32, #tpu.memory_space<vmem>>, vector<1x128x128xf32>
    %get3A_8 = vector.shape_cast %get3A_7 : vector<1x128x128xf32> to vector<128x128xf32>
    %add3A = arith.addf %get3A_3, %get3A_8 : vector<128x128xf32>
    %get3A_9 = arith.constant 0 : index
    %get3A_10 = arith.constant 0 : index
    %get3A_11 = arith.constant 0 : index
    %get3A_12 = vector.load %arg2[%get3A_9, %get3A_10, %get3A_11] : memref<2x128x16xf32, #tpu.memory_space<vmem>>, vector<1x128x16xf32>
    %get3A_13 = vector.shape_cast %get3A_12 : vector<1x128x16xf32> to vector<128x16xf32>
    %slice3A = vector.extract_strided_slice %get3A_13 {offsets = [0, 0], sizes = [128, 1], strides = [1, 1]} : vector<128x16xf32> to vector<128x1xf32>
    %get3A_14 = arith.constant 1 : index
    %get3A_15 = arith.constant 0 : index
    %get3A_16 = arith.constant 0 : index
    %get3A_17 = vector.load %arg2[%get3A_14, %get3A_15, %get3A_16] : memref<2x128x16xf32, #tpu.memory_space<vmem>>, vector<1x128x16xf32>
    %get3A_18 = vector.shape_cast %get3A_17 : vector<1x128x16xf32> to vector<128x16xf32>
    %slice3A_19 = vector.extract_strided_slice %get3A_18 {offsets = [0, 0], sizes = [128, 1], strides = [1, 1]} : vector<128x16xf32> to vector<128x1xf32>
    %add3A_20 = arith.addf %slice3A, %slice3A_19 : vector<128x1xf32>
    %max3A = arith.constant 1.000000e+00 : f32
    %max3A_21 = vector.broadcast %max3A : f32 to vector<128x1xf32>
    %max3A_22 = arith.maximumf %add3A_20, %max3A_21 : vector<128x1xf32>
    %div3A = arith.constant 1.000000e+00 : f32
    %div3A_23 = vector.broadcast %div3A : f32 to vector<128x1xf32>
    %div3A_24 = arith.divf %div3A_23, %max3A_22 : vector<128x1xf32>
    %mul3A = vector.broadcast %div3A_24 : vector<128x1xf32> to vector<128x128xf32>
    %mul3A_25 = arith.mulf %add3A, %mul3A : vector<128x128xf32>
    %get3A_26 = arith.constant 0 : index
    %get3A_27 = arith.constant 0 : index
    %get3A_28 = vector.load %arg3[%get3A_26, %get3A_27] : memref<128x128xf32, #tpu.memory_space<vmem>>, vector<128x128xf32>
    %dot_general3A = arith.constant dense<0.000000e+00> : vector<128x128xf32>
    %dot_general3A_29 = tpu.matmul %mul3A_25, %get3A_28, %dot_general3A {dimension_numbers = #tpu.dot_dimension_numbers<[1], [0], [0], [1], [0, 0, 1, 1], [], []>, precision = #tpu.contract_precision<fp32>, transpose_lhs_hint = false} : vector<128x128xf32>, vector<128x128xf32>, vector<128x128xf32> -> vector<128x128xf32>
    %get3A_30 = arith.constant 0 : index
    %get3A_31 = arith.constant 0 : index
    %get3A_32 = vector.load %arg4[%get3A_30, %get3A_31] : memref<1x128xf32, #tpu.memory_space<vmem>>, vector<1x128xf32>
    %add3A_33 = vector.broadcast %get3A_32 : vector<1x128xf32> to vector<128x128xf32>
    %add3A_34 = arith.addf %dot_general3A_29, %add3A_33 : vector<128x128xf32>
    %max3A_35 = arith.constant 0.000000e+00 : f32
    %max3A_36 = vector.broadcast %max3A_35 : f32 to vector<128x128xf32>
    %max3A_37 = arith.maximumf %add3A_34, %max3A_36 : vector<128x128xf32>
    %get3A_38 = arith.constant 0 : index
    %get3A_39 = arith.constant 0 : index
    %get3A_40 = vector.load %arg5[%get3A_38, %get3A_39] : memref<128x128xf32, #tpu.memory_space<vmem>>, vector<128x128xf32>
    %dot_general3A_41 = arith.constant dense<0.000000e+00> : vector<128x128xf32>
    %dot_general3A_42 = tpu.matmul %max3A_37, %get3A_40, %dot_general3A_41 {dimension_numbers = #tpu.dot_dimension_numbers<[1], [0], [0], [1], [0, 0, 1, 1], [], []>, precision = #tpu.contract_precision<fp32>, transpose_lhs_hint = false} : vector<128x128xf32>, vector<128x128xf32>, vector<128x128xf32> -> vector<128x128xf32>
    %swap3A = arith.constant 0 : index
    %swap3A_43 = arith.constant 0 : index
    %swap3A_44 = vector.load %arg6[%swap3A, %swap3A_43] : memref<128x128xf32, #tpu.memory_space<vmem>>, vector<128x128xf32>
    tpu.vector_store %arg6[%swap3A, %swap3A_43], %dot_general3A_42 {strides = array<i32>} : memref<128x128xf32, #tpu.memory_space<vmem>>, vector<128x128xf32>,
    return
  }
  func.func @transform_0(%arg0: i32) -> (i32, i32, i32) {
    %c0_i32 = arith.constant 0 : i32
    %c0_i32_0 = arith.constant 0 : i32
    %c0_i32_1 = arith.constant 0 : i32
    %c0_i32_2 = arith.constant 0 : i32
    return %c0_i32, %c0_i32_0, %c0_i32_1 : i32, i32, i32
  }
  func.func @transform_1(%arg0: i32) -> (i32, i32, i32) {
    %c0_i32 = arith.constant 0 : i32
    %c0_i32_0 = arith.constant 0 : i32
    %c0_i32_1 = arith.constant 0 : i32
    %c0_i32_2 = arith.constant 0 : i32
    return %c0_i32, %c0_i32_0, %c0_i32_1 : i32, i32, i32
  }
  func.func @transform_2(%arg0: i32) -> (i32, i32) {
    %c0_i32 = arith.constant 0 : i32
    %c0_i32_0 = arith.constant 0 : i32
    %c0_i32_1 = arith.constant 0 : i32
    return %c0_i32, %c0_i32_0 : i32, i32
  }
  func.func @transform_3(%arg0: i32) -> (i32, i32) {
    %c0_i32 = arith.constant 0 : i32
    %c0_i32_0 = arith.constant 0 : i32
    %c0_i32_1 = arith.constant 0 : i32
    return %c0_i32, %c0_i32_0 : i32, i32
  }
  func.func @transform_4(%arg0: i32) -> (i32, i32) {
    %c0_i32 = arith.constant 0 : i32
    %c0_i32_0 = arith.constant 0 : i32
    %c0_i32_1 = arith.constant 0 : i32
    return %c0_i32, %c0_i32_0 : i32, i32
  }
  func.func @transform_5(%arg0: i32) -> (i32, i32) {
    %c0_i32 = arith.constant 0 : i32
    %c0_i32_0 = arith.constant 0 : i32
    %c0_i32_1 = arith.constant 0 : i32
    return %c0_i32, %c0_i32_0 : i32, i32
  }
}

</mosaic_0001>

<sc_bundles>
// kernel: _impl.5.cloned.1.call-start
scs
__scs_entry_jumppad:
0x0: {  	(pc) =	sbr.rel $0x88, $3  }
0x1: {  	(tag) =	ssettag $0x0;
	lr =	simm.s32 $0x1  }
0x2: {  	[smem:$0x3F8F] =	sst lr;
	_ =	strace $0xD0000000  }
0x3: {  	_ = 	snop  }
0x4: {  	_ = 	snop  }
0x5: {  	_ = 	snop  }
0x6: {  	_ = 	snop  }
0x7: {  	_ = 	snop  }
__scs_overlays_trampoline_lowered:
0x8: {  	[smem:$0x3F9E] =	sst s0  }
0x9: {  	[smem:$0x3F9F] =	sst s1  }
0xa: {  	[smem:$0x3FA0] =	sst s2  }
0xb: {  	[smem:$0x3FA1] =	sst s3  }
0xc: {  	[smem:$0x3FA2] =	sst s4  }
0xd: {  	[smem:$0x3FA3] =	sst s5  }
0xe: {  	[smem:$0x3FA4] =	sst s6  }
0xf: {  	[smem:$0x3FA5] =	sst s7  }
0x10: {  	[smem:$0x3FA6] =	sst s8  }
0x11: {  	[smem:$0x3FA7] =	sst s9;
	s0 =	simm.s32 @!p0 $0x0  }
0x12: {  	s1 =	sld [smem:$0x3F8D];
	s0 =	simm.s32 @p0 $0x1  }
0x13: {  	[smem:$0x3FA8] =	sst s0;
	s0 =	simm.s32 @!p1 $0x0  }
0x14: {  	s2 =	sld [smem:$0x3F8C];
	s0 =	simm.s32 @p1 $0x1  }
0x15: {  	[smem:$0x3FA9] =	sst s0;
	s0 =	simm.s32 @!p2 $0x0  }
0x16: {  	s3 =	sld [smem:$0x3FDB];
	s0 =	simm.s32 @p2 $0x1  }
0x17: {  	s4 =	simm.s32 $0x1BF5;
	[smem:$0x3FAB] =	sst s0  }
0x18: {  	s0 =	sld [smem:$0x3F8E];
	_ =	swait.ge [sflag:s4], $0x0  }
0x19: {  	s7 =	sld [smem:$0x3F8F]  }
0x1a: {  	s8 =	sadd.s32 $0xFFFFE003, lr  }
0x1b: {  	s9 =	sadd.s32 $0xFFFFFEF7, lr;
	s5 =	simm.s32 $0xFFFFFFFF;
	p2 =	slt.u32 s8, $0xFFFFF086  }
0x1c: {  	p1 =	slt.u32 s9, $0xF7A;
	s5 =	simm.s32 @!p2 $0x0  }
0x1d: {  	s5 =	simm.s32 @p1 $0x1;
	p0 =	seq.s32 s7, s2  }
0x1e: {  	s7 =	smul.u32 @!p0 $0xF7A, s2;
	p2 =	seq.s32 @!p0 s5, $0x0  }
0x1f: {  	s9 =	smul.u32 $0xF7A, s1;
	s8 =	simm.s32 @!p0 $0x1BF5;
	p2 =	por !p2, p0  }
0x20: {  	[sflag:s8] =	ssyncset.s32 @!p0 $0xFFFFF086;
	s6 =	sadd.s32 @!p0 s3, s7;
	s7 =	simm.s32 @!p0 $0x108  }
0x21: {  	s3 =	sadd.s32 s3, s9;
	s6 =	sadd.s32 @!p0 $0x88, s6;
	s7 =	simm.s32 @p2 $0x1082  }
0x22: {  	[simem:s7], [sflag:s8] =	dma.local @!p0 [hbm:s6], $0xF7A  }
0x23: {  	s9 =	sor.u32 $0xD0000000, s2;
	s6 =	simm.s32 $0x108;
	_ =	swait.ge @!p0 [sflag:s8], $0x0  }
0x24: {  	s3 =	sadd.s32 $0x88, s3;
	s6 =	simm.s32 @!p1 $0x1082;
	[sflag:s4] =	ssyncset.s32 $0xFFFFF086  }
0x25: {  	[simem:s6], [sflag:s4] =	dma.local [hbm:s3], $0xF7A  }
0x26: {  	[smem:$0x3F8F] =	sst s1;
	(tag) =	ssettag s2;
	_ =	strace s9  }
0x27: {  	s1 =	sld [smem:$0x3F9F]  }
0x28: {  	s2 =	sld [smem:$0x3FA0]  }
0x29: {  	s4 =	sld [smem:$0x3FA2]  }
0x2a: {  	p0 =	seq.s32 s5, $0x0;
	s5 =	sld [smem:$0x3FA3]  }
0x2b: {  	s6 =	sld [smem:$0x3FA4]  }
0x2c: {  	s7 =	sld [smem:$0x3FA5]  }
0x2d: {  	s3 =	simm.s32 $0x108;
	s8 =	sld [smem:$0x3FA6]  }
0x2e: {  	s3 =	simm.s32 @!p0 $0x1082;
	s9 =	sld [smem:$0x3FA7]  }
0x2f: {  	lr =	sadd.s32 s0, s3;
	s0 =	sld [smem:$0x3F9E]  }
0x30: {  	s3 =	sld [smem:$0x3FA1]  }
0x31: {  	[smem:$0x3FAA] =	sst s10  }
0x32: {  	s10 =	sld [smem:$0x3FA8];
	_ =	sdelay $0x3  }
0x33: {  	p0 =	seq.s32 s10, $0x1;
	s10 =	sld [smem:$0x3FAA];
	_ =	sdelay $0x3  }
0x34: {  	[smem:$0x3FAA] =	sst s10  }
0x35: {  	s10 =	sld [smem:$0x3FA9];
	_ =	sdelay $0x3  }
0x36: {  	p1 =	seq.s32 s10, $0x1;
	s10 =	sld [smem:$0x3FAA];
	_ =	sdelay $0x3  }
0x37: {  	[smem:$0x3FAA] =	sst s10  }
0x38: {  	s10 =	sld [smem:$0x3FAB]  }
0x39: {  	_ = 	snop;
	(pc) =	sbr.ind lr, $3  }
0x3a: {  	_ = 	snop  }
0x3b: {  	_ = 	snop  }
0x3c: {  	p2 =	seq.s32 s10, $0x1;
	s10 =	sld [smem:$0x3FAA]  }
0x3d: {  	_ =	shalt  }
0x3e: {  	_ =	shalt  }
0x3f: {  	_ =	shalt  }
0x40: {  	_ =	shalt  }
0x41: {  	_ =	shalt  }
0x42: {  	_ =	shalt  }
0x43: {  	_ =	shalt  }
0x44: {  	_ =	shalt  }
0x45: {  	_ =	shalt  }
0x46: {  	_ =	shalt  }
0x47: {  	_ =	shalt  }
0x48: {  	_ =	shalt  }
0x49: {  	_ =	shalt  }
0x4a: {  	_ =	shalt  }
0x4b: {  	_ =	shalt  }
0x4c: {  	_ =	shalt  }
0x4d: {  	_ =	shalt  }
0x4e: {  	_ =	shalt  }
0x4f: {  	_ =	shalt  }
0x50: {  	_ =	shalt  }
0x51: {  	_ =	shalt  }
0x52: {  	_ =	shalt  }
0x53: {  	_ =	shalt  }
0x54: {  	_ =	shalt  }
0x55: {  	_ =	shalt  }
0x56: {  	_ =	shalt  }
0x57: {  	_ =	shalt  }
0x58: {  	_ =	shalt  }
0x59: {  	_ =	shalt  }
0x5a: {  	_ =	shalt  }
0x5b: {  	_ =	shalt  }
0x5c: {  	_ =	shalt  }
0x5d: {  	_ =	shalt  }
0x5e: {  	_ =	shalt  }
0x5f: {  	_ =	shalt  }
0x60: {  	_ =	shalt  }
0x61: {  	_ =	shalt  }
0x62: {  	_ =	shalt  }
0x63: {  	_ =	shalt  }
0x64: {  	_ =	shalt  }
0x65: {  	_ =	shalt  }
0x66: {  	_ =	shalt  }
0x67: {  	_ =	shalt  }
0x68: {  	_ =	shalt  }
0x69: {  	_ =	shalt  }
0x6a: {  	_ =	shalt  }
0x6b: {  	_ =	shalt  }
0x6c: {  	_ =	shalt  }
0x6d: {  	_ =	shalt  }
0x6e: {  	_ =	shalt  }
0x6f: {  	_ =	shalt  }
0x70: {  	_ =	shalt  }
0x71: {  	_ =	shalt  }
0x72: {  	_ =	shalt  }
0x73: {  	_ =	shalt  }
0x74: {  	_ =	shalt  }
0x75: {  	_ =	shalt  }
0x76: {  	_ =	shalt  }
0x77: {  	_ =	shalt  }
0x78: {  	_ =	shalt  }
0x79: {  	_ =	shalt  }
0x7a: {  	_ =	shalt  }
0x7b: {  	_ =	shalt  }
0x7c: {  	_ =	shalt  }
0x7d: {  	_ =	shalt  }
0x7e: {  	_ =	shalt  }
0x7f: {  	_ =	shalt  }
0x80: {  	_ =	shalt  }
0x81: {  	_ =	shalt  }
0x82: {  	_ =	shalt  }
0x83: {  	_ =	shalt  }
0x84: {  	_ =	shalt  }
0x85: {  	_ =	shalt  }
0x86: {  	_ =	shalt  }
0x87: {  	_ =	shalt  }
.Lfunc_end0:
.L_simem_size_0:
called_computation.1_lowered:
.L_overlay_start_0:
0x88: {  	s2 =	sld [smem:$0x3FD9]  }
0x89: {  	s3 =	sld [smem:$0x3FFE];
	_ =	sdelay $0x1  }
0x8a: {  	s1 =	srdreg.scid  }
0x8b: {  	s0 =	sand.u32 $0x1, s1  }
0x8c: {  	s16 =	sshll.u32 s0, $0xA;
	s2 =	sadd.s32 s3, s2  }
0x8d: {  	s2 =	sadd.s32 s2, s16  }
0x8e: {  	[smem:$0x3FB6] =	sst s2  }
0x8f: {  	_ = 	snop  }
0x90: {  	(tm) =	ssettm $0x1  }
0x91: {  	s17 =	sld [smem:$0x3FFB];
	_ =	sdelay $0x3  }
0x92: {  	_ =	strace s17  }
0x93: {  	s2 =	sld [smem:$0x3FFC];
	_ =	sdelay $0x3  }
0x94: {  	_ =	strace s2  }
0x95: {  	s2 =	sld [smem:$0x3FFD];
	_ =	sdelay $0x3  }
0x96: {  	_ =	strace s2  }
0x97: {  	_ =	strace $0x8FFFFFFF  }
0x98: {  	s18 =	sld [smem:$0x3FDB];
	_ =	sdelay $0x1  }
0x99: {  	s19 =	simm.s32 $_scs_section_size  }
0x9a: {  	s4 =	simm.s32 $_size__tile_overlayer_lowered;
	s5 =	simm.s32 $_tile_overlayer_lowered  }
0x9b: {  	s22 =	simm.s32 $0x1BFF;
	s21 =	sshll.u32 s5, $0x1;
	s2 =	sadd.s32 s19, s18  }
0x9c: {  	s6 =	simm.s32 $0x0;
	s20 =	sshll.u32 s4, $0x1;
	s4 =	sadd.s32 s21, s2  }
0x9d: {  	[timem:s6], [sflag:s22] =	dma.local [hbm:s4], s20  }
0x9e: {  	_ =	swait.ge [sflag:s22], s20  }
0x9f: {  	s3 =	ssub.s32 $0x0, s20;
	[sflag:s22] =	ssyncset.done $0x0  }
0xa0: {  	[sflag:s22] =	ssyncadd.s32 s3;
	_ =	sdelay $0x1  }
0xa1: {  	s23 =	simm.s32 $0x1B8B  }
0xa2: {  	_ =	swait.ge [sflag:s23], $0x1  }
0xa3: {  	[sflag:s23] =	ssyncset.done $0x0  }
0xa4: {  	s25 =	simm.s32 $0x1B8E;
	s24 =	sld [smem:$0x3FFE];
	[sflag:s23] =	ssyncadd.s32 $0xFFFFFFFF  }
0xa5: {  	s26 =	simm.s32 $execute0_lowered;
	[smem:$0x3FD2] =	sst s25  }
0xa6: {  	s4 =	sshll.u32 s26, $0x1;
	_ =	strace $0x80000046;
	[dreg:$0x1] =	wrdreg $0xFFFFFFFF  }
0xa7: {  	s28 =	simm.s32 $_size_execute0_lowered;
	s2 =	sadd.s32 s2, s4;
	[dreg:$0x0] =	wrdreg $0x0  }
0xa8: {  	s4 =	sshll.u32 s28, $0x1;
	[dreg:$0x2] =	wrdreg s2  }
0xa9: {  	[dreg:$0x3] =	wrdreg s4  }
0xaa: {  	[dreg:$0x4] =	wrdreg $0xC0  }
0xab: {  	_ =	task [dreg:s6], $0x5FFFF  }
0xac: {  	[dreg:$0x1] =	wrdreg $0xFFFFFFFF  }
0xad: {  	[dreg:$0x0] =	wrdreg $0x60  }
0xae: {  	[dreg:$0x2] =	wrdreg s24  }
0xaf: {  	[dreg:$0x3] =	wrdreg $0x54800  }
0xb0: {  	[dreg:$0x4] =	wrdreg $0x58800  }
0xb1: {  	[dreg:$0x5] =	wrdreg $0x9  }
0xb2: {  	_ =	task.clear_ibuf [dreg:s6], $0x6FFFF;
	_ =	strace $0x90000046  }
0xb3: {  	s29 =	simm.s32 $0x9;
	_ =	strace $0x80000048  }
0xb4: {  	_ =	swait.ge [sflag:s29], $0x1  }
0xb5: {  	[sflag:s29] =	ssyncadd.s32 $0xFFFFFFFF  }
0xb6: {  	_ =	strace $0x90000048  }
0xb7: {  	_ =	sfence  }
0xb8: {  	s30 =	sld [smem:$0x0];
	_ =	sdelay $0x2  }
0xb9: {  	s31 =	sshll.u32 s1, $0xD;
	s1 =	sshrl.u32 s1, $0x2  }
0xba: {  	s3 =	sand.u32 $0x4000, s31;
	s1 =	sadd.s32 s1, s30  }
0xbb: {  	s0 =	sor.u32 s3, s0;
	s1 =	sshll.u32 s1, $0x11  }
0xbc: {  	s0 =	sor.u32 s1, s0  }
0xbd: {  	s0 =	sadd.s32 $0x8F2B, s0  }
0xbe: {  	[sflag:s0] =	ssyncadd.remote.s32 $0x1  }
0xbf: {  	_ =	sfence.sel $0xFFFF  }
0xc0: {  	[dreg:$0x0] =	wrdreg $0xFFFFFFFF;
	(pc) =	sbr.abs _section_cstart, $3  }
0xc1: {  	[dreg:$0x1] =	wrdreg $0xFFFFFFFF  }
0xc2: {  	_ =	task.clear_ibuf [dreg:s6], $0x2FFFF;
	_ =	strace $0x9FFFFFFF  }
0xc3: {  	(tm) =	ssettm $0x7FFFFFFF  }
tec
execute0_lowered:
.L_overlay_start_1:
0x0: {  	(tag) =	ssettag $0x1  }
0x1: {  	s7 =	rddreg [dreg:$0x0]  }
0x2: {  	s12 =	stileid.u32;
	s1 =	rddreg [dreg:$0x1]  }
0x3: {  	s0 =	srdreg.scid;
	s2 =	rddreg [dreg:$0x2];
	s3 =	simm.s32 $0x0  }
0x4: {  	s16 =	simm.s32 $0x4000;
	s17 =	simm.s32 $0x80;
	s18 =	simm.s32 $0x0  }
0x5: {  	s8 =	sand.u32 $0x1, s0;
	s30 =	sshll.u32 s12, $0x1;
	s0 =	rddreg [dreg:$0x3]  }
0x6: {  	[smem:$0x7FF] =	sst s3;
	s5 =	smul.u32 $0x19000, s12;
	s6 =	sadd.s32 $0x3600, s7  }
0x7: {  	p0 =	sne.s32 s12, $0x0;
	s12 =	simm.s32 $0x4C80;
	s4 =	sor.u32 s8, s30  }
0x8: {  	_ =	strace $0x80000047;
	s10 =	sshll.u32 s8, $0xB;
	s15 =	smul.u32 $0xC800, s8  }
0x9: {  	s13 =	sshll.u32 s8, $0x8;
	s14 =	ssub.s32 $0x2, s8;
	s4 =	smul.u32 $0xC80, s4  }
0xa: {  	s11 =	sadd.s32 s5, s7;
	s5 =	sadd.s32 $0x3400, s7;
	s31 =	sshrl.u32 s14, $0x1  }
0xb: {  	s10 =	sadd.s32 s10, s7;
	s13 =	sadd.s32 s13, s7;
	s14 =	ssub.s32 s14, s31  }
0xc: {  	s8 =	sadd.s32 $0x3A00, s10;
	s11 =	sadd.s32 s15, s11;
	s15 =	sshrl.u32 @!p0 s2, $0x3  }
0xd: {  	s4 =	sshrl.u32 s4, $0x3;
	s10 =	smax.u32 s14, $0x1;
	s11 =	sadd.s32 $0x34B600, s11  }
0xe: {  	s14 =	sshrl.u32 @!p0 s1, $0x3;
	s9 =	sadd.s32 s4, s7;
	s4 =	sadd.s32 $0x2C00, s7  }
0xf: {  	s7 =	sadd.s32 $0x34C00, s9;
	s9 =	sadd.s32 $0x3800, s13;
	s13 =	simm.s32 $0x1  }
.LBB2_1:
0x10: {  	[tilespmem:s12], [sflag:$0x1] =	stream.linear.gather [hbm4b:s6+s3], $0x800, $0x38;
	[tilespmem:$0x5900] =	vst v63  }
0x11: {  	_ =	swait.ge [sflag:s13], $0x800  }
0x12: {  	[sflag:s13] =	ssyncset.done $0x0  }
0x13: {  	s19 =	simm.s32 @!p0 $0x1C01;
	s20 =	simm.s32 @!p0 $0x1;
	[sflag:s13] =	ssyncadd.s32 $0xFFFFF800  }
0x14: {  	[spmem:s14], [sflag:s19] =	dma.local @!p0 [hbm:s4], $0x800  }
0x15: {  	_ =	swait.ge @!p0 [sflag:s20], $0x800  }
0x16: {  	[sflag:s20] =	ssyncset.done @!p0 $0x0  }
0x17: {  	[sflag:s20] =	ssyncadd.s32 @!p0 $0xFFFFF800  }
0x18: {  	[spmem:s15], [sflag:s19] =	dma.local @!p0 [hbm:s5], $0x100  }
0x19: {  	_ =	swait.ge @!p0 [sflag:s20], $0x100  }
0x1a: {  	[sflag:s20] =	ssyncset.done @!p0 $0x0  }
0x1b: {  	[sflag:s20] =	ssyncadd.s32 @!p0 $0xFFFFFF00  }
0x1c: {  	[bflag:$0x0] =	sbarrier.arrive $0xFFFF  }
0x1d: {  	[tilespmem:s16], [sflag:$0x1] =	stream.linear.gather [hbm4b:s7+s3], $0xC80, $0x38;
	[tilespmem:$0x5900] =	vst v63  }
0x1e: {  	_ =	swait.ge [sflag:s13], $0xC80  }
0x1f: {  	[sflag:s13] =	ssyncset.done $0x0  }
0x20: {  	[sflag:s13] =	ssyncadd.s32 $0xFFFFF380  }
0x21: {  	[tilespmem:s3], [sflag:$0x1] =	stream.linear.gather [hbm4b:s11+s3], $0x4000, $0x38;
	[tilespmem:$0x5900] =	vst v63  }
0x22: {  	_ =	swait.ge [sflag:s13], $0x4000  }
0x23: {  	[sflag:s13] =	ssyncset.done $0x0  }
0x24: {  	s31 =	simm.s32 $0x4000;
	[sflag:s13] =	ssyncadd.s32 $0xFFFFC000  }
0x25: {  	[spmem:s1] =	stream.indirect.scatter.add.f32 [tilespmem:s3], [sflag:$0x1], $0x80, s31, s17, $0xb8;
	[tilespmem:$0x5900] =	vst v63  }
0x26: {  	_ =	swait.ge [sflag:s13], $0x4000  }
0x27: {  	[sflag:s13] =	ssyncset.done $0x0  }
0x28: {  	[sflag:s13] =	ssyncadd.s32 $0xFFFFC000  }
0x29: {  	[spmem:s2] =	stream.indirect.scatter.add.f32 [tilespmem:s12], [sflag:$0x1], $0x10, s31, s17, $0xb8;
	[tilespmem:$0x5900] =	vst v63  }
0x2a: {  	_ =	swait.ge [sflag:s13], $0x800  }
0x2b: {  	s19 =	simm.s32 $0x200;
	s20 =	smov.u32 s11;
	[sflag:s13] =	ssyncset.done $0x0  }
.LBB2_2:
0x2c: {  	p1 =	sne.s32 s19, $0x3000;
	[sflag:s13] =	ssyncadd.s32 $0xFFFFF800;
	s20 =	sadd.s32 $0x800, s20  }
0x2d: {  	[tilespmem:s3], [sflag:$0x1] =	stream.linear.gather [hbm4b:s20+s3], $0x4000, $0x38;
	[tilespmem:$0x5900] =	vst v63  }
0x2e: {  	s21 =	smov.u32 s19;
	s19 =	sadd.s32 $0x200, s19;
	_ =	swait.ge [sflag:s13], $0x4000  }
0x2f: {  	s21 =	sshra.s32 s21, $0x2;
	[sflag:s13] =	ssyncset.done $0x0  }
0x30: {  	s21 =	sadd.s32 $0x4000, s21;
	[sflag:s13] =	ssyncadd.s32 $0xFFFFC000  }
0x31: {  	[spmem:s1] =	stream.indirect.scatter.add.f32 [tilespmem:s3], [sflag:$0x1], $0x80, s21, s17, $0xb8;
	[tilespmem:$0x5900] =	vst v63  }
0x32: {  	_ =	swait.ge [sflag:s13], $0x4000  }
.Ltmp0:
0x33: {  	[sflag:s13] =	ssyncset.done $0x0;
	(pc) =	sbr.rel @p1 .LBB2_2-.Ltmp0, $4  }
0x34: {  	[sflag:s13] =	ssyncadd.s32 $0xFFFFC000  }
0x35: {  	[spmem:s2] =	stream.indirect.scatter.add.f32 [tilespmem:s12], [sflag:$0x1], $0x10, s21, s17, $0xb8;
	[tilespmem:$0x5900] =	vst v63  }
0x36: {  	_ =	swait.ge [sflag:s13], $0x800  }
0x37: {  	[sflag:s13] =	ssyncset.done $0x0  }
0x38: {  	[sflag:s13] =	ssyncadd.s32 $0xFFFFF800  }
0x39: {  	s19 =	simm.s32 @!p0 $0x1C01;
	s20 =	simm.s32 @!p0 $0x1;
	[bflag:$0x0] =	sbarrier.arrive $0xFFFF  }
0x3a: {  	[hbm:s8], [sflag:s19] =	dma.local @!p0 [spmem:s14], $0x800  }
0x3b: {  	s18 =	sadd.s32 $0x1, s18;
	_ =	swait.ge @!p0 [sflag:s20], $0x800  }
0x3c: {  	p1 =	sne.s32 s18, s10;
	[sflag:s20] =	ssyncset.done @!p0 $0x0  }
.Ltmp1:
0x3d: {  	[sflag:s20] =	ssyncadd.s32 @!p0 $0xFFFFF800;
	(pc) =	sbr.rel @p1 .LBB2_1-.Ltmp1, $4  }
0x3e: {  	[hbm:s9], [sflag:s19] =	dma.local @!p0 [spmem:s15], $0x100  }
0x3f: {  	_ =	swait.ge @!p0 [sflag:s20], $0x100  }
0x40: {  	[sflag:s20] =	ssyncset.done @!p0 $0x0  }
0x41: {  	[sflag:s20] =	ssyncadd.s32 @!p0 $0xFFFFFF00  }
0x42: {  	_ =	sfence.sel $0x180000  }
0x43: {  	[bflag:$0x0] =	sbarrier.arrive $0xFFFF  }
0x44: {  	_ =	strace $0x90000047  }
0x45: {  	s0 =	sadd.s32 @!p0 $0x100000, s0;
	[bflag:$0x2] =	sbarrier.arrive $0xFFFF  }
0x46: {  	[sflag:s0] =	ssyncadd.tile.s32 @!p0 $0x1;
	_ =	shalt  }
.Lfunc_end2:
_tile_overlayer_lowered:
.L_overlay_start_2:
0x47: {  	(tag) =	ssettag $0x2  }
0x48: {  	s0 =	rddreg [dreg:$0x0];
	s2 =	stileid.u32  }
0x49: {  	s1 =	rddreg [dreg:$0x1];
	p0 =	sne.s32 s2, $0x0  }
0x4a: {  	s3 =	rddreg [dreg:$0x2];
	[bflag:$0x3] =	sbarrier.arrive $0xFFFF;
	s2 =	simm.s32 @!p0 $0x1C01  }
0x4b: {  	[timem:s3], [sflag:s2] =	dma.local @!p0 [hbm:s0], s1  }
0x4c: {  	s0 =	simm.s32 @!p0 $0x1  }
0x4d: {  	_ =	swait.ge @!p0 [sflag:s0], s1  }
0x4e: {  	s1 =	ssub.s32 @!p0 $0x0, s1;
	[sflag:s0] =	ssyncset.done @!p0 $0x0  }
0x4f: {  	[sflag:s0] =	ssyncadd.s32 @!p0 s1  }
0x50: {  	[bflag:$0x3] =	sbarrier.arrive $0xFFFF  }
0x51: {  	_ =	shalt  }

// kernel: closed_call.9.cloned.1.call-start
scs
__scs_entry_jumppad:
0x0: {  	(pc) =	sbr.rel $0x88, $3  }
0x1: {  	(tag) =	ssettag $0x0;
	lr =	simm.s32 $0x1  }
0x2: {  	[smem:$0x3F8F] =	sst lr;
	_ =	strace $0xD0000000  }
0x3: {  	_ = 	snop  }
0x4: {  	_ = 	snop  }
0x5: {  	_ = 	snop  }
0x6: {  	_ = 	snop  }
0x7: {  	_ = 	snop  }
__scs_overlays_trampoline_lowered:
0x8: {  	[smem:$0x3F9E] =	sst s0  }
0x9: {  	[smem:$0x3F9F] =	sst s1  }
0xa: {  	[smem:$0x3FA0] =	sst s2  }
0xb: {  	[smem:$0x3FA1] =	sst s3  }
0xc: {  	[smem:$0x3FA2] =	sst s4  }
0xd: {  	[smem:$0x3FA3] =	sst s5  }
0xe: {  	[smem:$0x3FA4] =	sst s6  }
0xf: {  	[smem:$0x3FA5] =	sst s7  }
0x10: {  	[smem:$0x3FA6] =	sst s8  }
0x11: {  	[smem:$0x3FA7] =	sst s9;
	s0 =	simm.s32 @!p0 $0x0  }
0x12: {  	s1 =	sld [smem:$0x3F8D];
	s0 =	simm.s32 @p0 $0x1  }
0x13: {  	[smem:$0x3FA8] =	sst s0;
	s0 =	simm.s32 @!p1 $0x0  }
0x14: {  	s2 =	sld [smem:$0x3F8C];
	s0 =	simm.s32 @p1 $0x1  }
0x15: {  	[smem:$0x3FA9] =	sst s0;
	s0 =	simm.s32 @!p2 $0x0  }
0x16: {  	s3 =	sld [smem:$0x3FDB];
	s0 =	simm.s32 @p2 $0x1  }
0x17: {  	s4 =	simm.s32 $0x1BF5;
	[smem:$0x3FAB] =	sst s0  }
0x18: {  	s0 =	sld [smem:$0x3F8E];
	_ =	swait.ge [sflag:s4], $0x0  }
0x19: {  	s7 =	sld [smem:$0x3F8F]  }
0x1a: {  	s8 =	sadd.s32 $0xFFFFE003, lr  }
0x1b: {  	s9 =	sadd.s32 $0xFFFFFEF7, lr;
	s5 =	simm.s32 $0xFFFFFFFF;
	p2 =	slt.u32 s8, $0xFFFFF086  }
0x1c: {  	p1 =	slt.u32 s9, $0xF7A;
	s5 =	simm.s32 @!p2 $0x0  }
0x1d: {  	s5 =	simm.s32 @p1 $0x1;
	p0 =	seq.s32 s7, s2  }
0x1e: {  	s7 =	smul.u32 @!p0 $0xF7A, s2;
	p2 =	seq.s32 @!p0 s5, $0x0  }
0x1f: {  	s9 =	smul.u32 $0xF7A, s1;
	s8 =	simm.s32 @!p0 $0x1BF5;
	p2 =	por !p2, p0  }
0x20: {  	[sflag:s8] =	ssyncset.s32 @!p0 $0xFFFFF086;
	s6 =	sadd.s32 @!p0 s3, s7;
	s7 =	simm.s32 @!p0 $0x108  }
0x21: {  	s3 =	sadd.s32 s3, s9;
	s6 =	sadd.s32 @!p0 $0x88, s6;
	s7 =	simm.s32 @p2 $0x1082  }
0x22: {  	[simem:s7], [sflag:s8] =	dma.local @!p0 [hbm:s6], $0xF7A  }
0x23: {  	s9 =	sor.u32 $0xD0000000, s2;
	s6 =	simm.s32 $0x108;
	_ =	swait.ge @!p0 [sflag:s8], $0x0  }
0x24: {  	s3 =	sadd.s32 $0x88, s3;
	s6 =	simm.s32 @!p1 $0x1082;
	[sflag:s4] =	ssyncset.s32 $0xFFFFF086  }
0x25: {  	[simem:s6], [sflag:s4] =	dma.local [hbm:s3], $0xF7A  }
0x26: {  	[smem:$0x3F8F] =	sst s1;
	(tag) =	ssettag s2;
	_ =	strace s9  }
0x27: {  	s1 =	sld [smem:$0x3F9F]  }
0x28: {  	s2 =	sld [smem:$0x3FA0]  }
0x29: {  	s4 =	sld [smem:$0x3FA2]  }
0x2a: {  	p0 =	seq.s32 s5, $0x0;
	s5 =	sld [smem:$0x3FA3]  }
0x2b: {  	s6 =	sld [smem:$0x3FA4]  }
0x2c: {  	s7 =	sld [smem:$0x3FA5]  }
0x2d: {  	s3 =	simm.s32 $0x108;
	s8 =	sld [smem:$0x3FA6]  }
0x2e: {  	s3 =	simm.s32 @!p0 $0x1082;
	s9 =	sld [smem:$0x3FA7]  }
0x2f: {  	lr =	sadd.s32 s0, s3;
	s0 =	sld [smem:$0x3F9E]  }
0x30: {  	s3 =	sld [smem:$0x3FA1]  }
0x31: {  	[smem:$0x3FAA] =	sst s10  }
0x32: {  	s10 =	sld [smem:$0x3FA8];
	_ =	sdelay $0x3  }
0x33: {  	p0 =	seq.s32 s10, $0x1;
	s10 =	sld [smem:$0x3FAA];
	_ =	sdelay $0x3  }
0x34: {  	[smem:$0x3FAA] =	sst s10  }
0x35: {  	s10 =	sld [smem:$0x3FA9];
	_ =	sdelay $0x3  }
0x36: {  	p1 =	seq.s32 s10, $0x1;
	s10 =	sld [smem:$0x3FAA];
	_ =	sdelay $0x3  }
0x37: {  	[smem:$0x3FAA] =	sst s10  }
0x38: {  	s10 =	sld [smem:$0x3FAB]  }
0x39: {  	_ = 	snop;
	(pc) =	sbr.ind lr, $3  }
0x3a: {  	_ = 	snop  }
0x3b: {  	_ = 	snop  }
0x3c: {  	p2 =	seq.s32 s10, $0x1;
	s10 =	sld [smem:$0x3FAA]  }
0x3d: {  	_ =	shalt  }
0x3e: {  	_ =	shalt  }
0x3f: {  	_ =	shalt  }
0x40: {  	_ =	shalt  }
0x41: {  	_ =	shalt  }
0x42: {  	_ =	shalt  }
0x43: {  	_ =	shalt  }
0x44: {  	_ =	shalt  }
0x45: {  	_ =	shalt  }
0x46: {  	_ =	shalt  }
0x47: {  	_ =	shalt  }
0x48: {  	_ =	shalt  }
0x49: {  	_ =	shalt  }
0x4a: {  	_ =	shalt  }
0x4b: {  	_ =	shalt  }
0x4c: {  	_ =	shalt  }
0x4d: {  	_ =	shalt  }
0x4e: {  	_ =	shalt  }
0x4f: {  	_ =	shalt  }
0x50: {  	_ =	shalt  }
0x51: {  	_ =	shalt  }
0x52: {  	_ =	shalt  }
0x53: {  	_ =	shalt  }
0x54: {  	_ =	shalt  }
0x55: {  	_ =	shalt  }
0x56: {  	_ =	shalt  }
0x57: {  	_ =	shalt  }
0x58: {  	_ =	shalt  }
0x59: {  	_ =	shalt  }
0x5a: {  	_ =	shalt  }
0x5b: {  	_ =	shalt  }
0x5c: {  	_ =	shalt  }
0x5d: {  	_ =	shalt  }
0x5e: {  	_ =	shalt  }
0x5f: {  	_ =	shalt  }
0x60: {  	_ =	shalt  }
0x61: {  	_ =	shalt  }
0x62: {  	_ =	shalt  }
0x63: {  	_ =	shalt  }
0x64: {  	_ =	shalt  }
0x65: {  	_ =	shalt  }
0x66: {  	_ =	shalt  }
0x67: {  	_ =	shalt  }
0x68: {  	_ =	shalt  }
0x69: {  	_ =	shalt  }
0x6a: {  	_ =	shalt  }
0x6b: {  	_ =	shalt  }
0x6c: {  	_ =	shalt  }
0x6d: {  	_ =	shalt  }
0x6e: {  	_ =	shalt  }
0x6f: {  	_ =	shalt  }
0x70: {  	_ =	shalt  }
0x71: {  	_ =	shalt  }
0x72: {  	_ =	shalt  }
0x73: {  	_ =	shalt  }
0x74: {  	_ =	shalt  }
0x75: {  	_ =	shalt  }
0x76: {  	_ =	shalt  }
0x77: {  	_ =	shalt  }
0x78: {  	_ =	shalt  }
0x79: {  	_ =	shalt  }
0x7a: {  	_ =	shalt  }
0x7b: {  	_ =	shalt  }
0x7c: {  	_ =	shalt  }
0x7d: {  	_ =	shalt  }
0x7e: {  	_ =	shalt  }
0x7f: {  	_ =	shalt  }
0x80: {  	_ =	shalt  }
0x81: {  	_ =	shalt  }
0x82: {  	_ =	shalt  }
0x83: {  	_ =	shalt  }
0x84: {  	_ =	shalt  }
0x85: {  	_ =	shalt  }
0x86: {  	_ =	shalt  }
0x87: {  	_ =	shalt  }
.Lfunc_end0:
.L_simem_size_0:
called_computation_lowered:
.L_overlay_start_0:
0x88: {  	s2 =	sld [smem:$0x3FD9]  }
0x89: {  	s3 =	sld [smem:$0x3FFE];
	_ =	sdelay $0x1  }
0x8a: {  	s1 =	srdreg.scid  }
0x8b: {  	s0 =	sand.u32 $0x1, s1  }
0x8c: {  	s16 =	sshll.u32 s0, $0xA;
	s2 =	sadd.s32 s3, s2  }
0x8d: {  	s2 =	sadd.s32 s2, s16  }
0x8e: {  	[smem:$0x3FB6] =	sst s2  }
0x8f: {  	_ = 	snop  }
0x90: {  	(tm) =	ssettm $0x1  }
0x91: {  	s17 =	sld [smem:$0x3FFB];
	_ =	sdelay $0x3  }
0x92: {  	_ =	strace s17  }
0x93: {  	s2 =	sld [smem:$0x3FFC];
	_ =	sdelay $0x3  }
0x94: {  	_ =	strace s2  }
0x95: {  	s2 =	sld [smem:$0x3FFD];
	_ =	sdelay $0x3  }
0x96: {  	_ =	strace s2  }
0x97: {  	_ =	strace $0x8FFFFFFF  }
0x98: {  	s18 =	sld [smem:$0x3FDB];
	_ =	sdelay $0x1  }
0x99: {  	s19 =	simm.s32 $_scs_section_size  }
0x9a: {  	s4 =	simm.s32 $_size__tile_overlayer_lowered;
	s5 =	simm.s32 $_tile_overlayer_lowered  }
0x9b: {  	s22 =	simm.s32 $0x1BFF;
	s21 =	sshll.u32 s5, $0x1;
	s2 =	sadd.s32 s19, s18  }
0x9c: {  	s6 =	simm.s32 $0x0;
	s20 =	sshll.u32 s4, $0x1;
	s4 =	sadd.s32 s21, s2  }
0x9d: {  	[timem:s6], [sflag:s22] =	dma.local [hbm:s4], s20  }
0x9e: {  	_ =	swait.ge [sflag:s22], s20  }
0x9f: {  	s3 =	ssub.s32 $0x0, s20;
	[sflag:s22] =	ssyncset.done $0x0  }
0xa0: {  	[sflag:s22] =	ssyncadd.s32 s3;
	_ =	sdelay $0x1  }
0xa1: {  	s23 =	simm.s32 $0x1B8B  }
0xa2: {  	_ =	swait.ge [sflag:s23], $0x1  }
0xa3: {  	[sflag:s23] =	ssyncset.done $0x0  }
0xa4: {  	s25 =	simm.s32 $0x1B8E;
	s24 =	sld [smem:$0x3FFE];
	[sflag:s23] =	ssyncadd.s32 $0xFFFFFFFF  }
0xa5: {  	s26 =	simm.s32 $execute0_lowered;
	[smem:$0x3FD2] =	sst s25  }
0xa6: {  	s4 =	sshll.u32 s26, $0x1;
	_ =	strace $0x80000049;
	[dreg:$0x1] =	wrdreg $0xFFFFFFFF  }
0xa7: {  	s28 =	simm.s32 $_size_execute0_lowered;
	s2 =	sadd.s32 s2, s4;
	[dreg:$0x0] =	wrdreg $0x0  }
0xa8: {  	s4 =	sshll.u32 s28, $0x1;
	[dreg:$0x2] =	wrdreg s2  }
0xa9: {  	[dreg:$0x3] =	wrdreg s4  }
0xaa: {  	[dreg:$0x4] =	wrdreg $0xC0  }
0xab: {  	_ =	task [dreg:s6], $0x5FFFF  }
0xac: {  	[dreg:$0x1] =	wrdreg $0xFFFFFFFF  }
0xad: {  	[dreg:$0x0] =	wrdreg $0x60  }
0xae: {  	[dreg:$0x2] =	wrdreg s24  }
0xaf: {  	[dreg:$0x3] =	wrdreg $0x6D000  }
0xb0: {  	[dreg:$0x4] =	wrdreg $0x9  }
0xb1: {  	_ =	task.clear_ibuf [dreg:s6], $0x5FFFF;
	_ =	strace $0x90000049  }
0xb2: {  	s29 =	simm.s32 $0x9;
	_ =	strace $0x8000004B  }
0xb3: {  	_ =	swait.ge [sflag:s29], $0x1  }
0xb4: {  	[sflag:s29] =	ssyncadd.s32 $0xFFFFFFFF  }
0xb5: {  	_ =	strace $0x9000004B  }
0xb6: {  	_ =	sfence  }
0xb7: {  	s30 =	sld [smem:$0x0];
	_ =	sdelay $0x2  }
0xb8: {  	s31 =	sshll.u32 s1, $0xD;
	s1 =	sshrl.u32 s1, $0x2  }
0xb9: {  	s3 =	sand.u32 $0x4000, s31;
	s1 =	sadd.s32 s1, s30  }
0xba: {  	s0 =	sor.u32 s3, s0;
	s1 =	sshll.u32 s1, $0x11  }
0xbb: {  	s0 =	sor.u32 s1, s0  }
0xbc: {  	s0 =	sadd.s32 $0x8F2B, s0  }
0xbd: {  	[sflag:s0] =	ssyncadd.remote.s32 $0x1  }
0xbe: {  	_ =	sfence.sel $0xFFFF  }
0xbf: {  	[dreg:$0x0] =	wrdreg $0xFFFFFFFF;
	(pc) =	sbr.abs _section_cstart, $3  }
0xc0: {  	[dreg:$0x1] =	wrdreg $0xFFFFFFFF  }
0xc1: {  	_ =	task.clear_ibuf [dreg:s6], $0x2FFFF;
	_ =	strace $0x9FFFFFFF  }
0xc2: {  	(tm) =	ssettm $0x7FFFFFFF  }
0xc3: {  	_ =	shalt  }
tec
execute0_lowered:
.L_overlay_start_1:
0x0: {  	(tag) =	ssettag $0x1  }
0x1: {  	s0 =	srdreg.scid  }
0x2: {  	s12 =	stileid.u32;
	s1 =	rddreg [dreg:$0x0]  }
0x3: {  	s3 =	rddreg [dreg:$0x1];
	s4 =	simm.s32 $0x0;
	s13 =	simm.s32 $0x480  }
0x4: {  	s15 =	simm.s32 $0x500;
	[smem:$0x7FF] =	sst s4;
	s7 =	sadd.s32 $0x3B000, s1  }
0x5: {  	s20 =	sadd.s32 $0x3B400, s1;
	_ =	strace $0x8000004A;
	[dreg:$0x9] =	wrdreg s7  }
0x6: {  	s17 =	simm.s32 $0x580;
	s10 =	sadd.s32 $0x4DB600, s1;
	[dreg:$0xb] =	wrdreg s20  }
0x7: {  	s28 =	simm.s32 $0x980;
	s29 =	simm.s32 $0xA00;
	[dreg:$0xc] =	wrdreg s10  }
0x8: {  	s0 =	sand.u32 $0x1, s0;
	s8 =	smul.u32 $0x19000, s12;
	[dreg:$0x5] =	wrdreg s13  }
0x9: {  	s5 =	sadd.s32 $0x1BB600, s1;
	s23 =	smul.u32 $0x64000, s12;
	[dreg:$0x6] =	wrdreg s15  }
0xa: {  	s6 =	ssub.s32 $0x2, s0;
	s9 =	smul.u32 $0xE10000, s0;
	[dreg:$0x7] =	wrdreg s17  }
0xb: {  	s2 =	smul.u32 $0xC800, s0;
	s19 =	sshrl.u32 s6, $0x1;
	[dreg:$0x8] =	wrdreg s8  }
0xc: {  	s11 =	sadd.s32 $0xC800, s8;
	s24 =	sadd.s32 s8, s3;
	[dreg:$0xa] =	wrdreg s9  }
0xd: {  	s2 =	sadd.s32 s2, s8;
	s21 =	ssub.s32 s6, s19;
	[dreg:$0xe] =	wrdreg s24  }
0xe: {  	s22 =	sadd.s32 $0xC80000, s9;
	s25 =	sadd.s32 s11, s3;
	[dreg:$0xd] =	wrdreg s11  }
0xf: {  	s6 =	sshrl.u32 s23, $0x2;
	[dreg:$0xf] =	wrdreg s25;
	s0 =	smax.u32 s21, $0x1  }
0x10: {  	s2 =	sshrl.u32 s2, $0x3;
	s6 =	sadd.s32 s6, s3;
	[dreg:$0x13] =	wrdreg s0  }
0x11: {  	s26 =	sadd.s32 s8, s22;
	s8 =	sadd.s32 $0x4B00, s6;
	[dreg:$0x11] =	wrdreg s6  }
0x12: {  	s2 =	sadd.s32 s2, s1;
	s12 =	sadd.s32 $0x7D00, s6;
	[dreg:$0x16] =	wrdreg s8  }
0x13: {  	s1 =	sadd.s32 s11, s22;
	s11 =	simm.s32 $0x400;
	[dreg:$0x18] =	wrdreg s12  }
0x14: {  	s30 =	simm.s32 $0xA80;
	s14 =	sadd.s32 $0x9600, s6;
	[dreg:$0x4] =	wrdreg s11  }
0x15: {  	s31 =	simm.s32 $0xB00;
	s16 =	sadd.s32 $0xAF00, s6;
	[dreg:$0x19] =	wrdreg s14  }
0x16: {  	s13 =	simm.s32 $0x2;
	s18 =	sadd.s32 $0xC800, s6;
	[dreg:$0x1a] =	wrdreg s16  }
0x17: {  	s15 =	simm.s32 $0x6500;
	s19 =	sadd.s32 $0xE100, s6;
	[dreg:$0x1b] =	wrdreg s18  }
0x18: {  	s17 =	simm.s32 $0x2C00;
	s20 =	sadd.s32 $0xFA00, s6;
	[dreg:$0x1c] =	wrdreg s19  }
0x19: {  	s7 =	sshrl.u32 s26, $0x3;
	s21 =	sadd.s32 $0x11300, s6;
	[dreg:$0x1d] =	wrdreg s20  }
0x1a: {  	s22 =	sadd.s32 $0x12C00, s6;
	s23 =	sadd.s32 $0x14500, s6;
	[dreg:$0x1e] =	wrdreg s21  }
0x1b: {  	s24 =	sadd.s32 $0x15E00, s6;
	s26 =	sadd.s32 $0x17700, s6;
	[dreg:$0x1f] =	wrdreg s22  }
0x1c: {  	s0 =	simm.s32 $0x80;
	s7 =	sadd.s32 s10, s7;
	[smem:$0x7FB] =	sst s23  }
0x1d: {  	s1 =	sshrl.u32 s1, $0x3;
	s9 =	sadd.s32 $0x2C00, s2;
	[smem:$0x7FC] =	sst s24  }
0x1e: {  	s25 =	sadd.s32 $0x189600, s2;
	[smem:$0x7FD] =	sst s26;
	s16 =	simm.s32 $0x800  }
0x1f: {  	s2 =	simm.s32 $0xC00;
	s11 =	simm.s32 $0x2400;
	s18 =	simm.s32 $0x680  }
0x20: {  	s19 =	simm.s32 $0x3400;
	s20 =	simm.s32 $0x700;
	s21 =	simm.s32 $0x3C00  }
0x21: {  	s22 =	simm.s32 $0x4400;
	s23 =	simm.s32 $0x1;
	[dreg:$0x10] =	wrdreg s7  }
0x22: {  	s24 =	simm.s32 $0x880;
	s1 =	sadd.s32 s10, s1;
	[dreg:$0x3] =	wrdreg s9  }
0x23: {  	s26 =	simm.s32 $0x900;
	s7 =	sadd.s32 $0x3200, s6;
	[dreg:$0x12] =	wrdreg s1  }
0x24: {  	s8 =	simm.s32 $0x0;
	s10 =	sadd.s32 $0x6400, s6;
	[dreg:$0x15] =	wrdreg s7  }
0x25: {  	s1 =	sadd.s32 $0x1900, s6;
	[dreg:$0x17] =	wrdreg s10;
	s7 =	simm.s32 $0x1400  }
0x26: {  	s10 =	simm.s32 $0x1C00;
	[dreg:$0x14] =	wrdreg s1;
	s1 =	simm.s32 $0xB80  }
.LBB2_1:
0x27: {  	[smem:$0x7FA] =	sst s8  }
0x28: {  	s6 =	rddreg [dreg:$0x9];
	s12 =	simm.s32 $0x4C00  }
0x29: {  	[tilespmem:s12], [sflag:$0x2] =	stream.linear.gather [hbm4b:s6+s4], $0x1900, $0x38;
	[tilespmem:$0x1FD00] =	vst v63  }
0x2a: {  	_ =	swait.ge [sflag:s13], $0x1900  }
0x2b: {  	[sflag:s13] =	ssyncset.done $0x0  }
0x2c: {  	s14 =	rddreg [dreg:$0xb];
	[sflag:s13] =	ssyncadd.s32 $0xFFFFE700  }
0x2d: {  	[tilespmem:s15], [sflag:$0x2] =	stream.linear.gather [hbm4b:s14+s4], $0x800, $0x38;
	[tilespmem:$0x1FD00] =	vst v63  }
0x2e: {  	_ =	swait.ge [sflag:s13], $0x800  }
0x2f: {  	[sflag:s13] =	ssyncset.done $0x0  }
0x30: {  	s9 =	simm.s32 $0x0;
	[sflag:s13] =	ssyncadd.s32 $0xFFFFF800  }
.LBB2_2:
0x31: {  	s6 =	rddreg [dreg:$0x11];
	s8 =	simm.s32 $0x4C00  }
0x32: {  	[spmem:s6] =	stream.linear.scatter [tilespmem:s8], [sflag:$0x2], $0x1900, $0x38;
	[tilespmem:$0x1FD00] =	vst v63  }
0x33: {  	_ =	swait.ge [sflag:s13], $0x1900  }
0x34: {  	[sflag:s13] =	ssyncset.done $0x0  }
0x35: {  	s14 =	rddreg [dreg:$0x14];
	[sflag:s13] =	ssyncadd.s32 $0xFFFFE700  }
0x36: {  	[spmem:s14] =	stream.linear.scatter [tilespmem:s8], [sflag:$0x2], $0x1900, $0x38;
	[tilespmem:$0x1FD00] =	vst v63  }
0x37: {  	_ =	swait.ge [sflag:s13], $0x1900  }
0x38: {  	[sflag:s13] =	ssyncset.done $0x0  }
0x39: {  	s12 =	rddreg [dreg:$0x15];
	[sflag:s13] =	ssyncadd.s32 $0xFFFFE700  }
0x3a: {  	[spmem:s12] =	stream.linear.scatter [tilespmem:s8], [sflag:$0x2], $0x1900, $0x38;
	[tilespmem:$0x1FD00] =	vst v63  }
0x3b: {  	_ =	swait.ge [sflag:s13], $0x1900  }
0x3c: {  	[sflag:s13] =	ssyncset.done $0x0  }
0x3d: {  	s14 =	rddreg [dreg:$0x16];
	[sflag:s13] =	ssyncadd.s32 $0xFFFFE700  }
0x3e: {  	[spmem:s14] =	stream.linear.scatter [tilespmem:s8], [sflag:$0x2], $0x1900, $0x38;
	[tilespmem:$0x1FD00] =	vst v63  }
0x3f: {  	_ =	swait.ge [sflag:s13], $0x1900  }
0x40: {  	[sflag:s13] =	ssyncset.done $0x0  }
0x41: {  	s12 =	rddreg [dreg:$0x17];
	[sflag:s13] =	ssyncadd.s32 $0xFFFFE700  }
0x42: {  	[spmem:s12] =	stream.linear.scatter [tilespmem:s8], [sflag:$0x2], $0x1900, $0x38;
	[tilespmem:$0x1FD00] =	vst v63  }
0x43: {  	_ =	swait.ge [sflag:s13], $0x1900  }
0x44: {  	[sflag:s13] =	ssyncset.done $0x0  }
0x45: {  	s14 =	rddreg [dreg:$0x18];
	[sflag:s13] =	ssyncadd.s32 $0xFFFFE700  }
0x46: {  	[spmem:s14] =	stream.linear.scatter [tilespmem:s8], [sflag:$0x2], $0x1900, $0x38;
	[tilespmem:$0x1FD00] =	vst v63  }
0x47: {  	_ =	swait.ge [sflag:s13], $0x1900  }
0x48: {  	[sflag:s13] =	ssyncset.done $0x0  }
0x49: {  	s12 =	rddreg [dreg:$0x19];
	[sflag:s13] =	ssyncadd.s32 $0xFFFFE700  }
0x4a: {  	[spmem:s12] =	stream.linear.scatter [tilespmem:s8], [sflag:$0x2], $0x1900, $0x38;
	[tilespmem:$0x1FD00] =	vst v63  }
0x4b: {  	_ =	swait.ge [sflag:s13], $0x1900  }
0x4c: {  	[sflag:s13] =	ssyncset.done $0x0  }
0x4d: {  	s14 =	rddreg [dreg:$0x1a];
	[sflag:s13] =	ssyncadd.s32 $0xFFFFE700  }
0x4e: {  	[spmem:s14] =	stream.linear.scatter [tilespmem:s8], [sflag:$0x2], $0x1900, $0x38;
	[tilespmem:$0x1FD00] =	vst v63  }
0x4f: {  	_ =	swait.ge [sflag:s13], $0x1900  }
0x50: {  	[sflag:s13] =	ssyncset.done $0x0  }
0x51: {  	s12 =	rddreg [dreg:$0x1b];
	[sflag:s13] =	ssyncadd.s32 $0xFFFFE700  }
0x52: {  	[spmem:s12] =	stream.linear.scatter [tilespmem:s8], [sflag:$0x2], $0x1900, $0x38;
	[tilespmem:$0x1FD00] =	vst v63  }
0x53: {  	_ =	swait.ge [sflag:s13], $0x1900  }
0x54: {  	[sflag:s13] =	ssyncset.done $0x0  }
0x55: {  	s14 =	rddreg [dreg:$0x1c];
	[sflag:s13] =	ssyncadd.s32 $0xFFFFE700  }
0x56: {  	[spmem:s14] =	stream.linear.scatter [tilespmem:s8], [sflag:$0x2], $0x1900, $0x38;
	[tilespmem:$0x1FD00] =	vst v63  }
0x57: {  	_ =	swait.ge [sflag:s13], $0x1900  }
0x58: {  	[sflag:s13] =	ssyncset.done $0x0  }
0x59: {  	s12 =	rddreg [dreg:$0x1d];
	[sflag:s13] =	ssyncadd.s32 $0xFFFFE700  }
0x5a: {  	[spmem:s12] =	stream.linear.scatter [tilespmem:s8], [sflag:$0x2], $0x1900, $0x38;
	[tilespmem:$0x1FD00] =	vst v63  }
0x5b: {  	_ =	swait.ge [sflag:s13], $0x1900  }
0x5c: {  	[sflag:s13] =	ssyncset.done $0x0  }
0x5d: {  	s14 =	rddreg [dreg:$0x1e];
	[sflag:s13] =	ssyncadd.s32 $0xFFFFE700  }
0x5e: {  	[spmem:s14] =	stream.linear.scatter [tilespmem:s8], [sflag:$0x2], $0x1900, $0x38;
	[tilespmem:$0x1FD00] =	vst v63  }
0x5f: {  	_ =	swait.ge [sflag:s13], $0x1900  }
0x60: {  	[sflag:s13] =	ssyncset.done $0x0  }
0x61: {  	s12 =	rddreg [dreg:$0x1f];
	[sflag:s13] =	ssyncadd.s32 $0xFFFFE700  }
0x62: {  	[spmem:s12] =	stream.linear.scatter [tilespmem:s8], [sflag:$0x2], $0x1900, $0x38;
	[tilespmem:$0x1FD00] =	vst v63  }
0x63: {  	_ =	swait.ge [sflag:s13], $0x1900  }
0x64: {  	s14 =	sld [smem:$0x7FB]  }
0x65: {  	[sflag:s13] =	ssyncset.done $0x0  }
0x66: {  	[sflag:s13] =	ssyncadd.s32 $0xFFFFE700  }
0x67: {  	[spmem:s14] =	stream.linear.scatter [tilespmem:s8], [sflag:$0x2], $0x1900, $0x38;
	[tilespmem:$0x1FD00] =	vst v63  }
0x68: {  	_ =	swait.ge [sflag:s13], $0x1900  }
0x69: {  	s12 =	sld [smem:$0x7FC]  }
0x6a: {  	[sflag:s13] =	ssyncset.done $0x0  }
0x6b: {  	[sflag:s13] =	ssyncadd.s32 $0xFFFFE700  }
0x6c: {  	[spmem:s12] =	stream.linear.scatter [tilespmem:s8], [sflag:$0x2], $0x1900, $0x38;
	[tilespmem:$0x1FD00] =	vst v63  }
0x6d: {  	_ =	swait.ge [sflag:s13], $0x1900  }
0x6e: {  	s14 =	sld [smem:$0x7FD]  }
0x6f: {  	[sflag:s13] =	ssyncset.done $0x0  }
0x70: {  	[sflag:s13] =	ssyncadd.s32 $0xFFFFE700  }
0x71: {  	[spmem:s14] =	stream.linear.scatter [tilespmem:s8], [sflag:$0x2], $0x1900, $0x38;
	[tilespmem:$0x1FD00] =	vst v63  }
0x72: {  	_ =	swait.ge [sflag:s13], $0x1900  }
0x73: {  	[sflag:s13] =	ssyncset.done $0x0  }
0x74: {  	[sflag:s13] =	ssyncadd.s32 $0xFFFFE700  }
0x75: {  	s12 =	simm.s32 $0x600;
	[bflag:$0x0] =	sbarrier.arrive $0xFFFF  }
0x76: {  	v0 =	vmov s9;
	s14 =	simm.s32 $0x780;
	[smem:$0x7F9] =	sst s9;
	s9 =	simm.s32 $0x0  }
.LBB2_3:
0x77: {  	s8 =	rddreg [dreg:$0x3]  }
0x78: {  	s8 =	sadd.s32 s9, s8  }
0x79: {  	[tilespmem:s4], [sflag:$0x2] =	stream.linear.gather [hbm4b:s8+s4], $0x400, $0x38;
	[tilespmem:$0x1FD00] =	vst v63  }
0x7a: {  	_ =	swait.ge [sflag:s13], $0x400  }
0x7b: {  	[sflag:s13] =	ssyncset.done $0x0  }
0x7c: {  	s6 =	sadd.s32 s9, s25;
	[sflag:s13] =	ssyncadd.s32 $0xFFFFFC00  }
0x7d: {  	[tilespmem:s16], [sflag:$0x2] =	stream.linear.gather [hbm4b:s6+s4], $0x400, $0x38;
	[tilespmem:$0x1FD00] =	vst v63  }
0x7e: {  	_ =	swait.ge [sflag:s13], $0x400  }
0x7f: {  	[sflag:s13] =	ssyncset.done $0x0  }
0x80: {  	[sflag:s13] =	ssyncadd.s32 $0xFFFFFC00  }
0x81: {  	v1 =	vld [tilespmem:$0x0]  }
0x82: {  	v2 =	vld [tilespmem:$0x10]  }
0x83: {  	v3 =	vld [tilespmem:$0x20]  }
0x84: {  	v4 =	vld [tilespmem:$0x30]  }
0x85: {  	v5 =	vld [tilespmem:$0x40]  }
0x86: {  	v6 =	vld [tilespmem:$0x50];
	v1 =	vshll.u32 v1, $0x3  }
0x87: {  	v7 =	vld [tilespmem:$0x60];
	v2 =	vshll.u32 v2, $0x3;
	v1 =	vadd.s32 v0, v1  }
0x88: {  	[tilespmem:$0x400] =	vst v1;
	v1 =	vadd.s32 v0, v2;
	v2 =	vshll.u32 v3, $0x3;
	v3 =	vld [tilespmem:$0x70]  }
0x89: {  	v19 =	vld [tilespmem:$0x80];
	[tilespmem:$0x410] =	vst v1;
	v1 =	vadd.s32 v0, v2;
	v2 =	vshll.u32 v4, $0x3  }
0x8a: {  	v20 =	vld [tilespmem:$0x90];
	[tilespmem:$0x420] =	vst v1;
	v1 =	vadd.s32 v0, v2;
	v2 =	vshll.u32 v5, $0x3  }
0x8b: {  	v21 =	vld [tilespmem:$0xA0];
	[tilespmem:$0x430] =	vst v1;
	v1 =	vadd.s32 v0, v2;
	v2 =	vshll.u32 v6, $0x3  }
0x8c: {  	v22 =	vld [tilespmem:$0xB0];
	[tilespmem:$0x440] =	vst v1;
	v1 =	vadd.s32 v0, v2;
	v2 =	vshll.u32 v7, $0x3  }
0x8d: {  	[tilespmem:$0x450] =	vst v1;
	v1 =	vadd.s32 v0, v2;
	v2 =	vshll.u32 v3, $0x3;
	v3 =	vld [tilespmem:$0xC0]  }
0x8e: {  	v23 =	vld [tilespmem:$0xD0];
	[tilespmem:$0x460] =	vst v1;
	v1 =	vadd.s32 v0, v2;
	v2 =	vshll.u32 v19, $0x3  }
0x8f: {  	v24 =	vld [tilespmem:$0xE0];
	[tilespmem:$0x470] =	vst v1;
	v1 =	vadd.s32 v0, v2;
	v2 =	vshll.u32 v20, $0x3  }
0x90: {  	v25 =	vld [tilespmem:$0xF0];
	[tilespmem:$0x480] =	vst v1;
	v1 =	vadd.s32 v0, v2;
	v2 =	vshll.u32 v21, $0x3  }
0x91: {  	v26 =	vld [tilespmem:$0x100];
	[tilespmem:$0x490] =	vst v1;
	v1 =	vadd.s32 v0, v2;
	v2 =	vshll.u32 v22, $0x3  }
0x92: {  	[tilespmem:$0x4A0] =	vst v1;
	v1 =	vadd.s32 v0, v2;
	v2 =	vshll.u32 v3, $0x3;
	v3 =	vld [tilespmem:$0x110]  }
0x93: {  	v27 =	vld [tilespmem:$0x120];
	[tilespmem:$0x4B0] =	vst v1;
	v1 =	vadd.s32 v0, v2;
	v2 =	vshll.u32 v23, $0x3  }
0x94: {  	v28 =	vld [tilespmem:$0x130];
	[tilespmem:$0x4C0] =	vst v1;
	v1 =	vadd.s32 v0, v2;
	v2 =	vshll.u32 v24, $0x3  }
0x95: {  	v29 =	vld [tilespmem:$0x140];
	[tilespmem:$0x4D0] =	vst v1;
	v1 =	vadd.s32 v0, v2;
	v2 =	vshll.u32 v25, $0x3  }
0x96: {  	v30 =	vld [tilespmem:$0x150];
	[tilespmem:$0x4E0] =	vst v1;
	v1 =	vadd.s32 v0, v2;
	v2 =	vshll.u32 v26, $0x3  }
0x97: {  	[tilespmem:$0x4F0] =	vst v1;
	v1 =	vadd.s32 v0, v2;
	v2 =	vshll.u32 v3, $0x3;
	v3 =	vld [tilespmem:$0x160]  }
0x98: {  	v31 =	vld [tilespmem:$0x170];
	[tilespmem:$0x500] =	vst v1;
	v1 =	vadd.s32 v0, v2;
	v2 =	vshll.u32 v27, $0x3  }
0x99: {  	v32 =	vld [tilespmem:$0x180];
	[tilespmem:$0x510] =	vst v1;
	v1 =	vadd.s32 v0, v2;
	v2 =	vshll.u32 v28, $0x3  }
0x9a: {  	v33 =	vld [tilespmem:$0x190];
	[tilespmem:$0x520] =	vst v1;
	v1 =	vadd.s32 v0, v2;
	v2 =	vshll.u32 v29, $0x3  }
0x9b: {  	v34 =	vld [tilespmem:$0x1A0];
	[tilespmem:$0x530] =	vst v1;
	v1 =	vadd.s32 v0, v2;
	v2 =	vshll.u32 v30, $0x3  }
0x9c: {  	[tilespmem:$0x540] =	vst v1;
	v1 =	vadd.s32 v0, v2;
	v2 =	vshll.u32 v3, $0x3;
	v3 =	vld [tilespmem:$0x1B0]  }
0x9d: {  	v35 =	vld [tilespmem:$0x1C0];
	[tilespmem:$0x550] =	vst v1;
	v1 =	vadd.s32 v0, v2;
	v2 =	vshll.u32 v31, $0x3  }
0x9e: {  	v36 =	vld [tilespmem:$0x1D0];
	[tilespmem:$0x560] =	vst v1;
	v1 =	vadd.s32 v0, v2;
	v2 =	vshll.u32 v32, $0x3  }
0x9f: {  	v37 =	vld [tilespmem:$0x1E0];
	[tilespmem:$0x570] =	vst v1;
	v1 =	vadd.s32 v0, v2;
	v2 =	vshll.u32 v33, $0x3  }
0xa0: {  	v38 =	vld [tilespmem:$0x1F0];
	[tilespmem:$0x580] =	vst v1;
	v1 =	vadd.s32 v0, v2;
	v2 =	vshll.u32 v34, $0x3  }
0xa1: {  	[tilespmem:$0x590] =	vst v1;
	v1 =	vadd.s32 v0, v2;
	v2 =	vshll.u32 v3, $0x3;
	v3 =	vld [tilespmem:$0x200]  }
0xa2: {  	v39 =	vld [tilespmem:$0x210];
	[tilespmem:$0x5A0] =	vst v1;
	v1 =	vadd.s32 v0, v2;
	v2 =	vshll.u32 v35, $0x3  }
0xa3: {  	v40 =	vld [tilespmem:$0x220];
	[tilespmem:$0x5B0] =	vst v1;
	v1 =	vadd.s32 v0, v2;
	v2 =	vshll.u32 v36, $0x3  }
0xa4: {  	v41 =	vld [tilespmem:$0x230];
	[tilespmem:$0x5C0] =	vst v1;
	v1 =	vadd.s32 v0, v2;
	v2 =	vshll.u32 v37, $0x3  }
0xa5: {  	v42 =	vld [tilespmem:$0x240];
	[tilespmem:$0x5D0] =	vst v1;
	v1 =	vadd.s32 v0, v2;
	v2 =	vshll.u32 v38, $0x3  }
0xa6: {  	[tilespmem:$0x5E0] =	vst v1;
	v1 =	vadd.s32 v0, v2;
	v2 =	vshll.u32 v3, $0x3;
	v3 =	vld [tilespmem:$0x250]  }
0xa7: {  	v43 =	vld [tilespmem:$0x260];
	[tilespmem:$0x5F0] =	vst v1;
	v1 =	vadd.s32 v0, v2;
	v2 =	vshll.u32 v39, $0x3  }
0xa8: {  	v44 =	vld [tilespmem:$0x270];
	[tilespmem:$0x600] =	vst v1;
	v1 =	vadd.s32 v0, v2;
	v2 =	vshll.u32 v40, $0x3  }
0xa9: {  	v45 =	vld [tilespmem:$0x280];
	[tilespmem:$0x610] =	vst v1;
	v1 =	vadd.s32 v0, v2;
	v2 =	vshll.u32 v41, $0x3  }
0xaa: {  	v46 =	vld [tilespmem:$0x290];
	[tilespmem:$0x620] =	vst v1;
	v1 =	vadd.s32 v0, v2;
	v2 =	vshll.u32 v42, $0x3  }
0xab: {  	[tilespmem:$0x630] =	vst v1;
	v1 =	vadd.s32 v0, v2;
	v2 =	vshll.u32 v3, $0x3;
	v3 =	vld [tilespmem:$0x2A0]  }
0xac: {  	v47 =	vld [tilespmem:$0x2B0];
	[tilespmem:$0x640] =	vst v1;
	v1 =	vadd.s32 v0, v2;
	v2 =	vshll.u32 v43, $0x3  }
0xad: {  	v48 =	vld [tilespmem:$0x2C0];
	[tilespmem:$0x650] =	vst v1;
	v1 =	vadd.s32 v0, v2;
	v2 =	vshll.u32 v44, $0x3  }
0xae: {  	v49 =	vld [tilespmem:$0x2D0];
	[tilespmem:$0x660] =	vst v1;
	v1 =	vadd.s32 v0, v2;
	v2 =	vshll.u32 v45, $0x3  }
0xaf: {  	v50 =	vld [tilespmem:$0x2E0];
	[tilespmem:$0x670] =	vst v1;
	v1 =	vadd.s32 v0, v2;
	v2 =	vshll.u32 v46, $0x3  }
0xb0: {  	[tilespmem:$0x680] =	vst v1;
	v1 =	vadd.s32 v0, v2;
	v2 =	vshll.u32 v3, $0x3;
	v3 =	vld [tilespmem:$0x2F0]  }
0xb1: {  	v51 =	vld [tilespmem:$0x300];
	[tilespmem:$0x690] =	vst v1;
	v1 =	vadd.s32 v0, v2;
	v2 =	vshll.u32 v47, $0x3  }
0xb2: {  	v52 =	vld [tilespmem:$0x310];
	[tilespmem:$0x6A0] =	vst v1;
	v1 =	vadd.s32 v0, v2;
	v2 =	vshll.u32 v48, $0x3  }
0xb3: {  	v53 =	vld [tilespmem:$0x320];
	[tilespmem:$0x6B0] =	vst v1;
	v1 =	vadd.s32 v0, v2;
	v2 =	vshll.u32 v49, $0x3  }
0xb4: {  	v54 =	vld [tilespmem:$0x330];
	[tilespmem:$0x6C0] =	vst v1;
	v1 =	vadd.s32 v0, v2;
	v2 =	vshll.u32 v50, $0x3  }
0xb5: {  	[tilespmem:$0x6D0] =	vst v1;
	v1 =	vadd.s32 v0, v2;
	v2 =	vshll.u32 v3, $0x3;
	v3 =	vld [tilespmem:$0x340]  }
0xb6: {  	v55 =	vld [tilespmem:$0x350];
	[tilespmem:$0x6E0] =	vst v1;
	v1 =	vadd.s32 v0, v2;
	v2 =	vshll.u32 v51, $0x3  }
0xb7: {  	v56 =	vld [tilespmem:$0x360];
	[tilespmem:$0x6F0] =	vst v1;
	v1 =	vadd.s32 v0, v2;
	v2 =	vshll.u32 v52, $0x3  }
0xb8: {  	v57 =	vld [tilespmem:$0x370];
	[tilespmem:$0x700] =	vst v1;
	v1 =	vadd.s32 v0, v2;
	v2 =	vshll.u32 v53, $0x3  }
0xb9: {  	v58 =	vld [tilespmem:$0x380];
	[tilespmem:$0x710] =	vst v1;
	v1 =	vadd.s32 v0, v2;
	v2 =	vshll.u32 v54, $0x3  }
0xba: {  	[tilespmem:$0x720] =	vst v1;
	v1 =	vadd.s32 v0, v2;
	v2 =	vshll.u32 v3, $0x3;
	v3 =	vld [tilespmem:$0x390]  }
0xbb: {  	v59 =	vld [tilespmem:$0x3A0];
	[tilespmem:$0x730] =	vst v1;
	v1 =	vadd.s32 v0, v2;
	v2 =	vshll.u32 v55, $0x3  }
0xbc: {  	v60 =	vld [tilespmem:$0x3B0];
	[tilespmem:$0x740] =	vst v1;
	v1 =	vadd.s32 v0, v2;
	v2 =	vshll.u32 v56, $0x3  }
0xbd: {  	v61 =	vld [tilespmem:$0x3C0];
	[tilespmem:$0x750] =	vst v1;
	v1 =	vadd.s32 v0, v2;
	v2 =	vshll.u32 v57, $0x3  }
0xbe: {  	v62 =	vld [tilespmem:$0x3D0];
	[tilespmem:$0x760] =	vst v1;
	v1 =	vadd.s32 v0, v2;
	v2 =	vshll.u32 v58, $0x3  }
0xbf: {  	[tilespmem:$0x770] =	vst v1;
	v1 =	vadd.s32 v0, v2;
	v2 =	vshll.u32 v3, $0x3;
	v3 =	vld [tilespmem:$0x3E0]  }
0xc0: {  	v63 =	vld [tilespmem:$0x3F0];
	[tilespmem:$0x780] =	vst v1;
	v1 =	vadd.s32 v0, v2;
	v2 =	vshll.u32 v59, $0x3  }
0xc1: {  	[tilespmem:$0x790] =	vst v1;
	v1 =	vadd.s32 v0, v2;
	v2 =	vshll.u32 v60, $0x3  }
0xc2: {  	[tilespmem:$0x7A0] =	vst v1;
	v1 =	vadd.s32 v0, v2;
	v2 =	vshll.u32 v61, $0x3  }
0xc3: {  	[tilespmem:$0x7B0] =	vst v1;
	v1 =	vadd.s32 v0, v2;
	v2 =	vshll.u32 v62, $0x3  }
0xc4: {  	[tilespmem:$0x7C0] =	vst v1;
	v1 =	vadd.s32 v0, v2;
	v2 =	vshll.u32 v3, $0x3  }
0xc5: {  	[tilespmem:$0x7D0] =	vst v1;
	v1 =	vadd.s32 v0, v2;
	v2 =	vshll.u32 v63, $0x3  }
0xc6: {  	[tilespmem:$0x7E0] =	vst v1;
	v1 =	vadd.s32 v0, v2  }
0xc7: {  	s8 =	rddreg [dreg:$0x4];
	[tilespmem:$0x7F0] =	vst v1  }
0xc8: {  	[tilespmem:s2], [sflag:$0x1] =	stream.indirect.gather [hbm4b:s5+s0], $0x10, s8, s0, $0xb8;
	[tilespmem:$0x1FD00] =	vst v63  }
0xc9: {  	s6 =	rddreg [dreg:$0x5]  }
0xca: {  	[tilespmem:s7], [sflag:$0x1] =	stream.indirect.gather [hbm4b:s5+s0], $0x10, s6, s0, $0xb8;
	[tilespmem:$0x1FD00] =	vst v63  }
0xcb: {  	s8 =	rddreg [dreg:$0x6]  }
0xcc: {  	[tilespmem:s10], [sflag:$0x1] =	stream.indirect.gather [hbm4b:s5+s0], $0x10, s8, s0, $0xb8;
	[tilespmem:$0x1FD00] =	vst v63  }
0xcd: {  	s6 =	rddreg [dreg:$0x7]  }
0xce: {  	[tilespmem:s11], [sflag:$0x1] =	stream.indirect.gather [hbm4b:s5+s0], $0x10, s6, s0, $0xb8;
	[tilespmem:$0x1FD00] =	vst v63  }
0xcf: {  	_ = 	snop  }
0xd0: {  	[tilespmem:s17], [sflag:$0x1] =	stream.indirect.gather [hbm4b:s5+s0], $0x10, s12, s0, $0xb8;
	[tilespmem:$0x1FD00] =	vst v63  }
0xd1: {  	_ = 	snop  }
0xd2: {  	[tilespmem:s19], [sflag:$0x1] =	stream.indirect.gather [hbm4b:s5+s0], $0x10, s18, s0, $0xb8;
	[tilespmem:$0x1FD00] =	vst v63  }
0xd3: {  	_ = 	snop  }
0xd4: {  	[tilespmem:s21], [sflag:$0x1] =	stream.indirect.gather [hbm4b:s5+s0], $0x10, s20, s0, $0xb8;
	[tilespmem:$0x1FD00] =	vst v63  }
0xd5: {  	_ = 	snop  }
0xd6: {  	[tilespmem:s22], [sflag:$0x1] =	stream.indirect.gather [hbm4b:s5+s0], $0x10, s14, s0, $0xb8;
	[tilespmem:$0x1FD00] =	vst v63  }
0xd7: {  	_ =	swait.ge [sflag:s23], $0x800  }
0xd8: {  	[sflag:s23] =	ssyncset.done $0x0  }
0xd9: {  	[sflag:s23] =	ssyncadd.s32 $0xFFFFF800  }
0xda: {  	_ =	swait.ge [sflag:s23], $0x800  }
0xdb: {  	[sflag:s23] =	ssyncset.done $0x0  }
0xdc: {  	[sflag:s23] =	ssyncadd.s32 $0xFFFFF800  }
0xdd: {  	_ =	swait.ge [sflag:s23], $0x800  }
0xde: {  	[sflag:s23] =	ssyncset.done $0x0  }
0xdf: {  	[sflag:s23] =	ssyncadd.s32 $0xFFFFF800  }
0xe0: {  	_ =	swait.ge [sflag:s23], $0x800  }
0xe1: {  	[sflag:s23] =	ssyncset.done $0x0  }
0xe2: {  	[sflag:s23] =	ssyncadd.s32 $0xFFFFF800  }
0xe3: {  	_ =	swait.ge [sflag:s23], $0x800  }
0xe4: {  	[sflag:s23] =	ssyncset.done $0x0  }
0xe5: {  	[sflag:s23] =	ssyncadd.s32 $0xFFFFF800  }
0xe6: {  	_ =	swait.ge [sflag:s23], $0x800  }
0xe7: {  	[sflag:s23] =	ssyncset.done $0x0  }
0xe8: {  	[sflag:s23] =	ssyncadd.s32 $0xFFFFF800  }
0xe9: {  	_ =	swait.ge [sflag:s23], $0x800  }
0xea: {  	[sflag:s23] =	ssyncset.done $0x0  }
0xeb: {  	[sflag:s23] =	ssyncadd.s32 $0xFFFFF800  }
0xec: {  	_ =	swait.ge [sflag:s23], $0x800  }
0xed: {  	[sflag:s23] =	ssyncset.done $0x0  }
0xee: {  	[sflag:s23] =	ssyncadd.s32 $0xFFFFF800  }
0xef: {  	[spmem:s3] =	stream.indirect.scatter.add.f32 [tilespmem:s2], [sflag:$0x2], $0x10, s16, s0, $0xb8;
	[tilespmem:$0x1FD00] =	vst v63  }
0xf0: {  	_ =	swait.ge [sflag:s13], $0x800  }
0xf1: {  	[sflag:s13] =	ssyncset.done $0x0  }
0xf2: {  	[sflag:s13] =	ssyncadd.s32 $0xFFFFF800  }
0xf3: {  	[spmem:s3] =	stream.indirect.scatter.add.f32 [tilespmem:s7], [sflag:$0x2], $0x10, s24, s0, $0xb8;
	[tilespmem:$0x1FD00] =	vst v63  }
0xf4: {  	_ =	swait.ge [sflag:s13], $0x800  }
0xf5: {  	[sflag:s13] =	ssyncset.done $0x0  }
0xf6: {  	[sflag:s13] =	ssyncadd.s32 $0xFFFFF800  }
0xf7: {  	[spmem:s3] =	stream.indirect.scatter.add.f32 [tilespmem:s10], [sflag:$0x2], $0x10, s26, s0, $0xb8;
	[tilespmem:$0x1FD00] =	vst v63  }
0xf8: {  	_ =	swait.ge [sflag:s13], $0x800  }
0xf9: {  	[sflag:s13] =	ssyncset.done $0x0  }
0xfa: {  	[sflag:s13] =	ssyncadd.s32 $0xFFFFF800  }
0xfb: {  	[spmem:s3] =	stream.indirect.scatter.add.f32 [tilespmem:s11], [sflag:$0x2], $0x10, s28, s0, $0xb8;
	[tilespmem:$0x1FD00] =	vst v63  }
0xfc: {  	_ =	swait.ge [sflag:s13], $0x800  }
0xfd: {  	[sflag:s13] =	ssyncset.done $0x0  }
0xfe: {  	[sflag:s13] =	ssyncadd.s32 $0xFFFFF800  }
0xff: {  	[spmem:s3] =	stream.indirect.scatter.add.f32 [tilespmem:s17], [sflag:$0x2], $0x10, s29, s0, $0xb8;
	[tilespmem:$0x1FD00] =	vst v63  }
0x100: {  	_ =	swait.ge [sflag:s13], $0x800  }
0x101: {  	[sflag:s13] =	ssyncset.done $0x0  }
0x102: {  	[sflag:s13] =	ssyncadd.s32 $0xFFFFF800  }
0x103: {  	[spmem:s3] =	stream.indirect.scatter.add.f32 [tilespmem:s19], [sflag:$0x2], $0x10, s30, s0, $0xb8;
	[tilespmem:$0x1FD00] =	vst v63  }
0x104: {  	_ =	swait.ge [sflag:s13], $0x800  }
0x105: {  	[sflag:s13] =	ssyncset.done $0x0  }
0x106: {  	[sflag:s13] =	ssyncadd.s32 $0xFFFFF800  }
0x107: {  	[spmem:s3] =	stream.indirect.scatter.add.f32 [tilespmem:s21], [sflag:$0x2], $0x10, s31, s0, $0xb8;
	[tilespmem:$0x1FD00] =	vst v63  }
0x108: {  	_ =	swait.ge [sflag:s13], $0x800  }
0x109: {  	p0 =	sne.s32 s9, $0x1880;
	[sflag:s13] =	ssyncset.done $0x0  }
.Ltmp0:
0x10a: {  	[sflag:s13] =	ssyncadd.s32 $0xFFFFF800;
	(pc) =	sbr.rel @p0 .LBB2_3-.Ltmp0, $4  }
0x10b: {  	[spmem:s3] =	stream.indirect.scatter.add.f32 [tilespmem:s22], [sflag:$0x2], $0x10, s1, s0, $0xb8;
	[tilespmem:$0x1FD00] =	vst v63  }
0x10c: {  	_ =	swait.ge [sflag:s13], $0x800  }
0x10d: {  	[sflag:s13] =	ssyncset.done $0x0  }
0x10e: {  	s9 =	sadd.s32 $0x80, s9;
	[sflag:s13] =	ssyncadd.s32 $0xFFFFF800  }
0x10f: {  	s18 =	sld [smem:$0x7F9];
	_ =	sdelay $0x2  }
0x110: {  	s6 =	smul.u32 $0x190000, s18  }
0x111: {  	s8 =	rddreg [dreg:$0xa]  }
0x112: {  	s12 =	rddreg [dreg:$0x8];
	[bflag:$0x0] =	sbarrier.arrive $0xFFFF;
	s20 =	sadd.s32 s8, s6  }
0x113: {  	s9 =	stileid.u32;
	s14 =	rddreg [dreg:$0xe];
	s8 =	sadd.s32 s12, s20  }
0x114: {  	s9 =	sshll.u32 s9, $0x6;
	s12 =	rddreg [dreg:$0xc];
	s8 =	sshrl.u32 s8, $0x3  }
0x115: {  	s14 =	sshrl.u32 s14, $0x3;
	s6 =	sor.u32 $0x1C02, s9;
	s8 =	sadd.s32 s12, s8  }
0x116: {  	[hbm:s8], [sflag:s6] =	dma.local [spmem:s14], $0x1900  }
0x117: {  	_ =	swait.ge [sflag:s13], $0x1900  }
0x118: {  	s8 =	rddreg [dreg:$0xd]  }
0x119: {  	s9 =	smov.u32 s18;
	s8 =	sadd.s32 s8, s20  }
0x11a: {  	s9 =	sadd.s32 $0x1, s9;
	s8 =	sshrl.u32 s8, $0x3  }
0x11b: {  	[sflag:s13] =	ssyncset.done $0x0;
	s12 =	sadd.s32 s12, s8;
	s8 =	rddreg [dreg:$0xf]  }
0x11c: {  	p0 =	sne.s32 s9, $0x8;
	[sflag:s13] =	ssyncadd.s32 $0xFFFFE700;
	s8 =	sshrl.u32 s8, $0x3  }
0x11d: {  	[hbm:s12], [sflag:s6] =	dma.local [spmem:s8], $0x1900  }
.Ltmp1:
0x11e: {  	_ =	swait.ge [sflag:s13], $0x1900;
	(pc) =	sbr.rel @p0 .LBB2_2-.Ltmp1, $4  }
0x11f: {  	[sflag:s13] =	ssyncset.done $0x0  }
0x120: {  	[sflag:s13] =	ssyncadd.s32 $0xFFFFE700  }
0x121: {  	[bflag:$0x0] =	sbarrier.arrive $0xFFFF  }
0x122: {  	s18 =	simm.s32 $0x680;
	s20 =	simm.s32 $0x700  }
0x123: {  	[smem:$0x7F6] =	sst s8  }
0x124: {  	[smem:$0x7F7] =	sst s14  }
0x125: {  	[smem:$0x7F8] =	sst s6  }
0x126: {  	s12 =	rddreg [dreg:$0x11];
	s8 =	simm.s32 $0x4C00  }
0x127: {  	[spmem:s12] =	stream.linear.scatter [tilespmem:s8], [sflag:$0x2], $0x1900, $0x38;
	[tilespmem:$0x1FD00] =	vst v63  }
0x128: {  	_ =	swait.ge [sflag:s13], $0x1900  }
0x129: {  	[sflag:s13] =	ssyncset.done $0x0  }
0x12a: {  	s14 =	rddreg [dreg:$0x14];
	[sflag:s13] =	ssyncadd.s32 $0xFFFFE700  }
0x12b: {  	[spmem:s14] =	stream.linear.scatter [tilespmem:s8], [sflag:$0x2], $0x1900, $0x38;
	[tilespmem:$0x1FD00] =	vst v63  }
0x12c: {  	_ =	swait.ge [sflag:s13], $0x1900  }
0x12d: {  	[sflag:s13] =	ssyncset.done $0x0  }
0x12e: {  	s9 =	rddreg [dreg:$0x15];
	[sflag:s13] =	ssyncadd.s32 $0xFFFFE700  }
0x12f: {  	[spmem:s9] =	stream.linear.scatter [tilespmem:s8], [sflag:$0x2], $0x1900, $0x38;
	[tilespmem:$0x1FD00] =	vst v63  }
0x130: {  	_ =	swait.ge [sflag:s13], $0x1900  }
0x131: {  	[sflag:s13] =	ssyncset.done $0x0  }
0x132: {  	s12 =	rddreg [dreg:$0x16];
	[sflag:s13] =	ssyncadd.s32 $0xFFFFE700  }
0x133: {  	[spmem:s12] =	stream.linear.scatter [tilespmem:s8], [sflag:$0x2], $0x1900, $0x38;
	[tilespmem:$0x1FD00] =	vst v63  }
0x134: {  	_ =	swait.ge [sflag:s13], $0x1900  }
0x135: {  	[sflag:s13] =	ssyncset.done $0x0  }
0x136: {  	s14 =	rddreg [dreg:$0x17];
	[sflag:s13] =	ssyncadd.s32 $0xFFFFE700  }
0x137: {  	[spmem:s14] =	stream.linear.scatter [tilespmem:s8], [sflag:$0x2], $0x1900, $0x38;
	[tilespmem:$0x1FD00] =	vst v63  }
0x138: {  	_ =	swait.ge [sflag:s13], $0x1900  }
0x139: {  	[sflag:s13] =	ssyncset.done $0x0  }
0x13a: {  	s9 =	rddreg [dreg:$0x18];
	[sflag:s13] =	ssyncadd.s32 $0xFFFFE700  }
0x13b: {  	[spmem:s9] =	stream.linear.scatter [tilespmem:s8], [sflag:$0x2], $0x1900, $0x38;
	[tilespmem:$0x1FD00] =	vst v63  }
0x13c: {  	_ =	swait.ge [sflag:s13], $0x1900  }
0x13d: {  	[sflag:s13] =	ssyncset.done $0x0  }
0x13e: {  	s12 =	rddreg [dreg:$0x19];
	[sflag:s13] =	ssyncadd.s32 $0xFFFFE700  }
0x13f: {  	[spmem:s12] =	stream.linear.scatter [tilespmem:s8], [sflag:$0x2], $0x1900, $0x38;
	[tilespmem:$0x1FD00] =	vst v63  }
0x140: {  	_ =	swait.ge [sflag:s13], $0x1900  }
0x141: {  	[sflag:s13] =	ssyncset.done $0x0  }
0x142: {  	s14 =	rddreg [dreg:$0x1a];
	[sflag:s13] =	ssyncadd.s32 $0xFFFFE700  }
0x143: {  	[spmem:s14] =	stream.linear.scatter [tilespmem:s8], [sflag:$0x2], $0x1900, $0x38;
	[tilespmem:$0x1FD00] =	vst v63  }
0x144: {  	_ =	swait.ge [sflag:s13], $0x1900  }
0x145: {  	[sflag:s13] =	ssyncset.done $0x0  }
0x146: {  	s9 =	rddreg [dreg:$0x1b];
	[sflag:s13] =	ssyncadd.s32 $0xFFFFE700  }
0x147: {  	[spmem:s9] =	stream.linear.scatter [tilespmem:s8], [sflag:$0x2], $0x1900, $0x38;
	[tilespmem:$0x1FD00] =	vst v63  }
0x148: {  	_ =	swait.ge [sflag:s13], $0x1900  }
0x149: {  	[sflag:s13] =	ssyncset.done $0x0  }
0x14a: {  	s12 =	rddreg [dreg:$0x1c];
	[sflag:s13] =	ssyncadd.s32 $0xFFFFE700  }
0x14b: {  	[spmem:s12] =	stream.linear.scatter [tilespmem:s8], [sflag:$0x2], $0x1900, $0x38;
	[tilespmem:$0x1FD00] =	vst v63  }
0x14c: {  	_ =	swait.ge [sflag:s13], $0x1900  }
0x14d: {  	[sflag:s13] =	ssyncset.done $0x0  }
0x14e: {  	s14 =	rddreg [dreg:$0x1d];
	[sflag:s13] =	ssyncadd.s32 $0xFFFFE700  }
0x14f: {  	[spmem:s14] =	stream.linear.scatter [tilespmem:s8], [sflag:$0x2], $0x1900, $0x38;
	[tilespmem:$0x1FD00] =	vst v63  }
0x150: {  	_ =	swait.ge [sflag:s13], $0x1900  }
0x151: {  	[sflag:s13] =	ssyncset.done $0x0  }
0x152: {  	s9 =	rddreg [dreg:$0x1e];
	[sflag:s13] =	ssyncadd.s32 $0xFFFFE700  }
0x153: {  	[spmem:s9] =	stream.linear.scatter [tilespmem:s8], [sflag:$0x2], $0x1900, $0x38;
	[tilespmem:$0x1FD00] =	vst v63  }
0x154: {  	_ =	swait.ge [sflag:s13], $0x1900  }
0x155: {  	[sflag:s13] =	ssyncset.done $0x0  }
0x156: {  	s12 =	rddreg [dreg:$0x1f];
	[sflag:s13] =	ssyncadd.s32 $0xFFFFE700  }
0x157: {  	[spmem:s12] =	stream.linear.scatter [tilespmem:s8], [sflag:$0x2], $0x1900, $0x38;
	[tilespmem:$0x1FD00] =	vst v63  }
0x158: {  	_ =	swait.ge [sflag:s13], $0x1900  }
0x159: {  	s14 =	sld [smem:$0x7FB]  }
0x15a: {  	[sflag:s13] =	ssyncset.done $0x0  }
0x15b: {  	[sflag:s13] =	ssyncadd.s32 $0xFFFFE700  }
0x15c: {  	[spmem:s14] =	stream.linear.scatter [tilespmem:s8], [sflag:$0x2], $0x1900, $0x38;
	[tilespmem:$0x1FD00] =	vst v63  }
0x15d: {  	_ =	swait.ge [sflag:s13], $0x1900  }
0x15e: {  	s9 =	sld [smem:$0x7FC]  }
0x15f: {  	[sflag:s13] =	ssyncset.done $0x0  }
0x160: {  	[sflag:s13] =	ssyncadd.s32 $0xFFFFE700  }
0x161: {  	[spmem:s9] =	stream.linear.scatter [tilespmem:s8], [sflag:$0x2], $0x1900, $0x38;
	[tilespmem:$0x1FD00] =	vst v63  }
0x162: {  	_ =	swait.ge [sflag:s13], $0x1900  }
0x163: {  	s12 =	sld [smem:$0x7FD]  }
0x164: {  	[sflag:s13] =	ssyncset.done $0x0  }
0x165: {  	[sflag:s13] =	ssyncadd.s32 $0xFFFFE700  }
0x166: {  	[spmem:s12] =	stream.linear.scatter [tilespmem:s8], [sflag:$0x2], $0x1900, $0x38;
	[tilespmem:$0x1FD00] =	vst v63  }
0x167: {  	_ =	swait.ge [sflag:s13], $0x1900  }
0x168: {  	[sflag:s13] =	ssyncset.done $0x0  }
0x169: {  	[sflag:s13] =	ssyncadd.s32 $0xFFFFE700  }
0x16a: {  	s14 =	sadd.s32 $0x0, s25;
	[bflag:$0x0] =	sbarrier.arrive $0xFFFF  }
0x16b: {  	[tilespmem:s16], [sflag:$0x2] =	stream.linear.gather [hbm4b:s14+s4], $0x400, $0x38;
	[tilespmem:$0x1FD00] =	vst v63  }
0x16c: {  	_ =	swait.ge [sflag:s13], $0x400  }
0x16d: {  	[sflag:s13] =	ssyncset.done $0x0  }
0x16e: {  	[sflag:s13] =	ssyncadd.s32 $0xFFFFFC00  }
0x16f: {  	[spmem:s3] =	stream.indirect.scatter.add.f32 [tilespmem:s15], [sflag:$0x2], $0x10, s16, s0, $0xb8;
	[tilespmem:$0x1FD00] =	vst v63  }
0x170: {  	_ =	swait.ge [sflag:s13], $0x800  }
0x171: {  	[sflag:s13] =	ssyncset.done $0x0  }
0x172: {  	[sflag:s13] =	ssyncadd.s32 $0xFFFFF800  }
0x173: {  	[spmem:s3] =	stream.indirect.scatter.add.f32 [tilespmem:s15], [sflag:$0x2], $0x10, s24, s0, $0xb8;
	[tilespmem:$0x1FD00] =	vst v63  }
0x174: {  	_ =	swait.ge [sflag:s13], $0x800  }
0x175: {  	[sflag:s13] =	ssyncset.done $0x0  }
0x176: {  	[sflag:s13] =	ssyncadd.s32 $0xFFFFF800  }
0x177: {  	[spmem:s3] =	stream.indirect.scatter.add.f32 [tilespmem:s15], [sflag:$0x2], $0x10, s26, s0, $0xb8;
	[tilespmem:$0x1FD00] =	vst v63  }
0x178: {  	_ =	swait.ge [sflag:s13], $0x800  }
0x179: {  	[sflag:s13] =	ssyncset.done $0x0  }
0x17a: {  	[sflag:s13] =	ssyncadd.s32 $0xFFFFF800  }
0x17b: {  	[spmem:s3] =	stream.indirect.scatter.add.f32 [tilespmem:s15], [sflag:$0x2], $0x10, s28, s0, $0xb8;
	[tilespmem:$0x1FD00] =	vst v63  }
0x17c: {  	_ =	swait.ge [sflag:s13], $0x800  }
0x17d: {  	[sflag:s13] =	ssyncset.done $0x0  }
0x17e: {  	[sflag:s13] =	ssyncadd.s32 $0xFFFFF800  }
0x17f: {  	[spmem:s3] =	stream.indirect.scatter.add.f32 [tilespmem:s15], [sflag:$0x2], $0x10, s29, s0, $0xb8;
	[tilespmem:$0x1FD00] =	vst v63  }
0x180: {  	_ =	swait.ge [sflag:s13], $0x800  }
0x181: {  	[sflag:s13] =	ssyncset.done $0x0  }
0x182: {  	[sflag:s13] =	ssyncadd.s32 $0xFFFFF800  }
0x183: {  	[spmem:s3] =	stream.indirect.scatter.add.f32 [tilespmem:s15], [sflag:$0x2], $0x10, s30, s0, $0xb8;
	[tilespmem:$0x1FD00] =	vst v63  }
0x184: {  	_ =	swait.ge [sflag:s13], $0x800  }
0x185: {  	[sflag:s13] =	ssyncset.done $0x0  }
0x186: {  	[sflag:s13] =	ssyncadd.s32 $0xFFFFF800  }
0x187: {  	[spmem:s3] =	stream.indirect.scatter.add.f32 [tilespmem:s15], [sflag:$0x2], $0x10, s31, s0, $0xb8;
	[tilespmem:$0x1FD00] =	vst v63  }
0x188: {  	_ =	swait.ge [sflag:s13], $0x800  }
0x189: {  	[sflag:s13] =	ssyncset.done $0x0  }
0x18a: {  	[sflag:s13] =	ssyncadd.s32 $0xFFFFF800  }
0x18b: {  	[spmem:s3] =	stream.indirect.scatter.add.f32 [tilespmem:s15], [sflag:$0x2], $0x10, s1, s0, $0xb8;
	[tilespmem:$0x1FD00] =	vst v63  }
0x18c: {  	_ =	swait.ge [sflag:s13], $0x800  }
0x18d: {  	s6 =	simm.s32 $0x80;
	s8 =	simm.s32 $0x100;
	[sflag:s13] =	ssyncset.done $0x0  }
.LBB2_6:
0x18e: {  	s12 =	sadd.s32 s6, s25  }
0x18f: {  	[sflag:s13] =	ssyncadd.s32 $0xFFFFF800;
	s6 =	smov.u32 s8;
	s9 =	sadd.s32 $0x80, s8  }
0x190: {  	[tilespmem:s16], [sflag:$0x2] =	stream.linear.gather [hbm4b:s12+s4], $0x400, $0x38;
	[tilespmem:$0x1FD00] =	vst v63  }
0x191: {  	p0 =	sne.s32 s8, $0x1880;
	_ =	swait.ge [sflag:s13], $0x400  }
0x192: {  	[sflag:s13] =	ssyncset.done $0x0  }
0x193: {  	[sflag:s13] =	ssyncadd.s32 $0xFFFFFC00  }
0x194: {  	[spmem:s3] =	stream.indirect.scatter.add.f32 [tilespmem:s15], [sflag:$0x2], $0x10, s16, s0, $0xb8;
	[tilespmem:$0x1FD00] =	vst v63  }
0x195: {  	_ =	swait.ge [sflag:s13], $0x800  }
0x196: {  	[sflag:s13] =	ssyncset.done $0x0  }
0x197: {  	[sflag:s13] =	ssyncadd.s32 $0xFFFFF800  }
0x198: {  	[spmem:s3] =	stream.indirect.scatter.add.f32 [tilespmem:s15], [sflag:$0x2], $0x10, s24, s0, $0xb8;
	[tilespmem:$0x1FD00] =	vst v63  }
0x199: {  	_ =	swait.ge [sflag:s13], $0x800  }
0x19a: {  	[sflag:s13] =	ssyncset.done $0x0  }
0x19b: {  	[sflag:s13] =	ssyncadd.s32 $0xFFFFF800  }
0x19c: {  	[spmem:s3] =	stream.indirect.scatter.add.f32 [tilespmem:s15], [sflag:$0x2], $0x10, s26, s0, $0xb8;
	[tilespmem:$0x1FD00] =	vst v63  }
0x19d: {  	_ =	swait.ge [sflag:s13], $0x800  }
0x19e: {  	[sflag:s13] =	ssyncset.done $0x0  }
0x19f: {  	[sflag:s13] =	ssyncadd.s32 $0xFFFFF800  }
0x1a0: {  	[spmem:s3] =	stream.indirect.scatter.add.f32 [tilespmem:s15], [sflag:$0x2], $0x10, s28, s0, $0xb8;
	[tilespmem:$0x1FD00] =	vst v63  }
0x1a1: {  	_ =	swait.ge [sflag:s13], $0x800  }
0x1a2: {  	[sflag:s13] =	ssyncset.done $0x0  }
0x1a3: {  	[sflag:s13] =	ssyncadd.s32 $0xFFFFF800  }
0x1a4: {  	[spmem:s3] =	stream.indirect.scatter.add.f32 [tilespmem:s15], [sflag:$0x2], $0x10, s29, s0, $0xb8;
	[tilespmem:$0x1FD00] =	vst v63  }
0x1a5: {  	_ =	swait.ge [sflag:s13], $0x800  }
0x1a6: {  	[sflag:s13] =	ssyncset.done $0x0  }
0x1a7: {  	[sflag:s13] =	ssyncadd.s32 $0xFFFFF800  }
0x1a8: {  	[spmem:s3] =	stream.indirect.scatter.add.f32 [tilespmem:s15], [sflag:$0x2], $0x10, s30, s0, $0xb8;
	[tilespmem:$0x1FD00] =	vst v63  }
0x1a9: {  	_ =	swait.ge [sflag:s13], $0x800  }
0x1aa: {  	[sflag:s13] =	ssyncset.done $0x0  }
0x1ab: {  	[sflag:s13] =	ssyncadd.s32 $0xFFFFF800  }
0x1ac: {  	[spmem:s3] =	stream.indirect.scatter.add.f32 [tilespmem:s15], [sflag:$0x2], $0x10, s31, s0, $0xb8;
	[tilespmem:$0x1FD00] =	vst v63  }
0x1ad: {  	_ =	swait.ge [sflag:s13], $0x800  }
.Ltmp2:
0x1ae: {  	[sflag:s13] =	ssyncset.done $0x0;
	(pc) =	sbr.rel @p0 .LBB2_6-.Ltmp2, $4  }
0x1af: {  	[sflag:s13] =	ssyncadd.s32 $0xFFFFF800  }
0x1b0: {  	[spmem:s3] =	stream.indirect.scatter.add.f32 [tilespmem:s15], [sflag:$0x2], $0x10, s1, s0, $0xb8;
	[tilespmem:$0x1FD00] =	vst v63  }
0x1b1: {  	_ =	swait.ge [sflag:s13], $0x800  }
0x1b2: {  	s8 =	smov.u32 s9;
	[sflag:s13] =	ssyncset.done $0x0  }
0x1b3: {  	s6 =	sadd.s32 s6, s25;
	[sflag:s13] =	ssyncadd.s32 $0xFFFFF800  }
0x1b4: {  	[tilespmem:s16], [sflag:$0x2] =	stream.linear.gather [hbm4b:s6+s4], $0x400, $0x38;
	[tilespmem:$0x1FD00] =	vst v63  }
0x1b5: {  	_ =	swait.ge [sflag:s13], $0x400  }
0x1b6: {  	[sflag:s13] =	ssyncset.done $0x0  }
0x1b7: {  	[sflag:s13] =	ssyncadd.s32 $0xFFFFFC00  }
0x1b8: {  	[spmem:s3] =	stream.indirect.scatter.add.f32 [tilespmem:s15], [sflag:$0x2], $0x10, s16, s0, $0xb8;
	[tilespmem:$0x1FD00] =	vst v63  }
0x1b9: {  	_ =	swait.ge [sflag:s13], $0x800  }
0x1ba: {  	[sflag:s13] =	ssyncset.done $0x0  }
0x1bb: {  	[sflag:s13] =	ssyncadd.s32 $0xFFFFF800  }
0x1bc: {  	[spmem:s3] =	stream.indirect.scatter.add.f32 [tilespmem:s15], [sflag:$0x2], $0x10, s24, s0, $0xb8;
	[tilespmem:$0x1FD00] =	vst v63  }
0x1bd: {  	_ =	swait.ge [sflag:s13], $0x800  }
0x1be: {  	[sflag:s13] =	ssyncset.done $0x0  }
0x1bf: {  	[sflag:s13] =	ssyncadd.s32 $0xFFFFF800  }
0x1c0: {  	[spmem:s3] =	stream.indirect.scatter.add.f32 [tilespmem:s15], [sflag:$0x2], $0x10, s26, s0, $0xb8;
	[tilespmem:$0x1FD00] =	vst v63  }
0x1c1: {  	_ =	swait.ge [sflag:s13], $0x800  }
0x1c2: {  	[sflag:s13] =	ssyncset.done $0x0  }
0x1c3: {  	[sflag:s13] =	ssyncadd.s32 $0xFFFFF800  }
0x1c4: {  	[spmem:s3] =	stream.indirect.scatter.add.f32 [tilespmem:s15], [sflag:$0x2], $0x10, s28, s0, $0xb8;
	[tilespmem:$0x1FD00] =	vst v63  }
0x1c5: {  	_ =	swait.ge [sflag:s13], $0x800  }
0x1c6: {  	[sflag:s13] =	ssyncset.done $0x0  }
0x1c7: {  	[sflag:s13] =	ssyncadd.s32 $0xFFFFF800  }
0x1c8: {  	[spmem:s3] =	stream.indirect.scatter.add.f32 [tilespmem:s15], [sflag:$0x2], $0x10, s29, s0, $0xb8;
	[tilespmem:$0x1FD00] =	vst v63  }
0x1c9: {  	_ =	swait.ge [sflag:s13], $0x800  }
0x1ca: {  	[sflag:s13] =	ssyncset.done $0x0  }
0x1cb: {  	[sflag:s13] =	ssyncadd.s32 $0xFFFFF800  }
0x1cc: {  	[spmem:s3] =	stream.indirect.scatter.add.f32 [tilespmem:s15], [sflag:$0x2], $0x10, s30, s0, $0xb8;
	[tilespmem:$0x1FD00] =	vst v63  }
0x1cd: {  	_ =	swait.ge [sflag:s13], $0x800  }
0x1ce: {  	[sflag:s13] =	ssyncset.done $0x0  }
0x1cf: {  	[sflag:s13] =	ssyncadd.s32 $0xFFFFF800  }
0x1d0: {  	[spmem:s3] =	stream.indirect.scatter.add.f32 [tilespmem:s15], [sflag:$0x2], $0x10, s31, s0, $0xb8;
	[tilespmem:$0x1FD00] =	vst v63  }
0x1d1: {  	_ =	swait.ge [sflag:s13], $0x800  }
0x1d2: {  	[sflag:s13] =	ssyncset.done $0x0  }
0x1d3: {  	[sflag:s13] =	ssyncadd.s32 $0xFFFFF800  }
0x1d4: {  	[spmem:s3] =	stream.indirect.scatter.add.f32 [tilespmem:s15], [sflag:$0x2], $0x10, s1, s0, $0xb8;
	[tilespmem:$0x1FD00] =	vst v63  }
0x1d5: {  	_ =	swait.ge [sflag:s13], $0x800  }
0x1d6: {  	[sflag:s13] =	ssyncset.done $0x0  }
0x1d7: {  	[sflag:s13] =	ssyncadd.s32 $0xFFFFF800  }
0x1d8: {  	[bflag:$0x0] =	sbarrier.arrive $0xFFFF  }
0x1d9: {  	s8 =	sld [smem:$0x7F8]  }
0x1da: {  	s9 =	sld [smem:$0x7F7];
	_ =	sdelay $0x1  }
0x1db: {  	s14 =	rddreg [dreg:$0x10]  }
0x1dc: {  	[hbm:s14], [sflag:s8] =	dma.local [spmem:s9], $0x1900  }
0x1dd: {  	_ =	swait.ge [sflag:s13], $0x1900  }
0x1de: {  	s14 =	sld [smem:$0x7F6]  }
0x1df: {  	[sflag:s13] =	ssyncset.done $0x0  }
0x1e0: {  	s12 =	rddreg [dreg:$0x12];
	[sflag:s13] =	ssyncadd.s32 $0xFFFFE700  }
0x1e1: {  	[hbm:s12], [sflag:s8] =	dma.local [spmem:s14], $0x1900  }
0x1e2: {  	_ =	swait.ge [sflag:s13], $0x1900  }
0x1e3: {  	s12 =	sld [smem:$0x7FA];
	_ =	sdelay $0x2  }
0x1e4: {  	s14 =	rddreg [dreg:$0x13];
	s8 =	sadd.s32 $0x1, s12  }
0x1e5: {  	p0 =	sne.s32 s8, s14  }
.Ltmp3:
0x1e6: {  	_ = 	snop;
	(pc) =	sbr.rel @p0 .LBB2_1-.Ltmp3, $3  }
0x1e7: {  	_ =	sdelay $0x1  }
0x1e8: {  	[sflag:s13] =	ssyncset.done $0x0  }
0x1e9: {  	[sflag:s13] =	ssyncadd.s32 $0xFFFFE700  }
0x1ea: {  	_ =	sfence.sel $0x180000  }
0x1eb: {  	[bflag:$0x0] =	sbarrier.arrive $0xFFFF  }
0x1ec: {  	_ =	strace $0x9000004A  }
0x1ed: {  	s0 =	stileid.u32;
	[bflag:$0x2] =	sbarrier.arrive $0xFFFF  }
0x1ee: {  	p0 =	sne.s32 s0, $0x0;
	s0 =	rddreg [dreg:$0x2]  }
0x1ef: {  	s0 =	sadd.s32 @!p0 $0x100000, s0  }
0x1f0: {  	[sflag:s0] =	ssyncadd.tile.s32 @!p0 $0x1;
	_ =	shalt  }
.Lfunc_end2:
_tile_overlayer_lowered:
.L_overlay_start_2:
0x1f1: {  	(tag) =	ssettag $0x2  }
0x1f2: {  	s0 =	rddreg [dreg:$0x0];
	s2 =	stileid.u32  }
0x1f3: {  	s1 =	rddreg [dreg:$0x1];
	p0 =	sne.s32 s2, $0x0  }
0x1f4: {  	s3 =	rddreg [dreg:$0x2];
	[bflag:$0x3] =	sbarrier.arrive $0xFFFF;
	s2 =	simm.s32 @!p0 $0x1C02  }
0x1f5: {  	[timem:s3], [sflag:s2] =	dma.local @!p0 [hbm:s0], s1  }
0x1f6: {  	s0 =	simm.s32 @!p0 $0x2  }
0x1f7: {  	_ =	swait.ge @!p0 [sflag:s0], s1  }
0x1f8: {  	s1 =	ssub.s32 @!p0 $0x0, s1;
	[sflag:s0] =	ssyncset.done @!p0 $0x0  }
0x1f9: {  	[sflag:s0] =	ssyncadd.s32 @!p0 s1  }
0x1fa: {  	[bflag:$0x3] =	sbarrier.arrive $0xFFFF  }
0x1fb: {  	_ =	shalt  }

</sc_bundles>
